<compile_context>
chip_gen: v7x
topology: tpu7x:2x2x1
jax: 0.10.2.dev20260603
libtpu: 0.0.44.dev20260713+nightly
codegen_flags: <defaults>
</compile_context>

<pallas_src>
import jax
import jax.numpy as jnp
from jax import lax
from jax.experimental import pallas as pl
from jax.experimental.pallas import tpu as pltpu
from jax.experimental.pallas import tpu_sc as plsc
import functools

N_CORES = 2
N_SUBCORES = 16
NW = N_CORES * N_SUBCORES
BLK = 448
G = 4
L = 16


def _build_gather(N: int, k0: int, k1: int, C: int):
    K = k1 - k0
    nt_full, n_part = divmod(N, BLK)
    n_units = nt_full * K
    n_base, rem = divmod(n_units, NW)
    n_groups = n_base // G
    n_main = n_groups * G
    assert n_part % 8 == 0 and K <= NW

    mesh = plsc.VectorSubcoreMesh(
        core_axis_name="c", subcore_axis_name="s",
        num_cores=N_CORES, num_subcores=N_SUBCORES)

    @functools.partial(
        pl.kernel,
        out_type=jax.ShapeDtypeStruct((K, C, N), jnp.float32),
        mesh=mesh,
        scratch_types=[
            pltpu.VMEM((G, BLK), jnp.int32),
            pltpu.VMEM((G, BLK, C), jnp.float32),
            pltpu.VMEM((G, C, BLK + 1), jnp.float32),
            pltpu.SemaphoreType.DMA((G,)),
            pltpu.SemaphoreType.DMA((G,)),
        ],
        compiler_params=pltpu.CompilerParams(use_tc_tiling_on_sc=False, needs_layout_passes=False),
    )
    def gather_kernel(table_hbm, idxt_hbm, outt_hbm, idx_v, rows_v,
                      pan_v, sem_g, sem_s):
        wid = lax.axis_index("s") * N_CORES + lax.axis_index("c")
        n_my = n_base + (wid < rem).astype(jnp.int32)
        lane = lax.iota(jnp.int32, L)

        def unit_kn(u):
            return u % K, (u // K) * BLK

        def start_unit(b, u):
            k, n0 = unit_kn(u)
            pltpu.sync_copy(idxt_hbm.at[k0 + k, pl.ds(n0, BLK)], idx_v.at[b])

            @plsc.parallel_loop(0, BLK // L, unroll=4)
            def remap(t):
                sl = pl.ds(t * L, L)
                idx_v[b, sl] = idx_v[b, sl] + 1

            pltpu.async_copy(table_hbm.at[idx_v.at[b]], rows_v.at[b],
                             sem_g.at[b])

        c_idx = [lane + h * L for h in range(C // L)]

        def transpose_unit(b, nb):
            @plsc.parallel_loop(0, nb, unroll=4)
            def node(n):
                nvec = jnp.full((L,), n, jnp.int32)
                for h in range(C // L):
                    vals = rows_v[b, n, pl.ds(h * L, L)]
                    plsc.store_scatter(pan_v.at[b], [c_idx[h], nvec], vals)

        def panel_copy(u, b):
            k, n0 = unit_kn(u)
            return pltpu.make_async_copy(
                pan_v.at[b, :, pl.ds(0, BLK)],
                outt_hbm.at[k, :, pl.ds(n0, BLK)], sem_s.at[b])

        def group(j, carry):
            for b in range(G):
                u = wid + (j * G + b) * NW

                @pl.when(j > 0)
                def _():
                    panel_copy(u, b).wait()

                start_unit(b, u)
            for b in range(G):
                u = wid + (j * G + b) * NW
                pltpu.make_async_copy(table_hbm.at[idx_v.at[b]],
                                      rows_v.at[b], sem_g.at[b]).wait()
                transpose_unit(b, BLK)
                panel_copy(u, b).start()
            return carry

        lax.fori_loop(0, n_groups, group, 0, unroll=False)

        for b in range(G):
            pltpu.make_async_copy(
                pan_v.at[b, :, pl.ds(0, BLK)],
                outt_hbm.at[0, :, pl.ds(0, BLK)], sem_s.at[b]).wait()

        def leftover(j, carry):
            u = wid + j * NW
            start_unit(0, u)
            pltpu.make_async_copy(table_hbm.at[idx_v.at[0]],
                                  rows_v.at[0], sem_g.at[0]).wait()
            transpose_unit(0, BLK)
            k, n0 = unit_kn(u)
            pltpu.sync_copy(pan_v.at[0, :, pl.ds(0, BLK)],
                            outt_hbm.at[k, :, pl.ds(n0, BLK)])
            return carry

        lax.fori_loop(n_main, n_my, leftover, 0, unroll=False)

        if n_part:
            @pl.when(wid < K)
            def _():
                k = wid
                n0 = nt_full * BLK
                pltpu.sync_copy(idxt_hbm.at[k0 + k, pl.ds(n0, n_part)],
                                idx_v.at[0, pl.ds(0, n_part)])

                @plsc.parallel_loop(0, n_part // L, unroll=4)
                def remapp(t):
                    sl = pl.ds(t * L, L)
                    idx_v[0, sl] = idx_v[0, sl] + 1
                pltpu.async_copy(
                    table_hbm.at[idx_v.at[0, pl.ds(0, n_part)]],
                    rows_v.at[0, pl.ds(0, n_part)], sem_g.at[0]).wait()

                @plsc.parallel_loop(0, n_part, unroll=4)
                def nodep(n):
                    nvec = jnp.full((L,), n, jnp.int32)
                    for h in range(C // L):
                        vals = rows_v[0, n, pl.ds(h * L, L)]
                        plsc.store_scatter(pan_v.at[0], [c_idx[h], nvec], vals)
                pltpu.sync_copy(pan_v.at[0, :, pl.ds(0, n_part)],
                                outt_hbm.at[k, :, pl.ds(n0, n_part)])

    return gather_kernel


N_PARTS = 1


def kernel(data, neigh, depth):
    n, k = neigh.shape
    c = data.shape[1]
    table = jnp.concatenate([jnp.zeros((1, c), data.dtype), data], axis=0)
    idxt = neigh.T.astype(jnp.int32)
    bounds = [round(i * k / N_PARTS) for i in range(N_PARTS + 1)]
    parts = []
    for k0, k1 in zip(bounds[:-1], bounds[1:]):
        outt = _build_gather(n, k0, k1, c)(table, idxt)
        parts.append(jnp.transpose(outt, (2, 0, 1)))
    return parts[0] if len(parts) == 1 else jnp.concatenate(parts, axis=1)

# --- scband reference (transcript-rebuilt; emitter-appended) ---
"""Pipeline reference for scband-octree2-col-11854109737086 (READ-ONLY COPY).

The authoritative reference and input builder live on the scoring server;
editing this copy changes nothing except your own understanding.
"""

import jax, jax.numpy as jnp
import numpy as np

N_NODES = 50000
K = 27  # kernel_size '333' -> 3*3*3 neighbors
C = 32

def setup_inputs(seed: int = 0) -> dict:
    key = jax.random.key(seed)
    k1, k2 = jax.random.split(key)
    data = jax.random.normal(k1, (N_NODES, C), dtype=jnp.float32)
    # Octree neighbor table: values in [-1, N_NODES); -1 marks empty/missing neighbors
    # (stands in for octree.get_neigh(depth, '333', stride=1, nempty=False)).
    neigh = jax.random.randint(k2, (N_NODES, K), -1, N_NODES, dtype=jnp.int64)
    return {"data": data, "neigh": neigh, "depth": 5}

def reference(data, neigh, depth):
    # out = zeros([N, K, C]); valid = neigh >= 0; out[valid] = data[neigh[valid]]
    valid = neigh >= 0
    safe_idx = jnp.where(valid, neigh, 0)
    gathered = jnp.take(data, safe_idx, axis=0)  # [N, K, C]
    out = jnp.where(valid[:, :, None], gathered, jnp.zeros((), dtype=data.dtype))
    return out

if __name__ == "__main__":
    import jax
    _d = setup_inputs()
    print(jax.jit(kernel)(*tuple(_d.values())))

</pallas_src>

<mosaic_0001>
#map = affine_map<(d0, d1) -> (0, 0)>
#map1 = affine_map<(d0, d1) -> (0, 0, 0)>
module attributes {stable_mosaic.version = 14 : i64} {
  func.func @gather_kernel(%arg0: i32, %arg1: i32, %arg2: memref<50001x32xf32, #tpu.memory_space<hbm>>, %arg3: memref<27x50000xi32, #tpu.memory_space<hbm>>, %arg4: memref<27x32x50000xf32, #tpu.memory_space<hbm>>, %arg5: memref<4x448xi32, #tpu.memory_space<vmem>>, %arg6: memref<4x448x32xf32, #tpu.memory_space<vmem>>, %arg7: memref<4x32x449xf32, #tpu.memory_space<vmem>>, %arg8: memref<4x!tpu.dma_semaphore, #tpu.memory_space<semaphore_mem>>, %arg9: memref<4x!tpu.dma_semaphore, #tpu.memory_space<semaphore_mem>>) attributes {dimension_semantics = [#tpu.dimension_semantics<core_parallel>, #tpu.dimension_semantics<subcore_parallel>], iteration_bounds = array<i64: 2, 16>, scalar_prefetch = 0 : i64, scratch_operands = 5 : i64, tpu.core_type = #tpu.core_type<sc_vector_subcore>, window_params = [{transform_indices = #map}, {transform_indices = #map}, {transform_indices = #map1}]} {
    %mul3A = arith.constant 2 : i32
    %mul3A_0 = arith.muli %arg1, %mul3A : i32
    %add3A = arith.addi %mul3A_0, %arg0 : i32
    %lt3A = arith.constant 21 : i32
    %lt3A_1 = arith.cmpi slt, %add3A, %lt3A : i32
    %convert_element_type3A = arith.extui %lt3A_1 : i1 to i32
    %add3A_2 = arith.constant 93 : i32
    %add3A_3 = arith.addi %add3A_2, %convert_element_type3A : i32
    %iota3A = tpu.iota {dimensions = array<i32: 0>} : vector<16xi32>
    %add3A_4 = arith.constant 0 : i32
    %add3A_5 = vector.broadcast %add3A_4 : i32 to vector<16xi32>
    %add3A_6 = arith.addi %iota3A, %add3A_5 : vector<16xi32>
    %add3A_7 = arith.constant 16 : i32
    %add3A_8 = vector.broadcast %add3A_7 : i32 to vector<16xi32>
    %add3A_9 = arith.addi %iota3A, %add3A_8 : vector<16xi32>
    %scan3A = arith.constant 0 : i32
    %scan3A_10 = arith.constant 0 : i32
    %scan3A_11 = arith.constant 23 : i32
    %scan3A_12 = arith.addi %scan3A_10, %scan3A_11 : i32
    %scan3A_13 = arith.constant 1 : i32
    scf.for %scan3A_111 = %scan3A_10 to %scan3A_12 step %scan3A_13  : i32 {
      %mul3A_112 = arith.constant 4 : i32
      %mul3A_113 = arith.muli %scan3A_111, %mul3A_112 : i32
      %add3A_114 = arith.constant 0 : i32
      %add3A_115 = arith.addi %mul3A_113, %add3A_114 : i32
      %mul3A_116 = arith.constant 32 : i32
      %mul3A_117 = arith.muli %add3A_115, %mul3A_116 : i32
      %add3A_118 = arith.addi %add3A, %mul3A_117 : i32
      %gt3A = arith.constant 0 : i32
      %gt3A_119 = arith.cmpi sgt, %scan3A_111, %gt3A : i32
      %convert_element_type3A_120 = arith.extui %gt3A_119 : i1 to i32
      %cond3A_121 = arith.constant 0 : i32
      %cond3A_122 = arith.cmpi ne, %convert_element_type3A_120, %cond3A_121 : i32
      scf.if %cond3A_122 {
        %jit3A_739 = arith.constant 27 : i32
        %eq3A_740 = arith.constant 0 : i32
        %eq3A_741 = arith.cmpi eq, %jit3A_739, %eq3A_740 : i32
        %jit3A_742 = arith.constant 1 : i32
        %select_n3A_743 = arith.select %eq3A_741, %jit3A_742, %jit3A_739 : i32
        %rem3A_744 = arith.remsi %add3A_118, %select_n3A_743 : i32
        %ne3A_745 = arith.constant 0 : i32
        %ne3A_746 = arith.cmpi ne, %rem3A_744, %ne3A_745 : i32
        %lt3A_747 = arith.constant 0 : i32
        %lt3A_748 = arith.cmpi slt, %rem3A_744, %lt3A_747 : i32
        %lt3A_749 = arith.constant 0 : i32
        %lt3A_750 = arith.cmpi slt, %select_n3A_743, %lt3A_749 : i32
        %ne3A_751 = arith.xori %lt3A_748, %lt3A_750 : i1
        %and3A_752 = arith.andi %ne3A_751, %ne3A_746 : i1
        %add3A_753 = arith.addi %rem3A_744, %select_n3A_743 : i32
        %select_n3A_754 = arith.select %and3A_752, %add3A_753, %rem3A_744 : i32
        %jit3A_755 = arith.constant 27 : i32
        %div3A_756 = arith.divsi %add3A_118, %jit3A_755 : i32
        %sign3A_757 = arith.constant 0 : i32
        %sign3A_758 = arith.cmpi sgt, %add3A_118, %sign3A_757 : i32
        %sign3A_759 = arith.extui %sign3A_758 : i1 to i32
        %sign3A_760 = arith.constant 0 : i32
        %sign3A_761 = arith.cmpi slt, %add3A_118, %sign3A_760 : i32
        %sign3A_762 = arith.extui %sign3A_761 : i1 to i32
        %sign3A_763 = arith.subi %sign3A_759, %sign3A_762 : i32
        %sign3A_764 = arith.constant 0 : i32
        %sign3A_765 = arith.cmpi sgt, %jit3A_755, %sign3A_764 : i32
        %sign3A_766 = arith.extui %sign3A_765 : i1 to i32
        %sign3A_767 = arith.constant 0 : i32
        %sign3A_768 = arith.cmpi slt, %jit3A_755, %sign3A_767 : i32
        %sign3A_769 = arith.extui %sign3A_768 : i1 to i32
        %sign3A_770 = arith.subi %sign3A_766, %sign3A_769 : i32
        %ne3A_771 = arith.cmpi ne, %sign3A_763, %sign3A_770 : i32
        %rem3A_772 = arith.remsi %add3A_118, %jit3A_755 : i32
        %ne3A_773 = arith.constant 0 : i32
        %ne3A_774 = arith.cmpi ne, %rem3A_772, %ne3A_773 : i32
        %and3A_775 = arith.andi %ne3A_771, %ne3A_774 : i1
        %sub3A_776 = arith.constant 1 : i32
        %sub3A_777 = arith.subi %div3A_756, %sub3A_776 : i32
        %select_n3A_778 = arith.select %and3A_775, %sub3A_777, %div3A_756 : i32
        %mul3A_779 = arith.constant 448 : i32
        %mul3A_780 = arith.muli %select_n3A_778, %mul3A_779 : i32
        %dma_wait3A_781 = arith.constant 0 : i32
        %dma_wait3A_782 = arith.constant 0 : i32
        %dma_wait3A_783 = arith.constant 0 : i32
        %dma_wait3A_784 = arith.constant 0 : i32
        %dma_wait3A_785 = tpu.memref_slice %arg7[%dma_wait3A_781, %dma_wait3A_783, %dma_wait3A_784] : memref<4x32x449xf32, #tpu.memory_space<vmem>> -> memref<1x32x448xf32, #tpu.memory_space<vmem>>
        %dma_wait3A_786 = tpu.memref_squeeze %dma_wait3A_785 : memref<1x32x448xf32, #tpu.memory_space<vmem>> -> memref<32x448xf32, #tpu.memory_space<vmem>>
        %dma_wait3A_787 = arith.constant 0 : i32
        %dma_wait3A_788 = tpu.memref_slice %arg4[%select_n3A_754, %dma_wait3A_787, %mul3A_780] : memref<27x32x50000xf32, #tpu.memory_space<hbm>> -> memref<1x32x448xf32, #tpu.memory_space<hbm>>
        %dma_wait3A_789 = tpu.memref_squeeze %dma_wait3A_788 : memref<1x32x448xf32, #tpu.memory_space<hbm>> -> memref<32x448xf32, #tpu.memory_space<hbm>>
        %dma_wait3A_790 = tpu.memref_slice %arg9[%dma_wait3A_782] : memref<4x!tpu.dma_semaphore, #tpu.memory_space<semaphore_mem>> -> memref<1x!tpu.dma_semaphore, #tpu.memory_space<semaphore_mem>>
        %dma_wait3A_791 = tpu.memref_squeeze %dma_wait3A_790 : memref<1x!tpu.dma_semaphore, #tpu.memory_space<semaphore_mem>> -> memref<!tpu.dma_semaphore, #tpu.memory_space<semaphore_mem>>
        %dma_wait3A_792 = arith.constant 0 : i32
        %dma_wait3A_793 = tpu.memref_slice %arg4[%select_n3A_754, %dma_wait3A_792, %mul3A_780] : memref<27x32x50000xf32, #tpu.memory_space<hbm>> -> memref<1x32x448xf32, #tpu.memory_space<hbm>>
        %dma_wait3A_794 = tpu.memref_squeeze %dma_wait3A_793 : memref<1x32x448xf32, #tpu.memory_space<hbm>> -> memref<32x448xf32, #tpu.memory_space<hbm>>
        %dma_wait3A_795 = arith.constant 0 : i32
        %dma_wait3A_796 = arith.constant 0 : i32
        %dma_wait3A_797 = tpu.memref_slice %arg7[%dma_wait3A_781, %dma_wait3A_795, %dma_wait3A_796] : memref<4x32x449xf32, #tpu.memory_space<vmem>> -> memref<1x32x448xf32, #tpu.memory_space<vmem>>
        %dma_wait3A_798 = tpu.memref_squeeze %dma_wait3A_797 : memref<1x32x448xf32, #tpu.memory_space<vmem>> -> memref<32x448xf32, #tpu.memory_space<vmem>>
        tpu.wait_dma2 semaphore(%dma_wait3A_791 : memref<!tpu.dma_semaphore, #tpu.memory_space<semaphore_mem>>) src(%dma_wait3A_798 : memref<32x448xf32, #tpu.memory_space<vmem>>) dst(%dma_wait3A_794 : memref<32x448xf32, #tpu.memory_space<hbm>>)
      } else {
      }
      %jit3A = arith.constant 27 : i32
      %eq3A = arith.constant 0 : i32
      %eq3A_123 = arith.cmpi eq, %jit3A, %eq3A : i32
      %jit3A_124 = arith.constant 1 : i32
      %select_n3A = arith.select %eq3A_123, %jit3A_124, %jit3A : i32
      %rem3A = arith.remsi %add3A_118, %select_n3A : i32
      %ne3A = arith.constant 0 : i32
      %ne3A_125 = arith.cmpi ne, %rem3A, %ne3A : i32
      %lt3A_126 = arith.constant 0 : i32
      %lt3A_127 = arith.cmpi slt, %rem3A, %lt3A_126 : i32
      %lt3A_128 = arith.constant 0 : i32
      %lt3A_129 = arith.cmpi slt, %select_n3A, %lt3A_128 : i32
      %ne3A_130 = arith.xori %lt3A_127, %lt3A_129 : i1
      %and3A = arith.andi %ne3A_130, %ne3A_125 : i1
      %add3A_131 = arith.addi %rem3A, %select_n3A : i32
      %select_n3A_132 = arith.select %and3A, %add3A_131, %rem3A : i32
      %jit3A_133 = arith.constant 27 : i32
      %div3A = arith.divsi %add3A_118, %jit3A_133 : i32
      %sign3A = arith.constant 0 : i32
      %sign3A_134 = arith.cmpi sgt, %add3A_118, %sign3A : i32
      %sign3A_135 = arith.extui %sign3A_134 : i1 to i32
      %sign3A_136 = arith.constant 0 : i32
      %sign3A_137 = arith.cmpi slt, %add3A_118, %sign3A_136 : i32
      %sign3A_138 = arith.extui %sign3A_137 : i1 to i32
      %sign3A_139 = arith.subi %sign3A_135, %sign3A_138 : i32
      %sign3A_140 = arith.constant 0 : i32
      %sign3A_141 = arith.cmpi sgt, %jit3A_133, %sign3A_140 : i32
      %sign3A_142 = arith.extui %sign3A_141 : i1 to i32
      %sign3A_143 = arith.constant 0 : i32
      %sign3A_144 = arith.cmpi slt, %jit3A_133, %sign3A_143 : i32
      %sign3A_145 = arith.extui %sign3A_144 : i1 to i32
      %sign3A_146 = arith.subi %sign3A_142, %sign3A_145 : i32
      %ne3A_147 = arith.cmpi ne, %sign3A_139, %sign3A_146 : i32
      %rem3A_148 = arith.remsi %add3A_118, %jit3A_133 : i32
      %ne3A_149 = arith.constant 0 : i32
      %ne3A_150 = arith.cmpi ne, %rem3A_148, %ne3A_149 : i32
      %and3A_151 = arith.andi %ne3A_147, %ne3A_150 : i1
      %sub3A = arith.constant 1 : i32
      %sub3A_152 = arith.subi %div3A, %sub3A : i32
      %select_n3A_153 = arith.select %and3A_151, %sub3A_152, %div3A : i32
      %mul3A_154 = arith.constant 448 : i32
      %mul3A_155 = arith.muli %select_n3A_153, %mul3A_154 : i32
      %add3A_156 = arith.constant 0 : i32
      %add3A_157 = arith.addi %add3A_156, %select_n3A_132 : i32
      %run_scoped3A = arith.constant 0 : i32
      "tpu.region"() ({
        %run_scoped3A_739 = tpu.sem_alloc : memref<!tpu.dma_semaphore, #tpu.memory_space<semaphore_mem>>
        %dma_start3A_740 = arith.constant 0 : i32
        %dma_start3A_741 = tpu.memref_slice %arg5[%run_scoped3A, %dma_start3A_740] : memref<4x448xi32, #tpu.memory_space<vmem>> -> memref<1x448xi32, #tpu.memory_space<vmem>>
        %dma_start3A_742 = tpu.memref_squeeze %dma_start3A_741 : memref<1x448xi32, #tpu.memory_space<vmem>> -> memref<448xi32, #tpu.memory_space<vmem>>
        %dma_start3A_743 = tpu.memref_slice %arg3[%add3A_157, %mul3A_155] : memref<27x50000xi32, #tpu.memory_space<hbm>> -> memref<1x448xi32, #tpu.memory_space<hbm>>
        %dma_start3A_744 = tpu.memref_squeeze %dma_start3A_743 : memref<1x448xi32, #tpu.memory_space<hbm>> -> memref<448xi32, #tpu.memory_space<hbm>>
        %dma_start3A_745 = arith.constant 0 : i32
        %dma_start3A_746 = tpu.memref_slice %arg5[%run_scoped3A, %dma_start3A_745] : memref<4x448xi32, #tpu.memory_space<vmem>> -> memref<1x448xi32, #tpu.memory_space<vmem>>
        %dma_start3A_747 = tpu.memref_squeeze %dma_start3A_746 : memref<1x448xi32, #tpu.memory_space<vmem>> -> memref<448xi32, #tpu.memory_space<vmem>>
        %dma_start3A_748 = tpu.memref_slice %arg3[%add3A_157, %mul3A_155] : memref<27x50000xi32, #tpu.memory_space<hbm>> -> memref<1x448xi32, #tpu.memory_space<hbm>>
        %dma_start3A_749 = tpu.memref_squeeze %dma_start3A_748 : memref<1x448xi32, #tpu.memory_space<hbm>> -> memref<448xi32, #tpu.memory_space<hbm>>
        tpu.enqueue_dma source(%dma_start3A_749 : memref<448xi32, #tpu.memory_space<hbm>>) target(%dma_start3A_747 : memref<448xi32, #tpu.memory_space<vmem>>) target_semaphore(%run_scoped3A_739 : memref<!tpu.dma_semaphore, #tpu.memory_space<semaphore_mem>>)
        %dma_wait3A_750 = arith.constant 0 : i32
        %dma_wait3A_751 = tpu.memref_slice %arg5[%run_scoped3A, %dma_wait3A_750] : memref<4x448xi32, #tpu.memory_space<vmem>> -> memref<1x448xi32, #tpu.memory_space<vmem>>
        %dma_wait3A_752 = tpu.memref_squeeze %dma_wait3A_751 : memref<1x448xi32, #tpu.memory_space<vmem>> -> memref<448xi32, #tpu.memory_space<vmem>>
        %dma_wait3A_753 = tpu.memref_slice %arg3[%add3A_157, %mul3A_155] : memref<27x50000xi32, #tpu.memory_space<hbm>> -> memref<1x448xi32, #tpu.memory_space<hbm>>
        %dma_wait3A_754 = tpu.memref_squeeze %dma_wait3A_753 : memref<1x448xi32, #tpu.memory_space<hbm>> -> memref<448xi32, #tpu.memory_space<hbm>>
        %dma_wait3A_755 = arith.constant 0 : i32
        %dma_wait3A_756 = tpu.memref_slice %arg5[%run_scoped3A, %dma_wait3A_755] : memref<4x448xi32, #tpu.memory_space<vmem>> -> memref<1x448xi32, #tpu.memory_space<vmem>>
        %dma_wait3A_757 = tpu.memref_squeeze %dma_wait3A_756 : memref<1x448xi32, #tpu.memory_space<vmem>> -> memref<448xi32, #tpu.memory_space<vmem>>
        %dma_wait3A_758 = tpu.memref_slice %arg3[%add3A_157, %mul3A_155] : memref<27x50000xi32, #tpu.memory_space<hbm>> -> memref<1x448xi32, #tpu.memory_space<hbm>>
        %dma_wait3A_759 = tpu.memref_squeeze %dma_wait3A_758 : memref<1x448xi32, #tpu.memory_space<hbm>> -> memref<448xi32, #tpu.memory_space<hbm>>
        tpu.wait_dma2 semaphore(%run_scoped3A_739 : memref<!tpu.dma_semaphore, #tpu.memory_space<semaphore_mem>>) src(%dma_wait3A_759 : memref<448xi32, #tpu.memory_space<hbm>>) dst(%dma_wait3A_757 : memref<448xi32, #tpu.memory_space<vmem>>)
        tpu.yield
      }) : () -> ()
      %parallel_loop3A = arith.constant 0 : i32
      %parallel_loop3A_158 = arith.constant 28 : i32
      %parallel_loop3A_159 = arith.constant 1 : i32
      scf.for %parallel_loop3A_739 = %parallel_loop3A to %parallel_loop3A_158 step %parallel_loop3A_159  : i32 {
        %parallel_loop3A_740 = arith.constant 16 : i32
        %parallel_loop3A_741 = arith.muli %parallel_loop3A_739, %parallel_loop3A_740 : i32
        %parallel_loop3A_742 = arith.constant 0 : i32
        %parallel_loop3A_743 = arith.index_cast %parallel_loop3A_742 : i32 to index
        %parallel_loop3A_744 = arith.index_cast %parallel_loop3A_741 : i32 to index
        %parallel_loop3A_745 = tpu.vector_load %arg5[%parallel_loop3A_743, %parallel_loop3A_744] {strides = array<i32>} : memref<4x448xi32, #tpu.memory_space<vmem>>, vector<16xi32>,
        %parallel_loop3A_746 = arith.constant 1 : i32
        %parallel_loop3A_747 = vector.broadcast %parallel_loop3A_746 : i32 to vector<16xi32>
        %parallel_loop3A_748 = arith.addi %parallel_loop3A_745, %parallel_loop3A_747 : vector<16xi32>
        %parallel_loop3A_749 = arith.constant 0 : i32
        %parallel_loop3A_750 = arith.index_cast %parallel_loop3A_749 : i32 to index
        %parallel_loop3A_751 = arith.index_cast %parallel_loop3A_741 : i32 to index
        %parallel_loop3A_752 = tpu.vector_load %arg5[%parallel_loop3A_750, %parallel_loop3A_751] {strides = array<i32>} : memref<4x448xi32, #tpu.memory_space<vmem>>, vector<16xi32>,
        tpu.vector_store %arg5[%parallel_loop3A_750, %parallel_loop3A_751], %parallel_loop3A_748 {strides = array<i32>} : memref<4x448xi32, #tpu.memory_space<vmem>>, vector<16xi32>,
      } {sc.loop_unroll_factor = 4 : i64, sc.parallel_access}
      %dma_start3A = arith.constant 0 : i32
      %dma_start3A_160 = arith.constant 0 : i32
      %dma_start3A_161 = arith.constant 0 : i32
      %dma_start3A_162 = arith.constant 0 : i32
      %dma_start3A_163 = arith.constant 0 : i32
      %dma_start3A_164 = tpu.memref_slice %arg6[%dma_start3A_160, %dma_start3A_162, %dma_start3A_163] : memref<4x448x32xf32, #tpu.memory_space<vmem>> -> memref<1x448x32xf32, #tpu.memory_space<vmem>>
      %dma_start3A_165 = tpu.memref_squeeze %dma_start3A_164 : memref<1x448x32xf32, #tpu.memory_space<vmem>> -> memref<448x32xf32, #tpu.memory_space<vmem>>
      %dma_start3A_166 = arith.constant 0 : i32
      %dma_start3A_167 = tpu.memref_slice %arg5[%dma_start3A, %dma_start3A_166] : memref<4x448xi32, #tpu.memory_space<vmem>> -> memref<1x448xi32, #tpu.memory_space<vmem>>
      %dma_start3A_168 = tpu.memref_squeeze %dma_start3A_167 : memref<1x448xi32, #tpu.memory_space<vmem>> -> memref<448xi32, #tpu.memory_space<vmem>>
      %dma_start3A_169 = arith.constant 0 : i32
      %dma_start3A_170 = arith.constant 0 : i32
      %dma_start3A_171 = tpu.memref_slice %arg2[%dma_start3A_169, %dma_start3A_170] : memref<50001x32xf32, #tpu.memory_space<hbm>> -> memref<50001x32xf32, #tpu.memory_space<hbm>>
      %dma_start3A_172 = tpu.memref_slice %arg8[%dma_start3A_161] : memref<4x!tpu.dma_semaphore, #tpu.memory_space<semaphore_mem>> -> memref<1x!tpu.dma_semaphore, #tpu.memory_space<semaphore_mem>>
      %dma_start3A_173 = tpu.memref_squeeze %dma_start3A_172 : memref<1x!tpu.dma_semaphore, #tpu.memory_space<semaphore_mem>> -> memref<!tpu.dma_semaphore, #tpu.memory_space<semaphore_mem>>
      tpu.enqueue_indirect_dma source(%dma_start3A_171 : memref<50001x32xf32, #tpu.memory_space<hbm>>) target(%dma_start3A_165 : memref<448x32xf32, #tpu.memory_space<vmem>>) offsets(%dma_start3A_168 : memref<448xi32, #tpu.memory_space<vmem>>) semaphore(%dma_start3A_173 : memref<!tpu.dma_semaphore, #tpu.memory_space<semaphore_mem>>)
      %mul3A_174 = arith.constant 4 : i32
      %mul3A_175 = arith.muli %scan3A_111, %mul3A_174 : i32
      %add3A_176 = arith.constant 1 : i32
      %add3A_177 = arith.addi %mul3A_175, %add3A_176 : i32
      %mul3A_178 = arith.constant 32 : i32
      %mul3A_179 = arith.muli %add3A_177, %mul3A_178 : i32
      %add3A_180 = arith.addi %add3A, %mul3A_179 : i32
      %gt3A_181 = arith.constant 0 : i32
      %gt3A_182 = arith.cmpi sgt, %scan3A_111, %gt3A_181 : i32
      %convert_element_type3A_183 = arith.extui %gt3A_182 : i1 to i32
      %cond3A_184 = arith.constant 0 : i32
      %cond3A_185 = arith.cmpi ne, %convert_element_type3A_183, %cond3A_184 : i32
      scf.if %cond3A_185 {
        %jit3A_739 = arith.constant 27 : i32
        %eq3A_740 = arith.constant 0 : i32
        %eq3A_741 = arith.cmpi eq, %jit3A_739, %eq3A_740 : i32
        %jit3A_742 = arith.constant 1 : i32
        %select_n3A_743 = arith.select %eq3A_741, %jit3A_742, %jit3A_739 : i32
        %rem3A_744 = arith.remsi %add3A_180, %select_n3A_743 : i32
        %ne3A_745 = arith.constant 0 : i32
        %ne3A_746 = arith.cmpi ne, %rem3A_744, %ne3A_745 : i32
        %lt3A_747 = arith.constant 0 : i32
        %lt3A_748 = arith.cmpi slt, %rem3A_744, %lt3A_747 : i32
        %lt3A_749 = arith.constant 0 : i32
        %lt3A_750 = arith.cmpi slt, %select_n3A_743, %lt3A_749 : i32
        %ne3A_751 = arith.xori %lt3A_748, %lt3A_750 : i1
        %and3A_752 = arith.andi %ne3A_751, %ne3A_746 : i1
        %add3A_753 = arith.addi %rem3A_744, %select_n3A_743 : i32
        %select_n3A_754 = arith.select %and3A_752, %add3A_753, %rem3A_744 : i32
        %jit3A_755 = arith.constant 27 : i32
        %div3A_756 = arith.divsi %add3A_180, %jit3A_755 : i32
        %sign3A_757 = arith.constant 0 : i32
        %sign3A_758 = arith.cmpi sgt, %add3A_180, %sign3A_757 : i32
        %sign3A_759 = arith.extui %sign3A_758 : i1 to i32
        %sign3A_760 = arith.constant 0 : i32
        %sign3A_761 = arith.cmpi slt, %add3A_180, %sign3A_760 : i32
        %sign3A_762 = arith.extui %sign3A_761 : i1 to i32
        %sign3A_763 = arith.subi %sign3A_759, %sign3A_762 : i32
        %sign3A_764 = arith.constant 0 : i32
        %sign3A_765 = arith.cmpi sgt, %jit3A_755, %sign3A_764 : i32
        %sign3A_766 = arith.extui %sign3A_765 : i1 to i32
        %sign3A_767 = arith.constant 0 : i32
        %sign3A_768 = arith.cmpi slt, %jit3A_755, %sign3A_767 : i32
        %sign3A_769 = arith.extui %sign3A_768 : i1 to i32
        %sign3A_770 = arith.subi %sign3A_766, %sign3A_769 : i32
        %ne3A_771 = arith.cmpi ne, %sign3A_763, %sign3A_770 : i32
        %rem3A_772 = arith.remsi %add3A_180, %jit3A_755 : i32
        %ne3A_773 = arith.constant 0 : i32
        %ne3A_774 = arith.cmpi ne, %rem3A_772, %ne3A_773 : i32
        %and3A_775 = arith.andi %ne3A_771, %ne3A_774 : i1
        %sub3A_776 = arith.constant 1 : i32
        %sub3A_777 = arith.subi %div3A_756, %sub3A_776 : i32
        %select_n3A_778 = arith.select %and3A_775, %sub3A_777, %div3A_756 : i32
        %mul3A_779 = arith.constant 448 : i32
        %mul3A_780 = arith.muli %select_n3A_778, %mul3A_779 : i32
        %dma_wait3A_781 = arith.constant 1 : i32
        %dma_wait3A_782 = arith.constant 1 : i32
        %dma_wait3A_783 = arith.constant 0 : i32
        %dma_wait3A_784 = arith.constant 0 : i32
        %dma_wait3A_785 = tpu.memref_slice %arg7[%dma_wait3A_781, %dma_wait3A_783, %dma_wait3A_784] : memref<4x32x449xf32, #tpu.memory_space<vmem>> -> memref<1x32x448xf32, #tpu.memory_space<vmem>>
        %dma_wait3A_786 = tpu.memref_squeeze %dma_wait3A_785 : memref<1x32x448xf32, #tpu.memory_space<vmem>> -> memref<32x448xf32, #tpu.memory_space<vmem>>
        %dma_wait3A_787 = arith.constant 0 : i32
        %dma_wait3A_788 = tpu.memref_slice %arg4[%select_n3A_754, %dma_wait3A_787, %mul3A_780] : memref<27x32x50000xf32, #tpu.memory_space<hbm>> -> memref<1x32x448xf32, #tpu.memory_space<hbm>>
        %dma_wait3A_789 = tpu.memref_squeeze %dma_wait3A_788 : memref<1x32x448xf32, #tpu.memory_space<hbm>> -> memref<32x448xf32, #tpu.memory_space<hbm>>
        %dma_wait3A_790 = tpu.memref_slice %arg9[%dma_wait3A_782] : memref<4x!tpu.dma_semaphore, #tpu.memory_space<semaphore_mem>> -> memref<1x!tpu.dma_semaphore, #tpu.memory_space<semaphore_mem>>
        %dma_wait3A_791 = tpu.memref_squeeze %dma_wait3A_790 : memref<1x!tpu.dma_semaphore, #tpu.memory_space<semaphore_mem>> -> memref<!tpu.dma_semaphore, #tpu.memory_space<semaphore_mem>>
        %dma_wait3A_792 = arith.constant 0 : i32
        %dma_wait3A_793 = tpu.memref_slice %arg4[%select_n3A_754, %dma_wait3A_792, %mul3A_780] : memref<27x32x50000xf32, #tpu.memory_space<hbm>> -> memref<1x32x448xf32, #tpu.memory_space<hbm>>
        %dma_wait3A_794 = tpu.memref_squeeze %dma_wait3A_793 : memref<1x32x448xf32, #tpu.memory_space<hbm>> -> memref<32x448xf32, #tpu.memory_space<hbm>>
        %dma_wait3A_795 = arith.constant 0 : i32
        %dma_wait3A_796 = arith.constant 0 : i32
        %dma_wait3A_797 = tpu.memref_slice %arg7[%dma_wait3A_781, %dma_wait3A_795, %dma_wait3A_796] : memref<4x32x449xf32, #tpu.memory_space<vmem>> -> memref<1x32x448xf32, #tpu.memory_space<vmem>>
        %dma_wait3A_798 = tpu.memref_squeeze %dma_wait3A_797 : memref<1x32x448xf32, #tpu.memory_space<vmem>> -> memref<32x448xf32, #tpu.memory_space<vmem>>
        tpu.wait_dma2 semaphore(%dma_wait3A_791 : memref<!tpu.dma_semaphore, #tpu.memory_space<semaphore_mem>>) src(%dma_wait3A_798 : memref<32x448xf32, #tpu.memory_space<vmem>>) dst(%dma_wait3A_794 : memref<32x448xf32, #tpu.memory_space<hbm>>)
      } else {
      }
      %jit3A_186 = arith.constant 27 : i32
      %eq3A_187 = arith.constant 0 : i32
      %eq3A_188 = arith.cmpi eq, %jit3A_186, %eq3A_187 : i32
      %jit3A_189 = arith.constant 1 : i32
      %select_n3A_190 = arith.select %eq3A_188, %jit3A_189, %jit3A_186 : i32
      %rem3A_191 = arith.remsi %add3A_180, %select_n3A_190 : i32
      %ne3A_192 = arith.constant 0 : i32
      %ne3A_193 = arith.cmpi ne, %rem3A_191, %ne3A_192 : i32
      %lt3A_194 = arith.constant 0 : i32
      %lt3A_195 = arith.cmpi slt, %rem3A_191, %lt3A_194 : i32
      %lt3A_196 = arith.constant 0 : i32
      %lt3A_197 = arith.cmpi slt, %select_n3A_190, %lt3A_196 : i32
      %ne3A_198 = arith.xori %lt3A_195, %lt3A_197 : i1
      %and3A_199 = arith.andi %ne3A_198, %ne3A_193 : i1
      %add3A_200 = arith.addi %rem3A_191, %select_n3A_190 : i32
      %select_n3A_201 = arith.select %and3A_199, %add3A_200, %rem3A_191 : i32
      %jit3A_202 = arith.constant 27 : i32
      %div3A_203 = arith.divsi %add3A_180, %jit3A_202 : i32
      %sign3A_204 = arith.constant 0 : i32
      %sign3A_205 = arith.cmpi sgt, %add3A_180, %sign3A_204 : i32
      %sign3A_206 = arith.extui %sign3A_205 : i1 to i32
      %sign3A_207 = arith.constant 0 : i32
      %sign3A_208 = arith.cmpi slt, %add3A_180, %sign3A_207 : i32
      %sign3A_209 = arith.extui %sign3A_208 : i1 to i32
      %sign3A_210 = arith.subi %sign3A_206, %sign3A_209 : i32
      %sign3A_211 = arith.constant 0 : i32
      %sign3A_212 = arith.cmpi sgt, %jit3A_202, %sign3A_211 : i32
      %sign3A_213 = arith.extui %sign3A_212 : i1 to i32
      %sign3A_214 = arith.constant 0 : i32
      %sign3A_215 = arith.cmpi slt, %jit3A_202, %sign3A_214 : i32
      %sign3A_216 = arith.extui %sign3A_215 : i1 to i32
      %sign3A_217 = arith.subi %sign3A_213, %sign3A_216 : i32
      %ne3A_218 = arith.cmpi ne, %sign3A_210, %sign3A_217 : i32
      %rem3A_219 = arith.remsi %add3A_180, %jit3A_202 : i32
      %ne3A_220 = arith.constant 0 : i32
      %ne3A_221 = arith.cmpi ne, %rem3A_219, %ne3A_220 : i32
      %and3A_222 = arith.andi %ne3A_218, %ne3A_221 : i1
      %sub3A_223 = arith.constant 1 : i32
      %sub3A_224 = arith.subi %div3A_203, %sub3A_223 : i32
      %select_n3A_225 = arith.select %and3A_222, %sub3A_224, %div3A_203 : i32
      %mul3A_226 = arith.constant 448 : i32
      %mul3A_227 = arith.muli %select_n3A_225, %mul3A_226 : i32
      %add3A_228 = arith.constant 0 : i32
      %add3A_229 = arith.addi %add3A_228, %select_n3A_201 : i32
      %run_scoped3A_230 = arith.constant 1 : i32
      "tpu.region"() ({
        %run_scoped3A_739 = tpu.sem_alloc : memref<!tpu.dma_semaphore, #tpu.memory_space<semaphore_mem>>
        %dma_start3A_740 = arith.constant 0 : i32
        %dma_start3A_741 = tpu.memref_slice %arg5[%run_scoped3A_230, %dma_start3A_740] : memref<4x448xi32, #tpu.memory_space<vmem>> -> memref<1x448xi32, #tpu.memory_space<vmem>>
        %dma_start3A_742 = tpu.memref_squeeze %dma_start3A_741 : memref<1x448xi32, #tpu.memory_space<vmem>> -> memref<448xi32, #tpu.memory_space<vmem>>
        %dma_start3A_743 = tpu.memref_slice %arg3[%add3A_229, %mul3A_227] : memref<27x50000xi32, #tpu.memory_space<hbm>> -> memref<1x448xi32, #tpu.memory_space<hbm>>
        %dma_start3A_744 = tpu.memref_squeeze %dma_start3A_743 : memref<1x448xi32, #tpu.memory_space<hbm>> -> memref<448xi32, #tpu.memory_space<hbm>>
        %dma_start3A_745 = arith.constant 0 : i32
        %dma_start3A_746 = tpu.memref_slice %arg5[%run_scoped3A_230, %dma_start3A_745] : memref<4x448xi32, #tpu.memory_space<vmem>> -> memref<1x448xi32, #tpu.memory_space<vmem>>
        %dma_start3A_747 = tpu.memref_squeeze %dma_start3A_746 : memref<1x448xi32, #tpu.memory_space<vmem>> -> memref<448xi32, #tpu.memory_space<vmem>>
        %dma_start3A_748 = tpu.memref_slice %arg3[%add3A_229, %mul3A_227] : memref<27x50000xi32, #tpu.memory_space<hbm>> -> memref<1x448xi32, #tpu.memory_space<hbm>>
        %dma_start3A_749 = tpu.memref_squeeze %dma_start3A_748 : memref<1x448xi32, #tpu.memory_space<hbm>> -> memref<448xi32, #tpu.memory_space<hbm>>
        tpu.enqueue_dma source(%dma_start3A_749 : memref<448xi32, #tpu.memory_space<hbm>>) target(%dma_start3A_747 : memref<448xi32, #tpu.memory_space<vmem>>) target_semaphore(%run_scoped3A_739 : memref<!tpu.dma_semaphore, #tpu.memory_space<semaphore_mem>>)
        %dma_wait3A_750 = arith.constant 0 : i32
        %dma_wait3A_751 = tpu.memref_slice %arg5[%run_scoped3A_230, %dma_wait3A_750] : memref<4x448xi32, #tpu.memory_space<vmem>> -> memref<1x448xi32, #tpu.memory_space<vmem>>
        %dma_wait3A_752 = tpu.memref_squeeze %dma_wait3A_751 : memref<1x448xi32, #tpu.memory_space<vmem>> -> memref<448xi32, #tpu.memory_space<vmem>>
        %dma_wait3A_753 = tpu.memref_slice %arg3[%add3A_229, %mul3A_227] : memref<27x50000xi32, #tpu.memory_space<hbm>> -> memref<1x448xi32, #tpu.memory_space<hbm>>
        %dma_wait3A_754 = tpu.memref_squeeze %dma_wait3A_753 : memref<1x448xi32, #tpu.memory_space<hbm>> -> memref<448xi32, #tpu.memory_space<hbm>>
        %dma_wait3A_755 = arith.constant 0 : i32
        %dma_wait3A_756 = tpu.memref_slice %arg5[%run_scoped3A_230, %dma_wait3A_755] : memref<4x448xi32, #tpu.memory_space<vmem>> -> memref<1x448xi32, #tpu.memory_space<vmem>>
        %dma_wait3A_757 = tpu.memref_squeeze %dma_wait3A_756 : memref<1x448xi32, #tpu.memory_space<vmem>> -> memref<448xi32, #tpu.memory_space<vmem>>
        %dma_wait3A_758 = tpu.memref_slice %arg3[%add3A_229, %mul3A_227] : memref<27x50000xi32, #tpu.memory_space<hbm>> -> memref<1x448xi32, #tpu.memory_space<hbm>>
        %dma_wait3A_759 = tpu.memref_squeeze %dma_wait3A_758 : memref<1x448xi32, #tpu.memory_space<hbm>> -> memref<448xi32, #tpu.memory_space<hbm>>
        tpu.wait_dma2 semaphore(%run_scoped3A_739 : memref<!tpu.dma_semaphore, #tpu.memory_space<semaphore_mem>>) src(%dma_wait3A_759 : memref<448xi32, #tpu.memory_space<hbm>>) dst(%dma_wait3A_757 : memref<448xi32, #tpu.memory_space<vmem>>)
        tpu.yield
      }) : () -> ()
      %parallel_loop3A_231 = arith.constant 0 : i32
      %parallel_loop3A_232 = arith.constant 28 : i32
      %parallel_loop3A_233 = arith.constant 1 : i32
      scf.for %parallel_loop3A_739 = %parallel_loop3A_231 to %parallel_loop3A_232 step %parallel_loop3A_233  : i32 {
        %parallel_loop3A_740 = arith.constant 16 : i32
        %parallel_loop3A_741 = arith.muli %parallel_loop3A_739, %parallel_loop3A_740 : i32
        %parallel_loop3A_742 = arith.constant 1 : i32
        %parallel_loop3A_743 = arith.index_cast %parallel_loop3A_742 : i32 to index
        %parallel_loop3A_744 = arith.index_cast %parallel_loop3A_741 : i32 to index
        %parallel_loop3A_745 = tpu.vector_load %arg5[%parallel_loop3A_743, %parallel_loop3A_744] {strides = array<i32>} : memref<4x448xi32, #tpu.memory_space<vmem>>, vector<16xi32>,
        %parallel_loop3A_746 = arith.constant 1 : i32
        %parallel_loop3A_747 = vector.broadcast %parallel_loop3A_746 : i32 to vector<16xi32>
        %parallel_loop3A_748 = arith.addi %parallel_loop3A_745, %parallel_loop3A_747 : vector<16xi32>
        %parallel_loop3A_749 = arith.constant 1 : i32
        %parallel_loop3A_750 = arith.index_cast %parallel_loop3A_749 : i32 to index
        %parallel_loop3A_751 = arith.index_cast %parallel_loop3A_741 : i32 to index
        %parallel_loop3A_752 = tpu.vector_load %arg5[%parallel_loop3A_750, %parallel_loop3A_751] {strides = array<i32>} : memref<4x448xi32, #tpu.memory_space<vmem>>, vector<16xi32>,
        tpu.vector_store %arg5[%parallel_loop3A_750, %parallel_loop3A_751], %parallel_loop3A_748 {strides = array<i32>} : memref<4x448xi32, #tpu.memory_space<vmem>>, vector<16xi32>,
      } {sc.loop_unroll_factor = 4 : i64, sc.parallel_access}
      %dma_start3A_234 = arith.constant 1 : i32
      %dma_start3A_235 = arith.constant 1 : i32
      %dma_start3A_236 = arith.constant 1 : i32
      %dma_start3A_237 = arith.constant 0 : i32
      %dma_start3A_238 = arith.constant 0 : i32
      %dma_start3A_239 = tpu.memref_slice %arg6[%dma_start3A_235, %dma_start3A_237, %dma_start3A_238] : memref<4x448x32xf32, #tpu.memory_space<vmem>> -> memref<1x448x32xf32, #tpu.memory_space<vmem>>
      %dma_start3A_240 = tpu.memref_squeeze %dma_start3A_239 : memref<1x448x32xf32, #tpu.memory_space<vmem>> -> memref<448x32xf32, #tpu.memory_space<vmem>>
      %dma_start3A_241 = arith.constant 0 : i32
      %dma_start3A_242 = tpu.memref_slice %arg5[%dma_start3A_234, %dma_start3A_241] : memref<4x448xi32, #tpu.memory_space<vmem>> -> memref<1x448xi32, #tpu.memory_space<vmem>>
      %dma_start3A_243 = tpu.memref_squeeze %dma_start3A_242 : memref<1x448xi32, #tpu.memory_space<vmem>> -> memref<448xi32, #tpu.memory_space<vmem>>
      %dma_start3A_244 = arith.constant 0 : i32
      %dma_start3A_245 = arith.constant 0 : i32
      %dma_start3A_246 = tpu.memref_slice %arg2[%dma_start3A_244, %dma_start3A_245] : memref<50001x32xf32, #tpu.memory_space<hbm>> -> memref<50001x32xf32, #tpu.memory_space<hbm>>
      %dma_start3A_247 = tpu.memref_slice %arg8[%dma_start3A_236] : memref<4x!tpu.dma_semaphore, #tpu.memory_space<semaphore_mem>> -> memref<1x!tpu.dma_semaphore, #tpu.memory_space<semaphore_mem>>
      %dma_start3A_248 = tpu.memref_squeeze %dma_start3A_247 : memref<1x!tpu.dma_semaphore, #tpu.memory_space<semaphore_mem>> -> memref<!tpu.dma_semaphore, #tpu.memory_space<semaphore_mem>>
      tpu.enqueue_indirect_dma source(%dma_start3A_246 : memref<50001x32xf32, #tpu.memory_space<hbm>>) target(%dma_start3A_240 : memref<448x32xf32, #tpu.memory_space<vmem>>) offsets(%dma_start3A_243 : memref<448xi32, #tpu.memory_space<vmem>>) semaphore(%dma_start3A_248 : memref<!tpu.dma_semaphore, #tpu.memory_space<semaphore_mem>>)
      %mul3A_249 = arith.constant 4 : i32
      %mul3A_250 = arith.muli %scan3A_111, %mul3A_249 : i32
      %add3A_251 = arith.constant 2 : i32
      %add3A_252 = arith.addi %mul3A_250, %add3A_251 : i32
      %mul3A_253 = arith.constant 32 : i32
      %mul3A_254 = arith.muli %add3A_252, %mul3A_253 : i32
      %add3A_255 = arith.addi %add3A, %mul3A_254 : i32
      %gt3A_256 = arith.constant 0 : i32
      %gt3A_257 = arith.cmpi sgt, %scan3A_111, %gt3A_256 : i32
      %convert_element_type3A_258 = arith.extui %gt3A_257 : i1 to i32
      %cond3A_259 = arith.constant 0 : i32
      %cond3A_260 = arith.cmpi ne, %convert_element_type3A_258, %cond3A_259 : i32
      scf.if %cond3A_260 {
        %jit3A_739 = arith.constant 27 : i32
        %eq3A_740 = arith.constant 0 : i32
        %eq3A_741 = arith.cmpi eq, %jit3A_739, %eq3A_740 : i32
        %jit3A_742 = arith.constant 1 : i32
        %select_n3A_743 = arith.select %eq3A_741, %jit3A_742, %jit3A_739 : i32
        %rem3A_744 = arith.remsi %add3A_255, %select_n3A_743 : i32
        %ne3A_745 = arith.constant 0 : i32
        %ne3A_746 = arith.cmpi ne, %rem3A_744, %ne3A_745 : i32
        %lt3A_747 = arith.constant 0 : i32
        %lt3A_748 = arith.cmpi slt, %rem3A_744, %lt3A_747 : i32
        %lt3A_749 = arith.constant 0 : i32
        %lt3A_750 = arith.cmpi slt, %select_n3A_743, %lt3A_749 : i32
        %ne3A_751 = arith.xori %lt3A_748, %lt3A_750 : i1
        %and3A_752 = arith.andi %ne3A_751, %ne3A_746 : i1
        %add3A_753 = arith.addi %rem3A_744, %select_n3A_743 : i32
        %select_n3A_754 = arith.select %and3A_752, %add3A_753, %rem3A_744 : i32
        %jit3A_755 = arith.constant 27 : i32
        %div3A_756 = arith.divsi %add3A_255, %jit3A_755 : i32
        %sign3A_757 = arith.constant 0 : i32
        %sign3A_758 = arith.cmpi sgt, %add3A_255, %sign3A_757 : i32
        %sign3A_759 = arith.extui %sign3A_758 : i1 to i32
        %sign3A_760 = arith.constant 0 : i32
        %sign3A_761 = arith.cmpi slt, %add3A_255, %sign3A_760 : i32
        %sign3A_762 = arith.extui %sign3A_761 : i1 to i32
        %sign3A_763 = arith.subi %sign3A_759, %sign3A_762 : i32
        %sign3A_764 = arith.constant 0 : i32
        %sign3A_765 = arith.cmpi sgt, %jit3A_755, %sign3A_764 : i32
        %sign3A_766 = arith.extui %sign3A_765 : i1 to i32
        %sign3A_767 = arith.constant 0 : i32
        %sign3A_768 = arith.cmpi slt, %jit3A_755, %sign3A_767 : i32
        %sign3A_769 = arith.extui %sign3A_768 : i1 to i32
        %sign3A_770 = arith.subi %sign3A_766, %sign3A_769 : i32
        %ne3A_771 = arith.cmpi ne, %sign3A_763, %sign3A_770 : i32
        %rem3A_772 = arith.remsi %add3A_255, %jit3A_755 : i32
        %ne3A_773 = arith.constant 0 : i32
        %ne3A_774 = arith.cmpi ne, %rem3A_772, %ne3A_773 : i32
        %and3A_775 = arith.andi %ne3A_771, %ne3A_774 : i1
        %sub3A_776 = arith.constant 1 : i32
        %sub3A_777 = arith.subi %div3A_756, %sub3A_776 : i32
        %select_n3A_778 = arith.select %and3A_775, %sub3A_777, %div3A_756 : i32
        %mul3A_779 = arith.constant 448 : i32
        %mul3A_780 = arith.muli %select_n3A_778, %mul3A_779 : i32
        %dma_wait3A_781 = arith.constant 2 : i32
        %dma_wait3A_782 = arith.constant 2 : i32
        %dma_wait3A_783 = arith.constant 0 : i32
        %dma_wait3A_784 = arith.constant 0 : i32
        %dma_wait3A_785 = tpu.memref_slice %arg7[%dma_wait3A_781, %dma_wait3A_783, %dma_wait3A_784] : memref<4x32x449xf32, #tpu.memory_space<vmem>> -> memref<1x32x448xf32, #tpu.memory_space<vmem>>
        %dma_wait3A_786 = tpu.memref_squeeze %dma_wait3A_785 : memref<1x32x448xf32, #tpu.memory_space<vmem>> -> memref<32x448xf32, #tpu.memory_space<vmem>>
        %dma_wait3A_787 = arith.constant 0 : i32
        %dma_wait3A_788 = tpu.memref_slice %arg4[%select_n3A_754, %dma_wait3A_787, %mul3A_780] : memref<27x32x50000xf32, #tpu.memory_space<hbm>> -> memref<1x32x448xf32, #tpu.memory_space<hbm>>
        %dma_wait3A_789 = tpu.memref_squeeze %dma_wait3A_788 : memref<1x32x448xf32, #tpu.memory_space<hbm>> -> memref<32x448xf32, #tpu.memory_space<hbm>>
        %dma_wait3A_790 = tpu.memref_slice %arg9[%dma_wait3A_782] : memref<4x!tpu.dma_semaphore, #tpu.memory_space<semaphore_mem>> -> memref<1x!tpu.dma_semaphore, #tpu.memory_space<semaphore_mem>>
        %dma_wait3A_791 = tpu.memref_squeeze %dma_wait3A_790 : memref<1x!tpu.dma_semaphore, #tpu.memory_space<semaphore_mem>> -> memref<!tpu.dma_semaphore, #tpu.memory_space<semaphore_mem>>
        %dma_wait3A_792 = arith.constant 0 : i32
        %dma_wait3A_793 = tpu.memref_slice %arg4[%select_n3A_754, %dma_wait3A_792, %mul3A_780] : memref<27x32x50000xf32, #tpu.memory_space<hbm>> -> memref<1x32x448xf32, #tpu.memory_space<hbm>>
        %dma_wait3A_794 = tpu.memref_squeeze %dma_wait3A_793 : memref<1x32x448xf32, #tpu.memory_space<hbm>> -> memref<32x448xf32, #tpu.memory_space<hbm>>
        %dma_wait3A_795 = arith.constant 0 : i32
        %dma_wait3A_796 = arith.constant 0 : i32
        %dma_wait3A_797 = tpu.memref_slice %arg7[%dma_wait3A_781, %dma_wait3A_795, %dma_wait3A_796] : memref<4x32x449xf32, #tpu.memory_space<vmem>> -> memref<1x32x448xf32, #tpu.memory_space<vmem>>
        %dma_wait3A_798 = tpu.memref_squeeze %dma_wait3A_797 : memref<1x32x448xf32, #tpu.memory_space<vmem>> -> memref<32x448xf32, #tpu.memory_space<vmem>>
        tpu.wait_dma2 semaphore(%dma_wait3A_791 : memref<!tpu.dma_semaphore, #tpu.memory_space<semaphore_mem>>) src(%dma_wait3A_798 : memref<32x448xf32, #tpu.memory_space<vmem>>) dst(%dma_wait3A_794 : memref<32x448xf32, #tpu.memory_space<hbm>>)
      } else {
      }
      %jit3A_261 = arith.constant 27 : i32
      %eq3A_262 = arith.constant 0 : i32
      %eq3A_263 = arith.cmpi eq, %jit3A_261, %eq3A_262 : i32
      %jit3A_264 = arith.constant 1 : i32
      %select_n3A_265 = arith.select %eq3A_263, %jit3A_264, %jit3A_261 : i32
      %rem3A_266 = arith.remsi %add3A_255, %select_n3A_265 : i32
      %ne3A_267 = arith.constant 0 : i32
      %ne3A_268 = arith.cmpi ne, %rem3A_266, %ne3A_267 : i32
      %lt3A_269 = arith.constant 0 : i32
      %lt3A_270 = arith.cmpi slt, %rem3A_266, %lt3A_269 : i32
      %lt3A_271 = arith.constant 0 : i32
      %lt3A_272 = arith.cmpi slt, %select_n3A_265, %lt3A_271 : i32
      %ne3A_273 = arith.xori %lt3A_270, %lt3A_272 : i1
      %and3A_274 = arith.andi %ne3A_273, %ne3A_268 : i1
      %add3A_275 = arith.addi %rem3A_266, %select_n3A_265 : i32
      %select_n3A_276 = arith.select %and3A_274, %add3A_275, %rem3A_266 : i32
      %jit3A_277 = arith.constant 27 : i32
      %div3A_278 = arith.divsi %add3A_255, %jit3A_277 : i32
      %sign3A_279 = arith.constant 0 : i32
      %sign3A_280 = arith.cmpi sgt, %add3A_255, %sign3A_279 : i32
      %sign3A_281 = arith.extui %sign3A_280 : i1 to i32
      %sign3A_282 = arith.constant 0 : i32
      %sign3A_283 = arith.cmpi slt, %add3A_255, %sign3A_282 : i32
      %sign3A_284 = arith.extui %sign3A_283 : i1 to i32
      %sign3A_285 = arith.subi %sign3A_281, %sign3A_284 : i32
      %sign3A_286 = arith.constant 0 : i32
      %sign3A_287 = arith.cmpi sgt, %jit3A_277, %sign3A_286 : i32
      %sign3A_288 = arith.extui %sign3A_287 : i1 to i32
      %sign3A_289 = arith.constant 0 : i32
      %sign3A_290 = arith.cmpi slt, %jit3A_277, %sign3A_289 : i32
      %sign3A_291 = arith.extui %sign3A_290 : i1 to i32
      %sign3A_292 = arith.subi %sign3A_288, %sign3A_291 : i32
      %ne3A_293 = arith.cmpi ne, %sign3A_285, %sign3A_292 : i32
      %rem3A_294 = arith.remsi %add3A_255, %jit3A_277 : i32
      %ne3A_295 = arith.constant 0 : i32
      %ne3A_296 = arith.cmpi ne, %rem3A_294, %ne3A_295 : i32
      %and3A_297 = arith.andi %ne3A_293, %ne3A_296 : i1
      %sub3A_298 = arith.constant 1 : i32
      %sub3A_299 = arith.subi %div3A_278, %sub3A_298 : i32
      %select_n3A_300 = arith.select %and3A_297, %sub3A_299, %div3A_278 : i32
      %mul3A_301 = arith.constant 448 : i32
      %mul3A_302 = arith.muli %select_n3A_300, %mul3A_301 : i32
      %add3A_303 = arith.constant 0 : i32
      %add3A_304 = arith.addi %add3A_303, %select_n3A_276 : i32
      %run_scoped3A_305 = arith.constant 2 : i32
      "tpu.region"() ({
        %run_scoped3A_739 = tpu.sem_alloc : memref<!tpu.dma_semaphore, #tpu.memory_space<semaphore_mem>>
        %dma_start3A_740 = arith.constant 0 : i32
        %dma_start3A_741 = tpu.memref_slice %arg5[%run_scoped3A_305, %dma_start3A_740] : memref<4x448xi32, #tpu.memory_space<vmem>> -> memref<1x448xi32, #tpu.memory_space<vmem>>
        %dma_start3A_742 = tpu.memref_squeeze %dma_start3A_741 : memref<1x448xi32, #tpu.memory_space<vmem>> -> memref<448xi32, #tpu.memory_space<vmem>>
        %dma_start3A_743 = tpu.memref_slice %arg3[%add3A_304, %mul3A_302] : memref<27x50000xi32, #tpu.memory_space<hbm>> -> memref<1x448xi32, #tpu.memory_space<hbm>>
        %dma_start3A_744 = tpu.memref_squeeze %dma_start3A_743 : memref<1x448xi32, #tpu.memory_space<hbm>> -> memref<448xi32, #tpu.memory_space<hbm>>
        %dma_start3A_745 = arith.constant 0 : i32
        %dma_start3A_746 = tpu.memref_slice %arg5[%run_scoped3A_305, %dma_start3A_745] : memref<4x448xi32, #tpu.memory_space<vmem>> -> memref<1x448xi32, #tpu.memory_space<vmem>>
        %dma_start3A_747 = tpu.memref_squeeze %dma_start3A_746 : memref<1x448xi32, #tpu.memory_space<vmem>> -> memref<448xi32, #tpu.memory_space<vmem>>
        %dma_start3A_748 = tpu.memref_slice %arg3[%add3A_304, %mul3A_302] : memref<27x50000xi32, #tpu.memory_space<hbm>> -> memref<1x448xi32, #tpu.memory_space<hbm>>
        %dma_start3A_749 = tpu.memref_squeeze %dma_start3A_748 : memref<1x448xi32, #tpu.memory_space<hbm>> -> memref<448xi32, #tpu.memory_space<hbm>>
        tpu.enqueue_dma source(%dma_start3A_749 : memref<448xi32, #tpu.memory_space<hbm>>) target(%dma_start3A_747 : memref<448xi32, #tpu.memory_space<vmem>>) target_semaphore(%run_scoped3A_739 : memref<!tpu.dma_semaphore, #tpu.memory_space<semaphore_mem>>)
        %dma_wait3A_750 = arith.constant 0 : i32
        %dma_wait3A_751 = tpu.memref_slice %arg5[%run_scoped3A_305, %dma_wait3A_750] : memref<4x448xi32, #tpu.memory_space<vmem>> -> memref<1x448xi32, #tpu.memory_space<vmem>>
        %dma_wait3A_752 = tpu.memref_squeeze %dma_wait3A_751 : memref<1x448xi32, #tpu.memory_space<vmem>> -> memref<448xi32, #tpu.memory_space<vmem>>
        %dma_wait3A_753 = tpu.memref_slice %arg3[%add3A_304, %mul3A_302] : memref<27x50000xi32, #tpu.memory_space<hbm>> -> memref<1x448xi32, #tpu.memory_space<hbm>>
        %dma_wait3A_754 = tpu.memref_squeeze %dma_wait3A_753 : memref<1x448xi32, #tpu.memory_space<hbm>> -> memref<448xi32, #tpu.memory_space<hbm>>
        %dma_wait3A_755 = arith.constant 0 : i32
        %dma_wait3A_756 = tpu.memref_slice %arg5[%run_scoped3A_305, %dma_wait3A_755] : memref<4x448xi32, #tpu.memory_space<vmem>> -> memref<1x448xi32, #tpu.memory_space<vmem>>
        %dma_wait3A_757 = tpu.memref_squeeze %dma_wait3A_756 : memref<1x448xi32, #tpu.memory_space<vmem>> -> memref<448xi32, #tpu.memory_space<vmem>>
        %dma_wait3A_758 = tpu.memref_slice %arg3[%add3A_304, %mul3A_302] : memref<27x50000xi32, #tpu.memory_space<hbm>> -> memref<1x448xi32, #tpu.memory_space<hbm>>
        %dma_wait3A_759 = tpu.memref_squeeze %dma_wait3A_758 : memref<1x448xi32, #tpu.memory_space<hbm>> -> memref<448xi32, #tpu.memory_space<hbm>>
        tpu.wait_dma2 semaphore(%run_scoped3A_739 : memref<!tpu.dma_semaphore, #tpu.memory_space<semaphore_mem>>) src(%dma_wait3A_759 : memref<448xi32, #tpu.memory_space<hbm>>) dst(%dma_wait3A_757 : memref<448xi32, #tpu.memory_space<vmem>>)
        tpu.yield
      }) : () -> ()
      %parallel_loop3A_306 = arith.constant 0 : i32
      %parallel_loop3A_307 = arith.constant 28 : i32
      %parallel_loop3A_308 = arith.constant 1 : i32
      scf.for %parallel_loop3A_739 = %parallel_loop3A_306 to %parallel_loop3A_307 step %parallel_loop3A_308  : i32 {
        %parallel_loop3A_740 = arith.constant 16 : i32
        %parallel_loop3A_741 = arith.muli %parallel_loop3A_739, %parallel_loop3A_740 : i32
        %parallel_loop3A_742 = arith.constant 2 : i32
        %parallel_loop3A_743 = arith.index_cast %parallel_loop3A_742 : i32 to index
        %parallel_loop3A_744 = arith.index_cast %parallel_loop3A_741 : i32 to index
        %parallel_loop3A_745 = tpu.vector_load %arg5[%parallel_loop3A_743, %parallel_loop3A_744] {strides = array<i32>} : memref<4x448xi32, #tpu.memory_space<vmem>>, vector<16xi32>,
        %parallel_loop3A_746 = arith.constant 1 : i32
        %parallel_loop3A_747 = vector.broadcast %parallel_loop3A_746 : i32 to vector<16xi32>
        %parallel_loop3A_748 = arith.addi %parallel_loop3A_745, %parallel_loop3A_747 : vector<16xi32>
        %parallel_loop3A_749 = arith.constant 2 : i32
        %parallel_loop3A_750 = arith.index_cast %parallel_loop3A_749 : i32 to index
        %parallel_loop3A_751 = arith.index_cast %parallel_loop3A_741 : i32 to index
        %parallel_loop3A_752 = tpu.vector_load %arg5[%parallel_loop3A_750, %parallel_loop3A_751] {strides = array<i32>} : memref<4x448xi32, #tpu.memory_space<vmem>>, vector<16xi32>,
        tpu.vector_store %arg5[%parallel_loop3A_750, %parallel_loop3A_751], %parallel_loop3A_748 {strides = array<i32>} : memref<4x448xi32, #tpu.memory_space<vmem>>, vector<16xi32>,
      } {sc.loop_unroll_factor = 4 : i64, sc.parallel_access}
      %dma_start3A_309 = arith.constant 2 : i32
      %dma_start3A_310 = arith.constant 2 : i32
      %dma_start3A_311 = arith.constant 2 : i32
      %dma_start3A_312 = arith.constant 0 : i32
      %dma_start3A_313 = arith.constant 0 : i32
      %dma_start3A_314 = tpu.memref_slice %arg6[%dma_start3A_310, %dma_start3A_312, %dma_start3A_313] : memref<4x448x32xf32, #tpu.memory_space<vmem>> -> memref<1x448x32xf32, #tpu.memory_space<vmem>>
      %dma_start3A_315 = tpu.memref_squeeze %dma_start3A_314 : memref<1x448x32xf32, #tpu.memory_space<vmem>> -> memref<448x32xf32, #tpu.memory_space<vmem>>
      %dma_start3A_316 = arith.constant 0 : i32
      %dma_start3A_317 = tpu.memref_slice %arg5[%dma_start3A_309, %dma_start3A_316] : memref<4x448xi32, #tpu.memory_space<vmem>> -> memref<1x448xi32, #tpu.memory_space<vmem>>
      %dma_start3A_318 = tpu.memref_squeeze %dma_start3A_317 : memref<1x448xi32, #tpu.memory_space<vmem>> -> memref<448xi32, #tpu.memory_space<vmem>>
      %dma_start3A_319 = arith.constant 0 : i32
      %dma_start3A_320 = arith.constant 0 : i32
      %dma_start3A_321 = tpu.memref_slice %arg2[%dma_start3A_319, %dma_start3A_320] : memref<50001x32xf32, #tpu.memory_space<hbm>> -> memref<50001x32xf32, #tpu.memory_space<hbm>>
      %dma_start3A_322 = tpu.memref_slice %arg8[%dma_start3A_311] : memref<4x!tpu.dma_semaphore, #tpu.memory_space<semaphore_mem>> -> memref<1x!tpu.dma_semaphore, #tpu.memory_space<semaphore_mem>>
      %dma_start3A_323 = tpu.memref_squeeze %dma_start3A_322 : memref<1x!tpu.dma_semaphore, #tpu.memory_space<semaphore_mem>> -> memref<!tpu.dma_semaphore, #tpu.memory_space<semaphore_mem>>
      tpu.enqueue_indirect_dma source(%dma_start3A_321 : memref<50001x32xf32, #tpu.memory_space<hbm>>) target(%dma_start3A_315 : memref<448x32xf32, #tpu.memory_space<vmem>>) offsets(%dma_start3A_318 : memref<448xi32, #tpu.memory_space<vmem>>) semaphore(%dma_start3A_323 : memref<!tpu.dma_semaphore, #tpu.memory_space<semaphore_mem>>)
      %mul3A_324 = arith.constant 4 : i32
      %mul3A_325 = arith.muli %scan3A_111, %mul3A_324 : i32
      %add3A_326 = arith.constant 3 : i32
      %add3A_327 = arith.addi %mul3A_325, %add3A_326 : i32
      %mul3A_328 = arith.constant 32 : i32
      %mul3A_329 = arith.muli %add3A_327, %mul3A_328 : i32
      %add3A_330 = arith.addi %add3A, %mul3A_329 : i32
      %gt3A_331 = arith.constant 0 : i32
      %gt3A_332 = arith.cmpi sgt, %scan3A_111, %gt3A_331 : i32
      %convert_element_type3A_333 = arith.extui %gt3A_332 : i1 to i32
      %cond3A_334 = arith.constant 0 : i32
      %cond3A_335 = arith.cmpi ne, %convert_element_type3A_333, %cond3A_334 : i32
      scf.if %cond3A_335 {
        %jit3A_739 = arith.constant 27 : i32
        %eq3A_740 = arith.constant 0 : i32
        %eq3A_741 = arith.cmpi eq, %jit3A_739, %eq3A_740 : i32
        %jit3A_742 = arith.constant 1 : i32
        %select_n3A_743 = arith.select %eq3A_741, %jit3A_742, %jit3A_739 : i32
        %rem3A_744 = arith.remsi %add3A_330, %select_n3A_743 : i32
        %ne3A_745 = arith.constant 0 : i32
        %ne3A_746 = arith.cmpi ne, %rem3A_744, %ne3A_745 : i32
        %lt3A_747 = arith.constant 0 : i32
        %lt3A_748 = arith.cmpi slt, %rem3A_744, %lt3A_747 : i32
        %lt3A_749 = arith.constant 0 : i32
        %lt3A_750 = arith.cmpi slt, %select_n3A_743, %lt3A_749 : i32
        %ne3A_751 = arith.xori %lt3A_748, %lt3A_750 : i1
        %and3A_752 = arith.andi %ne3A_751, %ne3A_746 : i1
        %add3A_753 = arith.addi %rem3A_744, %select_n3A_743 : i32
        %select_n3A_754 = arith.select %and3A_752, %add3A_753, %rem3A_744 : i32
        %jit3A_755 = arith.constant 27 : i32
        %div3A_756 = arith.divsi %add3A_330, %jit3A_755 : i32
        %sign3A_757 = arith.constant 0 : i32
        %sign3A_758 = arith.cmpi sgt, %add3A_330, %sign3A_757 : i32
        %sign3A_759 = arith.extui %sign3A_758 : i1 to i32
        %sign3A_760 = arith.constant 0 : i32
        %sign3A_761 = arith.cmpi slt, %add3A_330, %sign3A_760 : i32
        %sign3A_762 = arith.extui %sign3A_761 : i1 to i32
        %sign3A_763 = arith.subi %sign3A_759, %sign3A_762 : i32
        %sign3A_764 = arith.constant 0 : i32
        %sign3A_765 = arith.cmpi sgt, %jit3A_755, %sign3A_764 : i32
        %sign3A_766 = arith.extui %sign3A_765 : i1 to i32
        %sign3A_767 = arith.constant 0 : i32
        %sign3A_768 = arith.cmpi slt, %jit3A_755, %sign3A_767 : i32
        %sign3A_769 = arith.extui %sign3A_768 : i1 to i32
        %sign3A_770 = arith.subi %sign3A_766, %sign3A_769 : i32
        %ne3A_771 = arith.cmpi ne, %sign3A_763, %sign3A_770 : i32
        %rem3A_772 = arith.remsi %add3A_330, %jit3A_755 : i32
        %ne3A_773 = arith.constant 0 : i32
        %ne3A_774 = arith.cmpi ne, %rem3A_772, %ne3A_773 : i32
        %and3A_775 = arith.andi %ne3A_771, %ne3A_774 : i1
        %sub3A_776 = arith.constant 1 : i32
        %sub3A_777 = arith.subi %div3A_756, %sub3A_776 : i32
        %select_n3A_778 = arith.select %and3A_775, %sub3A_777, %div3A_756 : i32
        %mul3A_779 = arith.constant 448 : i32
        %mul3A_780 = arith.muli %select_n3A_778, %mul3A_779 : i32
        %dma_wait3A_781 = arith.constant 3 : i32
        %dma_wait3A_782 = arith.constant 3 : i32
        %dma_wait3A_783 = arith.constant 0 : i32
        %dma_wait3A_784 = arith.constant 0 : i32
        %dma_wait3A_785 = tpu.memref_slice %arg7[%dma_wait3A_781, %dma_wait3A_783, %dma_wait3A_784] : memref<4x32x449xf32, #tpu.memory_space<vmem>> -> memref<1x32x448xf32, #tpu.memory_space<vmem>>
        %dma_wait3A_786 = tpu.memref_squeeze %dma_wait3A_785 : memref<1x32x448xf32, #tpu.memory_space<vmem>> -> memref<32x448xf32, #tpu.memory_space<vmem>>
        %dma_wait3A_787 = arith.constant 0 : i32
        %dma_wait3A_788 = tpu.memref_slice %arg4[%select_n3A_754, %dma_wait3A_787, %mul3A_780] : memref<27x32x50000xf32, #tpu.memory_space<hbm>> -> memref<1x32x448xf32, #tpu.memory_space<hbm>>
        %dma_wait3A_789 = tpu.memref_squeeze %dma_wait3A_788 : memref<1x32x448xf32, #tpu.memory_space<hbm>> -> memref<32x448xf32, #tpu.memory_space<hbm>>
        %dma_wait3A_790 = tpu.memref_slice %arg9[%dma_wait3A_782] : memref<4x!tpu.dma_semaphore, #tpu.memory_space<semaphore_mem>> -> memref<1x!tpu.dma_semaphore, #tpu.memory_space<semaphore_mem>>
        %dma_wait3A_791 = tpu.memref_squeeze %dma_wait3A_790 : memref<1x!tpu.dma_semaphore, #tpu.memory_space<semaphore_mem>> -> memref<!tpu.dma_semaphore, #tpu.memory_space<semaphore_mem>>
        %dma_wait3A_792 = arith.constant 0 : i32
        %dma_wait3A_793 = tpu.memref_slice %arg4[%select_n3A_754, %dma_wait3A_792, %mul3A_780] : memref<27x32x50000xf32, #tpu.memory_space<hbm>> -> memref<1x32x448xf32, #tpu.memory_space<hbm>>
        %dma_wait3A_794 = tpu.memref_squeeze %dma_wait3A_793 : memref<1x32x448xf32, #tpu.memory_space<hbm>> -> memref<32x448xf32, #tpu.memory_space<hbm>>
        %dma_wait3A_795 = arith.constant 0 : i32
        %dma_wait3A_796 = arith.constant 0 : i32
        %dma_wait3A_797 = tpu.memref_slice %arg7[%dma_wait3A_781, %dma_wait3A_795, %dma_wait3A_796] : memref<4x32x449xf32, #tpu.memory_space<vmem>> -> memref<1x32x448xf32, #tpu.memory_space<vmem>>
        %dma_wait3A_798 = tpu.memref_squeeze %dma_wait3A_797 : memref<1x32x448xf32, #tpu.memory_space<vmem>> -> memref<32x448xf32, #tpu.memory_space<vmem>>
        tpu.wait_dma2 semaphore(%dma_wait3A_791 : memref<!tpu.dma_semaphore, #tpu.memory_space<semaphore_mem>>) src(%dma_wait3A_798 : memref<32x448xf32, #tpu.memory_space<vmem>>) dst(%dma_wait3A_794 : memref<32x448xf32, #tpu.memory_space<hbm>>)
      } else {
      }
      %jit3A_336 = arith.constant 27 : i32
      %eq3A_337 = arith.constant 0 : i32
      %eq3A_338 = arith.cmpi eq, %jit3A_336, %eq3A_337 : i32
      %jit3A_339 = arith.constant 1 : i32
      %select_n3A_340 = arith.select %eq3A_338, %jit3A_339, %jit3A_336 : i32
      %rem3A_341 = arith.remsi %add3A_330, %select_n3A_340 : i32
      %ne3A_342 = arith.constant 0 : i32
      %ne3A_343 = arith.cmpi ne, %rem3A_341, %ne3A_342 : i32
      %lt3A_344 = arith.constant 0 : i32
      %lt3A_345 = arith.cmpi slt, %rem3A_341, %lt3A_344 : i32
      %lt3A_346 = arith.constant 0 : i32
      %lt3A_347 = arith.cmpi slt, %select_n3A_340, %lt3A_346 : i32
      %ne3A_348 = arith.xori %lt3A_345, %lt3A_347 : i1
      %and3A_349 = arith.andi %ne3A_348, %ne3A_343 : i1
      %add3A_350 = arith.addi %rem3A_341, %select_n3A_340 : i32
      %select_n3A_351 = arith.select %and3A_349, %add3A_350, %rem3A_341 : i32
      %jit3A_352 = arith.constant 27 : i32
      %div3A_353 = arith.divsi %add3A_330, %jit3A_352 : i32
      %sign3A_354 = arith.constant 0 : i32
      %sign3A_355 = arith.cmpi sgt, %add3A_330, %sign3A_354 : i32
      %sign3A_356 = arith.extui %sign3A_355 : i1 to i32
      %sign3A_357 = arith.constant 0 : i32
      %sign3A_358 = arith.cmpi slt, %add3A_330, %sign3A_357 : i32
      %sign3A_359 = arith.extui %sign3A_358 : i1 to i32
      %sign3A_360 = arith.subi %sign3A_356, %sign3A_359 : i32
      %sign3A_361 = arith.constant 0 : i32
      %sign3A_362 = arith.cmpi sgt, %jit3A_352, %sign3A_361 : i32
      %sign3A_363 = arith.extui %sign3A_362 : i1 to i32
      %sign3A_364 = arith.constant 0 : i32
      %sign3A_365 = arith.cmpi slt, %jit3A_352, %sign3A_364 : i32
      %sign3A_366 = arith.extui %sign3A_365 : i1 to i32
      %sign3A_367 = arith.subi %sign3A_363, %sign3A_366 : i32
      %ne3A_368 = arith.cmpi ne, %sign3A_360, %sign3A_367 : i32
      %rem3A_369 = arith.remsi %add3A_330, %jit3A_352 : i32
      %ne3A_370 = arith.constant 0 : i32
      %ne3A_371 = arith.cmpi ne, %rem3A_369, %ne3A_370 : i32
      %and3A_372 = arith.andi %ne3A_368, %ne3A_371 : i1
      %sub3A_373 = arith.constant 1 : i32
      %sub3A_374 = arith.subi %div3A_353, %sub3A_373 : i32
      %select_n3A_375 = arith.select %and3A_372, %sub3A_374, %div3A_353 : i32
      %mul3A_376 = arith.constant 448 : i32
      %mul3A_377 = arith.muli %select_n3A_375, %mul3A_376 : i32
      %add3A_378 = arith.constant 0 : i32
      %add3A_379 = arith.addi %add3A_378, %select_n3A_351 : i32
      %run_scoped3A_380 = arith.constant 3 : i32
      "tpu.region"() ({
        %run_scoped3A_739 = tpu.sem_alloc : memref<!tpu.dma_semaphore, #tpu.memory_space<semaphore_mem>>
        %dma_start3A_740 = arith.constant 0 : i32
        %dma_start3A_741 = tpu.memref_slice %arg5[%run_scoped3A_380, %dma_start3A_740] : memref<4x448xi32, #tpu.memory_space<vmem>> -> memref<1x448xi32, #tpu.memory_space<vmem>>
        %dma_start3A_742 = tpu.memref_squeeze %dma_start3A_741 : memref<1x448xi32, #tpu.memory_space<vmem>> -> memref<448xi32, #tpu.memory_space<vmem>>
        %dma_start3A_743 = tpu.memref_slice %arg3[%add3A_379, %mul3A_377] : memref<27x50000xi32, #tpu.memory_space<hbm>> -> memref<1x448xi32, #tpu.memory_space<hbm>>
        %dma_start3A_744 = tpu.memref_squeeze %dma_start3A_743 : memref<1x448xi32, #tpu.memory_space<hbm>> -> memref<448xi32, #tpu.memory_space<hbm>>
        %dma_start3A_745 = arith.constant 0 : i32
        %dma_start3A_746 = tpu.memref_slice %arg5[%run_scoped3A_380, %dma_start3A_745] : memref<4x448xi32, #tpu.memory_space<vmem>> -> memref<1x448xi32, #tpu.memory_space<vmem>>
        %dma_start3A_747 = tpu.memref_squeeze %dma_start3A_746 : memref<1x448xi32, #tpu.memory_space<vmem>> -> memref<448xi32, #tpu.memory_space<vmem>>
        %dma_start3A_748 = tpu.memref_slice %arg3[%add3A_379, %mul3A_377] : memref<27x50000xi32, #tpu.memory_space<hbm>> -> memref<1x448xi32, #tpu.memory_space<hbm>>
        %dma_start3A_749 = tpu.memref_squeeze %dma_start3A_748 : memref<1x448xi32, #tpu.memory_space<hbm>> -> memref<448xi32, #tpu.memory_space<hbm>>
        tpu.enqueue_dma source(%dma_start3A_749 : memref<448xi32, #tpu.memory_space<hbm>>) target(%dma_start3A_747 : memref<448xi32, #tpu.memory_space<vmem>>) target_semaphore(%run_scoped3A_739 : memref<!tpu.dma_semaphore, #tpu.memory_space<semaphore_mem>>)
        %dma_wait3A_750 = arith.constant 0 : i32
        %dma_wait3A_751 = tpu.memref_slice %arg5[%run_scoped3A_380, %dma_wait3A_750] : memref<4x448xi32, #tpu.memory_space<vmem>> -> memref<1x448xi32, #tpu.memory_space<vmem>>
        %dma_wait3A_752 = tpu.memref_squeeze %dma_wait3A_751 : memref<1x448xi32, #tpu.memory_space<vmem>> -> memref<448xi32, #tpu.memory_space<vmem>>
        %dma_wait3A_753 = tpu.memref_slice %arg3[%add3A_379, %mul3A_377] : memref<27x50000xi32, #tpu.memory_space<hbm>> -> memref<1x448xi32, #tpu.memory_space<hbm>>
        %dma_wait3A_754 = tpu.memref_squeeze %dma_wait3A_753 : memref<1x448xi32, #tpu.memory_space<hbm>> -> memref<448xi32, #tpu.memory_space<hbm>>
        %dma_wait3A_755 = arith.constant 0 : i32
        %dma_wait3A_756 = tpu.memref_slice %arg5[%run_scoped3A_380, %dma_wait3A_755] : memref<4x448xi32, #tpu.memory_space<vmem>> -> memref<1x448xi32, #tpu.memory_space<vmem>>
        %dma_wait3A_757 = tpu.memref_squeeze %dma_wait3A_756 : memref<1x448xi32, #tpu.memory_space<vmem>> -> memref<448xi32, #tpu.memory_space<vmem>>
        %dma_wait3A_758 = tpu.memref_slice %arg3[%add3A_379, %mul3A_377] : memref<27x50000xi32, #tpu.memory_space<hbm>> -> memref<1x448xi32, #tpu.memory_space<hbm>>
        %dma_wait3A_759 = tpu.memref_squeeze %dma_wait3A_758 : memref<1x448xi32, #tpu.memory_space<hbm>> -> memref<448xi32, #tpu.memory_space<hbm>>
        tpu.wait_dma2 semaphore(%run_scoped3A_739 : memref<!tpu.dma_semaphore, #tpu.memory_space<semaphore_mem>>) src(%dma_wait3A_759 : memref<448xi32, #tpu.memory_space<hbm>>) dst(%dma_wait3A_757 : memref<448xi32, #tpu.memory_space<vmem>>)
        tpu.yield
      }) : () -> ()
      %parallel_loop3A_381 = arith.constant 0 : i32
      %parallel_loop3A_382 = arith.constant 28 : i32
      %parallel_loop3A_383 = arith.constant 1 : i32
      scf.for %parallel_loop3A_739 = %parallel_loop3A_381 to %parallel_loop3A_382 step %parallel_loop3A_383  : i32 {
        %parallel_loop3A_740 = arith.constant 16 : i32
        %parallel_loop3A_741 = arith.muli %parallel_loop3A_739, %parallel_loop3A_740 : i32
        %parallel_loop3A_742 = arith.constant 3 : i32
        %parallel_loop3A_743 = arith.index_cast %parallel_loop3A_742 : i32 to index
        %parallel_loop3A_744 = arith.index_cast %parallel_loop3A_741 : i32 to index
        %parallel_loop3A_745 = tpu.vector_load %arg5[%parallel_loop3A_743, %parallel_loop3A_744] {strides = array<i32>} : memref<4x448xi32, #tpu.memory_space<vmem>>, vector<16xi32>,
        %parallel_loop3A_746 = arith.constant 1 : i32
        %parallel_loop3A_747 = vector.broadcast %parallel_loop3A_746 : i32 to vector<16xi32>
        %parallel_loop3A_748 = arith.addi %parallel_loop3A_745, %parallel_loop3A_747 : vector<16xi32>
        %parallel_loop3A_749 = arith.constant 3 : i32
        %parallel_loop3A_750 = arith.index_cast %parallel_loop3A_749 : i32 to index
        %parallel_loop3A_751 = arith.index_cast %parallel_loop3A_741 : i32 to index
        %parallel_loop3A_752 = tpu.vector_load %arg5[%parallel_loop3A_750, %parallel_loop3A_751] {strides = array<i32>} : memref<4x448xi32, #tpu.memory_space<vmem>>, vector<16xi32>,
        tpu.vector_store %arg5[%parallel_loop3A_750, %parallel_loop3A_751], %parallel_loop3A_748 {strides = array<i32>} : memref<4x448xi32, #tpu.memory_space<vmem>>, vector<16xi32>,
      } {sc.loop_unroll_factor = 4 : i64, sc.parallel_access}
      %dma_start3A_384 = arith.constant 3 : i32
      %dma_start3A_385 = arith.constant 3 : i32
      %dma_start3A_386 = arith.constant 3 : i32
      %dma_start3A_387 = arith.constant 0 : i32
      %dma_start3A_388 = arith.constant 0 : i32
      %dma_start3A_389 = tpu.memref_slice %arg6[%dma_start3A_385, %dma_start3A_387, %dma_start3A_388] : memref<4x448x32xf32, #tpu.memory_space<vmem>> -> memref<1x448x32xf32, #tpu.memory_space<vmem>>
      %dma_start3A_390 = tpu.memref_squeeze %dma_start3A_389 : memref<1x448x32xf32, #tpu.memory_space<vmem>> -> memref<448x32xf32, #tpu.memory_space<vmem>>
      %dma_start3A_391 = arith.constant 0 : i32
      %dma_start3A_392 = tpu.memref_slice %arg5[%dma_start3A_384, %dma_start3A_391] : memref<4x448xi32, #tpu.memory_space<vmem>> -> memref<1x448xi32, #tpu.memory_space<vmem>>
      %dma_start3A_393 = tpu.memref_squeeze %dma_start3A_392 : memref<1x448xi32, #tpu.memory_space<vmem>> -> memref<448xi32, #tpu.memory_space<vmem>>
      %dma_start3A_394 = arith.constant 0 : i32
      %dma_start3A_395 = arith.constant 0 : i32
      %dma_start3A_396 = tpu.memref_slice %arg2[%dma_start3A_394, %dma_start3A_395] : memref<50001x32xf32, #tpu.memory_space<hbm>> -> memref<50001x32xf32, #tpu.memory_space<hbm>>
      %dma_start3A_397 = tpu.memref_slice %arg8[%dma_start3A_386] : memref<4x!tpu.dma_semaphore, #tpu.memory_space<semaphore_mem>> -> memref<1x!tpu.dma_semaphore, #tpu.memory_space<semaphore_mem>>
      %dma_start3A_398 = tpu.memref_squeeze %dma_start3A_397 : memref<1x!tpu.dma_semaphore, #tpu.memory_space<semaphore_mem>> -> memref<!tpu.dma_semaphore, #tpu.memory_space<semaphore_mem>>
      tpu.enqueue_indirect_dma source(%dma_start3A_396 : memref<50001x32xf32, #tpu.memory_space<hbm>>) target(%dma_start3A_390 : memref<448x32xf32, #tpu.memory_space<vmem>>) offsets(%dma_start3A_393 : memref<448xi32, #tpu.memory_space<vmem>>) semaphore(%dma_start3A_398 : memref<!tpu.dma_semaphore, #tpu.memory_space<semaphore_mem>>)
      %mul3A_399 = arith.constant 4 : i32
      %mul3A_400 = arith.muli %scan3A_111, %mul3A_399 : i32
      %add3A_401 = arith.constant 0 : i32
      %add3A_402 = arith.addi %mul3A_400, %add3A_401 : i32
      %mul3A_403 = arith.constant 32 : i32
      %mul3A_404 = arith.muli %add3A_402, %mul3A_403 : i32
      %add3A_405 = arith.addi %add3A, %mul3A_404 : i32
      %dma_wait3A_406 = arith.constant 0 : i32
      %dma_wait3A_407 = arith.constant 0 : i32
      %dma_wait3A_408 = arith.constant 0 : i32
      %dma_wait3A_409 = arith.constant 0 : i32
      %dma_wait3A_410 = arith.constant 0 : i32
      %dma_wait3A_411 = tpu.memref_slice %arg6[%dma_wait3A_407, %dma_wait3A_409, %dma_wait3A_410] : memref<4x448x32xf32, #tpu.memory_space<vmem>> -> memref<1x448x32xf32, #tpu.memory_space<vmem>>
      %dma_wait3A_412 = tpu.memref_squeeze %dma_wait3A_411 : memref<1x448x32xf32, #tpu.memory_space<vmem>> -> memref<448x32xf32, #tpu.memory_space<vmem>>
      %dma_wait3A_413 = arith.constant 0 : i32
      %dma_wait3A_414 = tpu.memref_slice %arg5[%dma_wait3A_406, %dma_wait3A_413] : memref<4x448xi32, #tpu.memory_space<vmem>> -> memref<1x448xi32, #tpu.memory_space<vmem>>
      %dma_wait3A_415 = tpu.memref_squeeze %dma_wait3A_414 : memref<1x448xi32, #tpu.memory_space<vmem>> -> memref<448xi32, #tpu.memory_space<vmem>>
      %dma_wait3A_416 = arith.constant 0 : i32
      %dma_wait3A_417 = arith.constant 0 : i32
      %dma_wait3A_418 = tpu.memref_slice %arg2[%dma_wait3A_416, %dma_wait3A_417] : memref<50001x32xf32, #tpu.memory_space<hbm>> -> memref<50001x32xf32, #tpu.memory_space<hbm>>
      %dma_wait3A_419 = tpu.memref_slice %arg8[%dma_wait3A_408] : memref<4x!tpu.dma_semaphore, #tpu.memory_space<semaphore_mem>> -> memref<1x!tpu.dma_semaphore, #tpu.memory_space<semaphore_mem>>
      %dma_wait3A_420 = tpu.memref_squeeze %dma_wait3A_419 : memref<1x!tpu.dma_semaphore, #tpu.memory_space<semaphore_mem>> -> memref<!tpu.dma_semaphore, #tpu.memory_space<semaphore_mem>>
      tpu.wait_indirect_dma semaphore(%dma_wait3A_420 : memref<!tpu.dma_semaphore, #tpu.memory_space<semaphore_mem>>) src(%dma_wait3A_418 : memref<50001x32xf32, #tpu.memory_space<hbm>>) dst(%dma_wait3A_412 : memref<448x32xf32, #tpu.memory_space<vmem>>)
      %parallel_loop3A_421 = arith.constant 0 : i32
      %parallel_loop3A_422 = arith.constant 448 : i32
      %parallel_loop3A_423 = arith.constant 1 : i32
      scf.for %parallel_loop3A_739 = %parallel_loop3A_421 to %parallel_loop3A_422 step %parallel_loop3A_423  : i32 {
        %parallel_loop3A_740 = vector.broadcast %parallel_loop3A_739 : i32 to vector<16xi32>
        %parallel_loop3A_741 = arith.constant 0 : i32
        %parallel_loop3A_742 = arith.index_cast %parallel_loop3A_741 : i32 to index
        %parallel_loop3A_743 = arith.index_cast %parallel_loop3A_739 : i32 to index
        %parallel_loop3A_744 = arith.constant 0 : index
        %parallel_loop3A_745 = tpu.vector_load %arg6[%parallel_loop3A_742, %parallel_loop3A_743, %parallel_loop3A_744] {strides = array<i32>} : memref<4x448x32xf32, #tpu.memory_space<vmem>>, vector<16xf32>,
        %parallel_loop3A_746 = arith.constant 0 : i32
        %parallel_loop3A_747 = arith.constant 0 : i32
        %parallel_loop3A_748 = arith.constant 0 : i32
        %parallel_loop3A_749 = tpu.memref_slice %arg7[%parallel_loop3A_746, %parallel_loop3A_747, %parallel_loop3A_748] : memref<4x32x449xf32, #tpu.memory_space<vmem>> -> memref<1x32x449xf32, #tpu.memory_space<vmem>>
        %parallel_loop3A_750 = tpu.memref_squeeze %parallel_loop3A_749 : memref<1x32x449xf32, #tpu.memory_space<vmem>> -> memref<32x449xf32, #tpu.memory_space<vmem>>
        tpu.vector_store_idx %parallel_loop3A_750[%add3A_6, %parallel_loop3A_740], %parallel_loop3A_745 : memref<32x449xf32, #tpu.memory_space<vmem>>[vector<16xi32>, vector<16xi32>], vector<16xf32>,
        %parallel_loop3A_751 = arith.constant 0 : i32
        %parallel_loop3A_752 = arith.index_cast %parallel_loop3A_751 : i32 to index
        %parallel_loop3A_753 = arith.index_cast %parallel_loop3A_739 : i32 to index
        %parallel_loop3A_754 = arith.constant 16 : index
        %parallel_loop3A_755 = tpu.vector_load %arg6[%parallel_loop3A_752, %parallel_loop3A_753, %parallel_loop3A_754] {strides = array<i32>} : memref<4x448x32xf32, #tpu.memory_space<vmem>>, vector<16xf32>,
        %parallel_loop3A_756 = arith.constant 0 : i32
        %parallel_loop3A_757 = arith.constant 0 : i32
        %parallel_loop3A_758 = arith.constant 0 : i32
        %parallel_loop3A_759 = tpu.memref_slice %arg7[%parallel_loop3A_756, %parallel_loop3A_757, %parallel_loop3A_758] : memref<4x32x449xf32, #tpu.memory_space<vmem>> -> memref<1x32x449xf32, #tpu.memory_space<vmem>>
        %parallel_loop3A_760 = tpu.memref_squeeze %parallel_loop3A_759 : memref<1x32x449xf32, #tpu.memory_space<vmem>> -> memref<32x449xf32, #tpu.memory_space<vmem>>
        tpu.vector_store_idx %parallel_loop3A_760[%add3A_9, %parallel_loop3A_740], %parallel_loop3A_755 : memref<32x449xf32, #tpu.memory_space<vmem>>[vector<16xi32>, vector<16xi32>], vector<16xf32>,
      } {sc.loop_unroll_factor = 4 : i64, sc.parallel_access}
      %jit3A_424 = arith.constant 27 : i32
      %eq3A_425 = arith.constant 0 : i32
      %eq3A_426 = arith.cmpi eq, %jit3A_424, %eq3A_425 : i32
      %jit3A_427 = arith.constant 1 : i32
      %select_n3A_428 = arith.select %eq3A_426, %jit3A_427, %jit3A_424 : i32
      %rem3A_429 = arith.remsi %add3A_405, %select_n3A_428 : i32
      %ne3A_430 = arith.constant 0 : i32
      %ne3A_431 = arith.cmpi ne, %rem3A_429, %ne3A_430 : i32
      %lt3A_432 = arith.constant 0 : i32
      %lt3A_433 = arith.cmpi slt, %rem3A_429, %lt3A_432 : i32
      %lt3A_434 = arith.constant 0 : i32
      %lt3A_435 = arith.cmpi slt, %select_n3A_428, %lt3A_434 : i32
      %ne3A_436 = arith.xori %lt3A_433, %lt3A_435 : i1
      %and3A_437 = arith.andi %ne3A_436, %ne3A_431 : i1
      %add3A_438 = arith.addi %rem3A_429, %select_n3A_428 : i32
      %select_n3A_439 = arith.select %and3A_437, %add3A_438, %rem3A_429 : i32
      %jit3A_440 = arith.constant 27 : i32
      %div3A_441 = arith.divsi %add3A_405, %jit3A_440 : i32
      %sign3A_442 = arith.constant 0 : i32
      %sign3A_443 = arith.cmpi sgt, %add3A_405, %sign3A_442 : i32
      %sign3A_444 = arith.extui %sign3A_443 : i1 to i32
      %sign3A_445 = arith.constant 0 : i32
      %sign3A_446 = arith.cmpi slt, %add3A_405, %sign3A_445 : i32
      %sign3A_447 = arith.extui %sign3A_446 : i1 to i32
      %sign3A_448 = arith.subi %sign3A_444, %sign3A_447 : i32
      %sign3A_449 = arith.constant 0 : i32
      %sign3A_450 = arith.cmpi sgt, %jit3A_440, %sign3A_449 : i32
      %sign3A_451 = arith.extui %sign3A_450 : i1 to i32
      %sign3A_452 = arith.constant 0 : i32
      %sign3A_453 = arith.cmpi slt, %jit3A_440, %sign3A_452 : i32
      %sign3A_454 = arith.extui %sign3A_453 : i1 to i32
      %sign3A_455 = arith.subi %sign3A_451, %sign3A_454 : i32
      %ne3A_456 = arith.cmpi ne, %sign3A_448, %sign3A_455 : i32
      %rem3A_457 = arith.remsi %add3A_405, %jit3A_440 : i32
      %ne3A_458 = arith.constant 0 : i32
      %ne3A_459 = arith.cmpi ne, %rem3A_457, %ne3A_458 : i32
      %and3A_460 = arith.andi %ne3A_456, %ne3A_459 : i1
      %sub3A_461 = arith.constant 1 : i32
      %sub3A_462 = arith.subi %div3A_441, %sub3A_461 : i32
      %select_n3A_463 = arith.select %and3A_460, %sub3A_462, %div3A_441 : i32
      %mul3A_464 = arith.constant 448 : i32
      %mul3A_465 = arith.muli %select_n3A_463, %mul3A_464 : i32
      %dma_start3A_466 = arith.constant 0 : i32
      %dma_start3A_467 = arith.constant 0 : i32
      %dma_start3A_468 = arith.constant 0 : i32
      %dma_start3A_469 = arith.constant 0 : i32
      %dma_start3A_470 = tpu.memref_slice %arg7[%dma_start3A_466, %dma_start3A_468, %dma_start3A_469] : memref<4x32x449xf32, #tpu.memory_space<vmem>> -> memref<1x32x448xf32, #tpu.memory_space<vmem>>
      %dma_start3A_471 = tpu.memref_squeeze %dma_start3A_470 : memref<1x32x448xf32, #tpu.memory_space<vmem>> -> memref<32x448xf32, #tpu.memory_space<vmem>>
      %dma_start3A_472 = arith.constant 0 : i32
      %dma_start3A_473 = tpu.memref_slice %arg4[%select_n3A_439, %dma_start3A_472, %mul3A_465] : memref<27x32x50000xf32, #tpu.memory_space<hbm>> -> memref<1x32x448xf32, #tpu.memory_space<hbm>>
      %dma_start3A_474 = tpu.memref_squeeze %dma_start3A_473 : memref<1x32x448xf32, #tpu.memory_space<hbm>> -> memref<32x448xf32, #tpu.memory_space<hbm>>
      %dma_start3A_475 = tpu.memref_slice %arg9[%dma_start3A_467] : memref<4x!tpu.dma_semaphore, #tpu.memory_space<semaphore_mem>> -> memref<1x!tpu.dma_semaphore, #tpu.memory_space<semaphore_mem>>
      %dma_start3A_476 = tpu.memref_squeeze %dma_start3A_475 : memref<1x!tpu.dma_semaphore, #tpu.memory_space<semaphore_mem>> -> memref<!tpu.dma_semaphore, #tpu.memory_space<semaphore_mem>>
      %dma_start3A_477 = arith.constant 0 : i32
      %dma_start3A_478 = tpu.memref_slice %arg4[%select_n3A_439, %dma_start3A_477, %mul3A_465] : memref<27x32x50000xf32, #tpu.memory_space<hbm>> -> memref<1x32x448xf32, #tpu.memory_space<hbm>>
      %dma_start3A_479 = tpu.memref_squeeze %dma_start3A_478 : memref<1x32x448xf32, #tpu.memory_space<hbm>> -> memref<32x448xf32, #tpu.memory_space<hbm>>
      %dma_start3A_480 = arith.constant 0 : i32
      %dma_start3A_481 = arith.constant 0 : i32
      %dma_start3A_482 = tpu.memref_slice %arg7[%dma_start3A_466, %dma_start3A_480, %dma_start3A_481] : memref<4x32x449xf32, #tpu.memory_space<vmem>> -> memref<1x32x448xf32, #tpu.memory_space<vmem>>
      %dma_start3A_483 = tpu.memref_squeeze %dma_start3A_482 : memref<1x32x448xf32, #tpu.memory_space<vmem>> -> memref<32x448xf32, #tpu.memory_space<vmem>>
      tpu.enqueue_dma source(%dma_start3A_483 : memref<32x448xf32, #tpu.memory_space<vmem>>) target(%dma_start3A_479 : memref<32x448xf32, #tpu.memory_space<hbm>>) target_semaphore(%dma_start3A_476 : memref<!tpu.dma_semaphore, #tpu.memory_space<semaphore_mem>>)
      %mul3A_484 = arith.constant 4 : i32
      %mul3A_485 = arith.muli %scan3A_111, %mul3A_484 : i32
      %add3A_486 = arith.constant 1 : i32
      %add3A_487 = arith.addi %mul3A_485, %add3A_486 : i32
      %mul3A_488 = arith.constant 32 : i32
      %mul3A_489 = arith.muli %add3A_487, %mul3A_488 : i32
      %add3A_490 = arith.addi %add3A, %mul3A_489 : i32
      %dma_wait3A_491 = arith.constant 1 : i32
      %dma_wait3A_492 = arith.constant 1 : i32
      %dma_wait3A_493 = arith.constant 1 : i32
      %dma_wait3A_494 = arith.constant 0 : i32
      %dma_wait3A_495 = arith.constant 0 : i32
      %dma_wait3A_496 = tpu.memref_slice %arg6[%dma_wait3A_492, %dma_wait3A_494, %dma_wait3A_495] : memref<4x448x32xf32, #tpu.memory_space<vmem>> -> memref<1x448x32xf32, #tpu.memory_space<vmem>>
      %dma_wait3A_497 = tpu.memref_squeeze %dma_wait3A_496 : memref<1x448x32xf32, #tpu.memory_space<vmem>> -> memref<448x32xf32, #tpu.memory_space<vmem>>
      %dma_wait3A_498 = arith.constant 0 : i32
      %dma_wait3A_499 = tpu.memref_slice %arg5[%dma_wait3A_491, %dma_wait3A_498] : memref<4x448xi32, #tpu.memory_space<vmem>> -> memref<1x448xi32, #tpu.memory_space<vmem>>
      %dma_wait3A_500 = tpu.memref_squeeze %dma_wait3A_499 : memref<1x448xi32, #tpu.memory_space<vmem>> -> memref<448xi32, #tpu.memory_space<vmem>>
      %dma_wait3A_501 = arith.constant 0 : i32
      %dma_wait3A_502 = arith.constant 0 : i32
      %dma_wait3A_503 = tpu.memref_slice %arg2[%dma_wait3A_501, %dma_wait3A_502] : memref<50001x32xf32, #tpu.memory_space<hbm>> -> memref<50001x32xf32, #tpu.memory_space<hbm>>
      %dma_wait3A_504 = tpu.memref_slice %arg8[%dma_wait3A_493] : memref<4x!tpu.dma_semaphore, #tpu.memory_space<semaphore_mem>> -> memref<1x!tpu.dma_semaphore, #tpu.memory_space<semaphore_mem>>
      %dma_wait3A_505 = tpu.memref_squeeze %dma_wait3A_504 : memref<1x!tpu.dma_semaphore, #tpu.memory_space<semaphore_mem>> -> memref<!tpu.dma_semaphore, #tpu.memory_space<semaphore_mem>>
      tpu.wait_indirect_dma semaphore(%dma_wait3A_505 : memref<!tpu.dma_semaphore, #tpu.memory_space<semaphore_mem>>) src(%dma_wait3A_503 : memref<50001x32xf32, #tpu.memory_space<hbm>>) dst(%dma_wait3A_497 : memref<448x32xf32, #tpu.memory_space<vmem>>)
      %parallel_loop3A_506 = arith.constant 0 : i32
      %parallel_loop3A_507 = arith.constant 448 : i32
      %parallel_loop3A_508 = arith.constant 1 : i32
      scf.for %parallel_loop3A_739 = %parallel_loop3A_506 to %parallel_loop3A_507 step %parallel_loop3A_508  : i32 {
        %parallel_loop3A_740 = vector.broadcast %parallel_loop3A_739 : i32 to vector<16xi32>
        %parallel_loop3A_741 = arith.constant 1 : i32
        %parallel_loop3A_742 = arith.index_cast %parallel_loop3A_741 : i32 to index
        %parallel_loop3A_743 = arith.index_cast %parallel_loop3A_739 : i32 to index
        %parallel_loop3A_744 = arith.constant 0 : index
        %parallel_loop3A_745 = tpu.vector_load %arg6[%parallel_loop3A_742, %parallel_loop3A_743, %parallel_loop3A_744] {strides = array<i32>} : memref<4x448x32xf32, #tpu.memory_space<vmem>>, vector<16xf32>,
        %parallel_loop3A_746 = arith.constant 1 : i32
        %parallel_loop3A_747 = arith.constant 0 : i32
        %parallel_loop3A_748 = arith.constant 0 : i32
        %parallel_loop3A_749 = tpu.memref_slice %arg7[%parallel_loop3A_746, %parallel_loop3A_747, %parallel_loop3A_748] : memref<4x32x449xf32, #tpu.memory_space<vmem>> -> memref<1x32x449xf32, #tpu.memory_space<vmem>>
        %parallel_loop3A_750 = tpu.memref_squeeze %parallel_loop3A_749 : memref<1x32x449xf32, #tpu.memory_space<vmem>> -> memref<32x449xf32, #tpu.memory_space<vmem>>
        tpu.vector_store_idx %parallel_loop3A_750[%add3A_6, %parallel_loop3A_740], %parallel_loop3A_745 : memref<32x449xf32, #tpu.memory_space<vmem>>[vector<16xi32>, vector<16xi32>], vector<16xf32>,
        %parallel_loop3A_751 = arith.constant 1 : i32
        %parallel_loop3A_752 = arith.index_cast %parallel_loop3A_751 : i32 to index
        %parallel_loop3A_753 = arith.index_cast %parallel_loop3A_739 : i32 to index
        %parallel_loop3A_754 = arith.constant 16 : index
        %parallel_loop3A_755 = tpu.vector_load %arg6[%parallel_loop3A_752, %parallel_loop3A_753, %parallel_loop3A_754] {strides = array<i32>} : memref<4x448x32xf32, #tpu.memory_space<vmem>>, vector<16xf32>,
        %parallel_loop3A_756 = arith.constant 1 : i32
        %parallel_loop3A_757 = arith.constant 0 : i32
        %parallel_loop3A_758 = arith.constant 0 : i32
        %parallel_loop3A_759 = tpu.memref_slice %arg7[%parallel_loop3A_756, %parallel_loop3A_757, %parallel_loop3A_758] : memref<4x32x449xf32, #tpu.memory_space<vmem>> -> memref<1x32x449xf32, #tpu.memory_space<vmem>>
        %parallel_loop3A_760 = tpu.memref_squeeze %parallel_loop3A_759 : memref<1x32x449xf32, #tpu.memory_space<vmem>> -> memref<32x449xf32, #tpu.memory_space<vmem>>
        tpu.vector_store_idx %parallel_loop3A_760[%add3A_9, %parallel_loop3A_740], %parallel_loop3A_755 : memref<32x449xf32, #tpu.memory_space<vmem>>[vector<16xi32>, vector<16xi32>], vector<16xf32>,
      } {sc.loop_unroll_factor = 4 : i64, sc.parallel_access}
      %jit3A_509 = arith.constant 27 : i32
      %eq3A_510 = arith.constant 0 : i32
      %eq3A_511 = arith.cmpi eq, %jit3A_509, %eq3A_510 : i32
      %jit3A_512 = arith.constant 1 : i32
      %select_n3A_513 = arith.select %eq3A_511, %jit3A_512, %jit3A_509 : i32
      %rem3A_514 = arith.remsi %add3A_490, %select_n3A_513 : i32
      %ne3A_515 = arith.constant 0 : i32
      %ne3A_516 = arith.cmpi ne, %rem3A_514, %ne3A_515 : i32
      %lt3A_517 = arith.constant 0 : i32
      %lt3A_518 = arith.cmpi slt, %rem3A_514, %lt3A_517 : i32
      %lt3A_519 = arith.constant 0 : i32
      %lt3A_520 = arith.cmpi slt, %select_n3A_513, %lt3A_519 : i32
      %ne3A_521 = arith.xori %lt3A_518, %lt3A_520 : i1
      %and3A_522 = arith.andi %ne3A_521, %ne3A_516 : i1
      %add3A_523 = arith.addi %rem3A_514, %select_n3A_513 : i32
      %select_n3A_524 = arith.select %and3A_522, %add3A_523, %rem3A_514 : i32
      %jit3A_525 = arith.constant 27 : i32
      %div3A_526 = arith.divsi %add3A_490, %jit3A_525 : i32
      %sign3A_527 = arith.constant 0 : i32
      %sign3A_528 = arith.cmpi sgt, %add3A_490, %sign3A_527 : i32
      %sign3A_529 = arith.extui %sign3A_528 : i1 to i32
      %sign3A_530 = arith.constant 0 : i32
      %sign3A_531 = arith.cmpi slt, %add3A_490, %sign3A_530 : i32
      %sign3A_532 = arith.extui %sign3A_531 : i1 to i32
      %sign3A_533 = arith.subi %sign3A_529, %sign3A_532 : i32
      %sign3A_534 = arith.constant 0 : i32
      %sign3A_535 = arith.cmpi sgt, %jit3A_525, %sign3A_534 : i32
      %sign3A_536 = arith.extui %sign3A_535 : i1 to i32
      %sign3A_537 = arith.constant 0 : i32
      %sign3A_538 = arith.cmpi slt, %jit3A_525, %sign3A_537 : i32
      %sign3A_539 = arith.extui %sign3A_538 : i1 to i32
      %sign3A_540 = arith.subi %sign3A_536, %sign3A_539 : i32
      %ne3A_541 = arith.cmpi ne, %sign3A_533, %sign3A_540 : i32
      %rem3A_542 = arith.remsi %add3A_490, %jit3A_525 : i32
      %ne3A_543 = arith.constant 0 : i32
      %ne3A_544 = arith.cmpi ne, %rem3A_542, %ne3A_543 : i32
      %and3A_545 = arith.andi %ne3A_541, %ne3A_544 : i1
      %sub3A_546 = arith.constant 1 : i32
      %sub3A_547 = arith.subi %div3A_526, %sub3A_546 : i32
      %select_n3A_548 = arith.select %and3A_545, %sub3A_547, %div3A_526 : i32
      %mul3A_549 = arith.constant 448 : i32
      %mul3A_550 = arith.muli %select_n3A_548, %mul3A_549 : i32
      %dma_start3A_551 = arith.constant 1 : i32
      %dma_start3A_552 = arith.constant 1 : i32
      %dma_start3A_553 = arith.constant 0 : i32
      %dma_start3A_554 = arith.constant 0 : i32
      %dma_start3A_555 = tpu.memref_slice %arg7[%dma_start3A_551, %dma_start3A_553, %dma_start3A_554] : memref<4x32x449xf32, #tpu.memory_space<vmem>> -> memref<1x32x448xf32, #tpu.memory_space<vmem>>
      %dma_start3A_556 = tpu.memref_squeeze %dma_start3A_555 : memref<1x32x448xf32, #tpu.memory_space<vmem>> -> memref<32x448xf32, #tpu.memory_space<vmem>>
      %dma_start3A_557 = arith.constant 0 : i32
      %dma_start3A_558 = tpu.memref_slice %arg4[%select_n3A_524, %dma_start3A_557, %mul3A_550] : memref<27x32x50000xf32, #tpu.memory_space<hbm>> -> memref<1x32x448xf32, #tpu.memory_space<hbm>>
      %dma_start3A_559 = tpu.memref_squeeze %dma_start3A_558 : memref<1x32x448xf32, #tpu.memory_space<hbm>> -> memref<32x448xf32, #tpu.memory_space<hbm>>
      %dma_start3A_560 = tpu.memref_slice %arg9[%dma_start3A_552] : memref<4x!tpu.dma_semaphore, #tpu.memory_space<semaphore_mem>> -> memref<1x!tpu.dma_semaphore, #tpu.memory_space<semaphore_mem>>
      %dma_start3A_561 = tpu.memref_squeeze %dma_start3A_560 : memref<1x!tpu.dma_semaphore, #tpu.memory_space<semaphore_mem>> -> memref<!tpu.dma_semaphore, #tpu.memory_space<semaphore_mem>>
      %dma_start3A_562 = arith.constant 0 : i32
      %dma_start3A_563 = tpu.memref_slice %arg4[%select_n3A_524, %dma_start3A_562, %mul3A_550] : memref<27x32x50000xf32, #tpu.memory_space<hbm>> -> memref<1x32x448xf32, #tpu.memory_space<hbm>>
      %dma_start3A_564 = tpu.memref_squeeze %dma_start3A_563 : memref<1x32x448xf32, #tpu.memory_space<hbm>> -> memref<32x448xf32, #tpu.memory_space<hbm>>
      %dma_start3A_565 = arith.constant 0 : i32
      %dma_start3A_566 = arith.constant 0 : i32
      %dma_start3A_567 = tpu.memref_slice %arg7[%dma_start3A_551, %dma_start3A_565, %dma_start3A_566] : memref<4x32x449xf32, #tpu.memory_space<vmem>> -> memref<1x32x448xf32, #tpu.memory_space<vmem>>
      %dma_start3A_568 = tpu.memref_squeeze %dma_start3A_567 : memref<1x32x448xf32, #tpu.memory_space<vmem>> -> memref<32x448xf32, #tpu.memory_space<vmem>>
      tpu.enqueue_dma source(%dma_start3A_568 : memref<32x448xf32, #tpu.memory_space<vmem>>) target(%dma_start3A_564 : memref<32x448xf32, #tpu.memory_space<hbm>>) target_semaphore(%dma_start3A_561 : memref<!tpu.dma_semaphore, #tpu.memory_space<semaphore_mem>>)
      %mul3A_569 = arith.constant 4 : i32
      %mul3A_570 = arith.muli %scan3A_111, %mul3A_569 : i32
      %add3A_571 = arith.constant 2 : i32
      %add3A_572 = arith.addi %mul3A_570, %add3A_571 : i32
      %mul3A_573 = arith.constant 32 : i32
      %mul3A_574 = arith.muli %add3A_572, %mul3A_573 : i32
      %add3A_575 = arith.addi %add3A, %mul3A_574 : i32
      %dma_wait3A_576 = arith.constant 2 : i32
      %dma_wait3A_577 = arith.constant 2 : i32
      %dma_wait3A_578 = arith.constant 2 : i32
      %dma_wait3A_579 = arith.constant 0 : i32
      %dma_wait3A_580 = arith.constant 0 : i32
      %dma_wait3A_581 = tpu.memref_slice %arg6[%dma_wait3A_577, %dma_wait3A_579, %dma_wait3A_580] : memref<4x448x32xf32, #tpu.memory_space<vmem>> -> memref<1x448x32xf32, #tpu.memory_space<vmem>>
      %dma_wait3A_582 = tpu.memref_squeeze %dma_wait3A_581 : memref<1x448x32xf32, #tpu.memory_space<vmem>> -> memref<448x32xf32, #tpu.memory_space<vmem>>
      %dma_wait3A_583 = arith.constant 0 : i32
      %dma_wait3A_584 = tpu.memref_slice %arg5[%dma_wait3A_576, %dma_wait3A_583] : memref<4x448xi32, #tpu.memory_space<vmem>> -> memref<1x448xi32, #tpu.memory_space<vmem>>
      %dma_wait3A_585 = tpu.memref_squeeze %dma_wait3A_584 : memref<1x448xi32, #tpu.memory_space<vmem>> -> memref<448xi32, #tpu.memory_space<vmem>>
      %dma_wait3A_586 = arith.constant 0 : i32
      %dma_wait3A_587 = arith.constant 0 : i32
      %dma_wait3A_588 = tpu.memref_slice %arg2[%dma_wait3A_586, %dma_wait3A_587] : memref<50001x32xf32, #tpu.memory_space<hbm>> -> memref<50001x32xf32, #tpu.memory_space<hbm>>
      %dma_wait3A_589 = tpu.memref_slice %arg8[%dma_wait3A_578] : memref<4x!tpu.dma_semaphore, #tpu.memory_space<semaphore_mem>> -> memref<1x!tpu.dma_semaphore, #tpu.memory_space<semaphore_mem>>
      %dma_wait3A_590 = tpu.memref_squeeze %dma_wait3A_589 : memref<1x!tpu.dma_semaphore, #tpu.memory_space<semaphore_mem>> -> memref<!tpu.dma_semaphore, #tpu.memory_space<semaphore_mem>>
      tpu.wait_indirect_dma semaphore(%dma_wait3A_590 : memref<!tpu.dma_semaphore, #tpu.memory_space<semaphore_mem>>) src(%dma_wait3A_588 : memref<50001x32xf32, #tpu.memory_space<hbm>>) dst(%dma_wait3A_582 : memref<448x32xf32, #tpu.memory_space<vmem>>)
      %parallel_loop3A_591 = arith.constant 0 : i32
      %parallel_loop3A_592 = arith.constant 448 : i32
      %parallel_loop3A_593 = arith.constant 1 : i32
      scf.for %parallel_loop3A_739 = %parallel_loop3A_591 to %parallel_loop3A_592 step %parallel_loop3A_593  : i32 {
        %parallel_loop3A_740 = vector.broadcast %parallel_loop3A_739 : i32 to vector<16xi32>
        %parallel_loop3A_741 = arith.constant 2 : i32
        %parallel_loop3A_742 = arith.index_cast %parallel_loop3A_741 : i32 to index
        %parallel_loop3A_743 = arith.index_cast %parallel_loop3A_739 : i32 to index
        %parallel_loop3A_744 = arith.constant 0 : index
        %parallel_loop3A_745 = tpu.vector_load %arg6[%parallel_loop3A_742, %parallel_loop3A_743, %parallel_loop3A_744] {strides = array<i32>} : memref<4x448x32xf32, #tpu.memory_space<vmem>>, vector<16xf32>,
        %parallel_loop3A_746 = arith.constant 2 : i32
        %parallel_loop3A_747 = arith.constant 0 : i32
        %parallel_loop3A_748 = arith.constant 0 : i32
        %parallel_loop3A_749 = tpu.memref_slice %arg7[%parallel_loop3A_746, %parallel_loop3A_747, %parallel_loop3A_748] : memref<4x32x449xf32, #tpu.memory_space<vmem>> -> memref<1x32x449xf32, #tpu.memory_space<vmem>>
        %parallel_loop3A_750 = tpu.memref_squeeze %parallel_loop3A_749 : memref<1x32x449xf32, #tpu.memory_space<vmem>> -> memref<32x449xf32, #tpu.memory_space<vmem>>
        tpu.vector_store_idx %parallel_loop3A_750[%add3A_6, %parallel_loop3A_740], %parallel_loop3A_745 : memref<32x449xf32, #tpu.memory_space<vmem>>[vector<16xi32>, vector<16xi32>], vector<16xf32>,
        %parallel_loop3A_751 = arith.constant 2 : i32
        %parallel_loop3A_752 = arith.index_cast %parallel_loop3A_751 : i32 to index
        %parallel_loop3A_753 = arith.index_cast %parallel_loop3A_739 : i32 to index
        %parallel_loop3A_754 = arith.constant 16 : index
        %parallel_loop3A_755 = tpu.vector_load %arg6[%parallel_loop3A_752, %parallel_loop3A_753, %parallel_loop3A_754] {strides = array<i32>} : memref<4x448x32xf32, #tpu.memory_space<vmem>>, vector<16xf32>,
        %parallel_loop3A_756 = arith.constant 2 : i32
        %parallel_loop3A_757 = arith.constant 0 : i32
        %parallel_loop3A_758 = arith.constant 0 : i32
        %parallel_loop3A_759 = tpu.memref_slice %arg7[%parallel_loop3A_756, %parallel_loop3A_757, %parallel_loop3A_758] : memref<4x32x449xf32, #tpu.memory_space<vmem>> -> memref<1x32x449xf32, #tpu.memory_space<vmem>>
        %parallel_loop3A_760 = tpu.memref_squeeze %parallel_loop3A_759 : memref<1x32x449xf32, #tpu.memory_space<vmem>> -> memref<32x449xf32, #tpu.memory_space<vmem>>
        tpu.vector_store_idx %parallel_loop3A_760[%add3A_9, %parallel_loop3A_740], %parallel_loop3A_755 : memref<32x449xf32, #tpu.memory_space<vmem>>[vector<16xi32>, vector<16xi32>], vector<16xf32>,
      } {sc.loop_unroll_factor = 4 : i64, sc.parallel_access}
      %jit3A_594 = arith.constant 27 : i32
      %eq3A_595 = arith.constant 0 : i32
      %eq3A_596 = arith.cmpi eq, %jit3A_594, %eq3A_595 : i32
      %jit3A_597 = arith.constant 1 : i32
      %select_n3A_598 = arith.select %eq3A_596, %jit3A_597, %jit3A_594 : i32
      %rem3A_599 = arith.remsi %add3A_575, %select_n3A_598 : i32
      %ne3A_600 = arith.constant 0 : i32
      %ne3A_601 = arith.cmpi ne, %rem3A_599, %ne3A_600 : i32
      %lt3A_602 = arith.constant 0 : i32
      %lt3A_603 = arith.cmpi slt, %rem3A_599, %lt3A_602 : i32
      %lt3A_604 = arith.constant 0 : i32
      %lt3A_605 = arith.cmpi slt, %select_n3A_598, %lt3A_604 : i32
      %ne3A_606 = arith.xori %lt3A_603, %lt3A_605 : i1
      %and3A_607 = arith.andi %ne3A_606, %ne3A_601 : i1
      %add3A_608 = arith.addi %rem3A_599, %select_n3A_598 : i32
      %select_n3A_609 = arith.select %and3A_607, %add3A_608, %rem3A_599 : i32
      %jit3A_610 = arith.constant 27 : i32
      %div3A_611 = arith.divsi %add3A_575, %jit3A_610 : i32
      %sign3A_612 = arith.constant 0 : i32
      %sign3A_613 = arith.cmpi sgt, %add3A_575, %sign3A_612 : i32
      %sign3A_614 = arith.extui %sign3A_613 : i1 to i32
      %sign3A_615 = arith.constant 0 : i32
      %sign3A_616 = arith.cmpi slt, %add3A_575, %sign3A_615 : i32
      %sign3A_617 = arith.extui %sign3A_616 : i1 to i32
      %sign3A_618 = arith.subi %sign3A_614, %sign3A_617 : i32
      %sign3A_619 = arith.constant 0 : i32
      %sign3A_620 = arith.cmpi sgt, %jit3A_610, %sign3A_619 : i32
      %sign3A_621 = arith.extui %sign3A_620 : i1 to i32
      %sign3A_622 = arith.constant 0 : i32
      %sign3A_623 = arith.cmpi slt, %jit3A_610, %sign3A_622 : i32
      %sign3A_624 = arith.extui %sign3A_623 : i1 to i32
      %sign3A_625 = arith.subi %sign3A_621, %sign3A_624 : i32
      %ne3A_626 = arith.cmpi ne, %sign3A_618, %sign3A_625 : i32
      %rem3A_627 = arith.remsi %add3A_575, %jit3A_610 : i32
      %ne3A_628 = arith.constant 0 : i32
      %ne3A_629 = arith.cmpi ne, %rem3A_627, %ne3A_628 : i32
      %and3A_630 = arith.andi %ne3A_626, %ne3A_629 : i1
      %sub3A_631 = arith.constant 1 : i32
      %sub3A_632 = arith.subi %div3A_611, %sub3A_631 : i32
      %select_n3A_633 = arith.select %and3A_630, %sub3A_632, %div3A_611 : i32
      %mul3A_634 = arith.constant 448 : i32
      %mul3A_635 = arith.muli %select_n3A_633, %mul3A_634 : i32
      %dma_start3A_636 = arith.constant 2 : i32
      %dma_start3A_637 = arith.constant 2 : i32
      %dma_start3A_638 = arith.constant 0 : i32
      %dma_start3A_639 = arith.constant 0 : i32
      %dma_start3A_640 = tpu.memref_slice %arg7[%dma_start3A_636, %dma_start3A_638, %dma_start3A_639] : memref<4x32x449xf32, #tpu.memory_space<vmem>> -> memref<1x32x448xf32, #tpu.memory_space<vmem>>
      %dma_start3A_641 = tpu.memref_squeeze %dma_start3A_640 : memref<1x32x448xf32, #tpu.memory_space<vmem>> -> memref<32x448xf32, #tpu.memory_space<vmem>>
      %dma_start3A_642 = arith.constant 0 : i32
      %dma_start3A_643 = tpu.memref_slice %arg4[%select_n3A_609, %dma_start3A_642, %mul3A_635] : memref<27x32x50000xf32, #tpu.memory_space<hbm>> -> memref<1x32x448xf32, #tpu.memory_space<hbm>>
      %dma_start3A_644 = tpu.memref_squeeze %dma_start3A_643 : memref<1x32x448xf32, #tpu.memory_space<hbm>> -> memref<32x448xf32, #tpu.memory_space<hbm>>
      %dma_start3A_645 = tpu.memref_slice %arg9[%dma_start3A_637] : memref<4x!tpu.dma_semaphore, #tpu.memory_space<semaphore_mem>> -> memref<1x!tpu.dma_semaphore, #tpu.memory_space<semaphore_mem>>
      %dma_start3A_646 = tpu.memref_squeeze %dma_start3A_645 : memref<1x!tpu.dma_semaphore, #tpu.memory_space<semaphore_mem>> -> memref<!tpu.dma_semaphore, #tpu.memory_space<semaphore_mem>>
      %dma_start3A_647 = arith.constant 0 : i32
      %dma_start3A_648 = tpu.memref_slice %arg4[%select_n3A_609, %dma_start3A_647, %mul3A_635] : memref<27x32x50000xf32, #tpu.memory_space<hbm>> -> memref<1x32x448xf32, #tpu.memory_space<hbm>>
      %dma_start3A_649 = tpu.memref_squeeze %dma_start3A_648 : memref<1x32x448xf32, #tpu.memory_space<hbm>> -> memref<32x448xf32, #tpu.memory_space<hbm>>
      %dma_start3A_650 = arith.constant 0 : i32
      %dma_start3A_651 = arith.constant 0 : i32
      %dma_start3A_652 = tpu.memref_slice %arg7[%dma_start3A_636, %dma_start3A_650, %dma_start3A_651] : memref<4x32x449xf32, #tpu.memory_space<vmem>> -> memref<1x32x448xf32, #tpu.memory_space<vmem>>
      %dma_start3A_653 = tpu.memref_squeeze %dma_start3A_652 : memref<1x32x448xf32, #tpu.memory_space<vmem>> -> memref<32x448xf32, #tpu.memory_space<vmem>>
      tpu.enqueue_dma source(%dma_start3A_653 : memref<32x448xf32, #tpu.memory_space<vmem>>) target(%dma_start3A_649 : memref<32x448xf32, #tpu.memory_space<hbm>>) target_semaphore(%dma_start3A_646 : memref<!tpu.dma_semaphore, #tpu.memory_space<semaphore_mem>>)
      %mul3A_654 = arith.constant 4 : i32
      %mul3A_655 = arith.muli %scan3A_111, %mul3A_654 : i32
      %add3A_656 = arith.constant 3 : i32
      %add3A_657 = arith.addi %mul3A_655, %add3A_656 : i32
      %mul3A_658 = arith.constant 32 : i32
      %mul3A_659 = arith.muli %add3A_657, %mul3A_658 : i32
      %add3A_660 = arith.addi %add3A, %mul3A_659 : i32
      %dma_wait3A_661 = arith.constant 3 : i32
      %dma_wait3A_662 = arith.constant 3 : i32
      %dma_wait3A_663 = arith.constant 3 : i32
      %dma_wait3A_664 = arith.constant 0 : i32
      %dma_wait3A_665 = arith.constant 0 : i32
      %dma_wait3A_666 = tpu.memref_slice %arg6[%dma_wait3A_662, %dma_wait3A_664, %dma_wait3A_665] : memref<4x448x32xf32, #tpu.memory_space<vmem>> -> memref<1x448x32xf32, #tpu.memory_space<vmem>>
      %dma_wait3A_667 = tpu.memref_squeeze %dma_wait3A_666 : memref<1x448x32xf32, #tpu.memory_space<vmem>> -> memref<448x32xf32, #tpu.memory_space<vmem>>
      %dma_wait3A_668 = arith.constant 0 : i32
      %dma_wait3A_669 = tpu.memref_slice %arg5[%dma_wait3A_661, %dma_wait3A_668] : memref<4x448xi32, #tpu.memory_space<vmem>> -> memref<1x448xi32, #tpu.memory_space<vmem>>
      %dma_wait3A_670 = tpu.memref_squeeze %dma_wait3A_669 : memref<1x448xi32, #tpu.memory_space<vmem>> -> memref<448xi32, #tpu.memory_space<vmem>>
      %dma_wait3A_671 = arith.constant 0 : i32
      %dma_wait3A_672 = arith.constant 0 : i32
      %dma_wait3A_673 = tpu.memref_slice %arg2[%dma_wait3A_671, %dma_wait3A_672] : memref<50001x32xf32, #tpu.memory_space<hbm>> -> memref<50001x32xf32, #tpu.memory_space<hbm>>
      %dma_wait3A_674 = tpu.memref_slice %arg8[%dma_wait3A_663] : memref<4x!tpu.dma_semaphore, #tpu.memory_space<semaphore_mem>> -> memref<1x!tpu.dma_semaphore, #tpu.memory_space<semaphore_mem>>
      %dma_wait3A_675 = tpu.memref_squeeze %dma_wait3A_674 : memref<1x!tpu.dma_semaphore, #tpu.memory_space<semaphore_mem>> -> memref<!tpu.dma_semaphore, #tpu.memory_space<semaphore_mem>>
      tpu.wait_indirect_dma semaphore(%dma_wait3A_675 : memref<!tpu.dma_semaphore, #tpu.memory_space<semaphore_mem>>) src(%dma_wait3A_673 : memref<50001x32xf32, #tpu.memory_space<hbm>>) dst(%dma_wait3A_667 : memref<448x32xf32, #tpu.memory_space<vmem>>)
      %parallel_loop3A_676 = arith.constant 0 : i32
      %parallel_loop3A_677 = arith.constant 448 : i32
      %parallel_loop3A_678 = arith.constant 1 : i32
      scf.for %parallel_loop3A_739 = %parallel_loop3A_676 to %parallel_loop3A_677 step %parallel_loop3A_678  : i32 {
        %parallel_loop3A_740 = vector.broadcast %parallel_loop3A_739 : i32 to vector<16xi32>
        %parallel_loop3A_741 = arith.constant 3 : i32
        %parallel_loop3A_742 = arith.index_cast %parallel_loop3A_741 : i32 to index
        %parallel_loop3A_743 = arith.index_cast %parallel_loop3A_739 : i32 to index
        %parallel_loop3A_744 = arith.constant 0 : index
        %parallel_loop3A_745 = tpu.vector_load %arg6[%parallel_loop3A_742, %parallel_loop3A_743, %parallel_loop3A_744] {strides = array<i32>} : memref<4x448x32xf32, #tpu.memory_space<vmem>>, vector<16xf32>,
        %parallel_loop3A_746 = arith.constant 3 : i32
        %parallel_loop3A_747 = arith.constant 0 : i32
        %parallel_loop3A_748 = arith.constant 0 : i32
        %parallel_loop3A_749 = tpu.memref_slice %arg7[%parallel_loop3A_746, %parallel_loop3A_747, %parallel_loop3A_748] : memref<4x32x449xf32, #tpu.memory_space<vmem>> -> memref<1x32x449xf32, #tpu.memory_space<vmem>>
        %parallel_loop3A_750 = tpu.memref_squeeze %parallel_loop3A_749 : memref<1x32x449xf32, #tpu.memory_space<vmem>> -> memref<32x449xf32, #tpu.memory_space<vmem>>
        tpu.vector_store_idx %parallel_loop3A_750[%add3A_6, %parallel_loop3A_740], %parallel_loop3A_745 : memref<32x449xf32, #tpu.memory_space<vmem>>[vector<16xi32>, vector<16xi32>], vector<16xf32>,
        %parallel_loop3A_751 = arith.constant 3 : i32
        %parallel_loop3A_752 = arith.index_cast %parallel_loop3A_751 : i32 to index
        %parallel_loop3A_753 = arith.index_cast %parallel_loop3A_739 : i32 to index
        %parallel_loop3A_754 = arith.constant 16 : index
        %parallel_loop3A_755 = tpu.vector_load %arg6[%parallel_loop3A_752, %parallel_loop3A_753, %parallel_loop3A_754] {strides = array<i32>} : memref<4x448x32xf32, #tpu.memory_space<vmem>>, vector<16xf32>,
        %parallel_loop3A_756 = arith.constant 3 : i32
        %parallel_loop3A_757 = arith.constant 0 : i32
        %parallel_loop3A_758 = arith.constant 0 : i32
        %parallel_loop3A_759 = tpu.memref_slice %arg7[%parallel_loop3A_756, %parallel_loop3A_757, %parallel_loop3A_758] : memref<4x32x449xf32, #tpu.memory_space<vmem>> -> memref<1x32x449xf32, #tpu.memory_space<vmem>>
        %parallel_loop3A_760 = tpu.memref_squeeze %parallel_loop3A_759 : memref<1x32x449xf32, #tpu.memory_space<vmem>> -> memref<32x449xf32, #tpu.memory_space<vmem>>
        tpu.vector_store_idx %parallel_loop3A_760[%add3A_9, %parallel_loop3A_740], %parallel_loop3A_755 : memref<32x449xf32, #tpu.memory_space<vmem>>[vector<16xi32>, vector<16xi32>], vector<16xf32>,
      } {sc.loop_unroll_factor = 4 : i64, sc.parallel_access}
      %jit3A_679 = arith.constant 27 : i32
      %eq3A_680 = arith.constant 0 : i32
      %eq3A_681 = arith.cmpi eq, %jit3A_679, %eq3A_680 : i32
      %jit3A_682 = arith.constant 1 : i32
      %select_n3A_683 = arith.select %eq3A_681, %jit3A_682, %jit3A_679 : i32
      %rem3A_684 = arith.remsi %add3A_660, %select_n3A_683 : i32
      %ne3A_685 = arith.constant 0 : i32
      %ne3A_686 = arith.cmpi ne, %rem3A_684, %ne3A_685 : i32
      %lt3A_687 = arith.constant 0 : i32
      %lt3A_688 = arith.cmpi slt, %rem3A_684, %lt3A_687 : i32
      %lt3A_689 = arith.constant 0 : i32
      %lt3A_690 = arith.cmpi slt, %select_n3A_683, %lt3A_689 : i32
      %ne3A_691 = arith.xori %lt3A_688, %lt3A_690 : i1
      %and3A_692 = arith.andi %ne3A_691, %ne3A_686 : i1
      %add3A_693 = arith.addi %rem3A_684, %select_n3A_683 : i32
      %select_n3A_694 = arith.select %and3A_692, %add3A_693, %rem3A_684 : i32
      %jit3A_695 = arith.constant 27 : i32
      %div3A_696 = arith.divsi %add3A_660, %jit3A_695 : i32
      %sign3A_697 = arith.constant 0 : i32
      %sign3A_698 = arith.cmpi sgt, %add3A_660, %sign3A_697 : i32
      %sign3A_699 = arith.extui %sign3A_698 : i1 to i32
      %sign3A_700 = arith.constant 0 : i32
      %sign3A_701 = arith.cmpi slt, %add3A_660, %sign3A_700 : i32
      %sign3A_702 = arith.extui %sign3A_701 : i1 to i32
      %sign3A_703 = arith.subi %sign3A_699, %sign3A_702 : i32
      %sign3A_704 = arith.constant 0 : i32
      %sign3A_705 = arith.cmpi sgt, %jit3A_695, %sign3A_704 : i32
      %sign3A_706 = arith.extui %sign3A_705 : i1 to i32
      %sign3A_707 = arith.constant 0 : i32
      %sign3A_708 = arith.cmpi slt, %jit3A_695, %sign3A_707 : i32
      %sign3A_709 = arith.extui %sign3A_708 : i1 to i32
      %sign3A_710 = arith.subi %sign3A_706, %sign3A_709 : i32
      %ne3A_711 = arith.cmpi ne, %sign3A_703, %sign3A_710 : i32
      %rem3A_712 = arith.remsi %add3A_660, %jit3A_695 : i32
      %ne3A_713 = arith.constant 0 : i32
      %ne3A_714 = arith.cmpi ne, %rem3A_712, %ne3A_713 : i32
      %and3A_715 = arith.andi %ne3A_711, %ne3A_714 : i1
      %sub3A_716 = arith.constant 1 : i32
      %sub3A_717 = arith.subi %div3A_696, %sub3A_716 : i32
      %select_n3A_718 = arith.select %and3A_715, %sub3A_717, %div3A_696 : i32
      %mul3A_719 = arith.constant 448 : i32
      %mul3A_720 = arith.muli %select_n3A_718, %mul3A_719 : i32
      %dma_start3A_721 = arith.constant 3 : i32
      %dma_start3A_722 = arith.constant 3 : i32
      %dma_start3A_723 = arith.constant 0 : i32
      %dma_start3A_724 = arith.constant 0 : i32
      %dma_start3A_725 = tpu.memref_slice %arg7[%dma_start3A_721, %dma_start3A_723, %dma_start3A_724] : memref<4x32x449xf32, #tpu.memory_space<vmem>> -> memref<1x32x448xf32, #tpu.memory_space<vmem>>
      %dma_start3A_726 = tpu.memref_squeeze %dma_start3A_725 : memref<1x32x448xf32, #tpu.memory_space<vmem>> -> memref<32x448xf32, #tpu.memory_space<vmem>>
      %dma_start3A_727 = arith.constant 0 : i32
      %dma_start3A_728 = tpu.memref_slice %arg4[%select_n3A_694, %dma_start3A_727, %mul3A_720] : memref<27x32x50000xf32, #tpu.memory_space<hbm>> -> memref<1x32x448xf32, #tpu.memory_space<hbm>>
      %dma_start3A_729 = tpu.memref_squeeze %dma_start3A_728 : memref<1x32x448xf32, #tpu.memory_space<hbm>> -> memref<32x448xf32, #tpu.memory_space<hbm>>
      %dma_start3A_730 = tpu.memref_slice %arg9[%dma_start3A_722] : memref<4x!tpu.dma_semaphore, #tpu.memory_space<semaphore_mem>> -> memref<1x!tpu.dma_semaphore, #tpu.memory_space<semaphore_mem>>
      %dma_start3A_731 = tpu.memref_squeeze %dma_start3A_730 : memref<1x!tpu.dma_semaphore, #tpu.memory_space<semaphore_mem>> -> memref<!tpu.dma_semaphore, #tpu.memory_space<semaphore_mem>>
      %dma_start3A_732 = arith.constant 0 : i32
      %dma_start3A_733 = tpu.memref_slice %arg4[%select_n3A_694, %dma_start3A_732, %mul3A_720] : memref<27x32x50000xf32, #tpu.memory_space<hbm>> -> memref<1x32x448xf32, #tpu.memory_space<hbm>>
      %dma_start3A_734 = tpu.memref_squeeze %dma_start3A_733 : memref<1x32x448xf32, #tpu.memory_space<hbm>> -> memref<32x448xf32, #tpu.memory_space<hbm>>
      %dma_start3A_735 = arith.constant 0 : i32
      %dma_start3A_736 = arith.constant 0 : i32
      %dma_start3A_737 = tpu.memref_slice %arg7[%dma_start3A_721, %dma_start3A_735, %dma_start3A_736] : memref<4x32x449xf32, #tpu.memory_space<vmem>> -> memref<1x32x448xf32, #tpu.memory_space<vmem>>
      %dma_start3A_738 = tpu.memref_squeeze %dma_start3A_737 : memref<1x32x448xf32, #tpu.memory_space<vmem>> -> memref<32x448xf32, #tpu.memory_space<vmem>>
      tpu.enqueue_dma source(%dma_start3A_738 : memref<32x448xf32, #tpu.memory_space<vmem>>) target(%dma_start3A_734 : memref<32x448xf32, #tpu.memory_space<hbm>>) target_semaphore(%dma_start3A_731 : memref<!tpu.dma_semaphore, #tpu.memory_space<semaphore_mem>>)
    }
    %scan3A_14 = arith.constant 23 : i32
    %dma_wait3A = arith.constant 0 : i32
    %dma_wait3A_15 = arith.constant 0 : i32
    %dma_wait3A_16 = arith.constant 0 : i32
    %dma_wait3A_17 = arith.constant 0 : i32
    %dma_wait3A_18 = arith.constant 0 : i32
    %dma_wait3A_19 = tpu.memref_slice %arg7[%dma_wait3A, %dma_wait3A_17, %dma_wait3A_18] : memref<4x32x449xf32, #tpu.memory_space<vmem>> -> memref<1x32x448xf32, #tpu.memory_space<vmem>>
    %dma_wait3A_20 = tpu.memref_squeeze %dma_wait3A_19 : memref<1x32x448xf32, #tpu.memory_space<vmem>> -> memref<32x448xf32, #tpu.memory_space<vmem>>
    %dma_wait3A_21 = arith.constant 0 : i32
    %dma_wait3A_22 = arith.constant 0 : i32
    %dma_wait3A_23 = tpu.memref_slice %arg4[%dma_wait3A_15, %dma_wait3A_21, %dma_wait3A_22] : memref<27x32x50000xf32, #tpu.memory_space<hbm>> -> memref<1x32x448xf32, #tpu.memory_space<hbm>>
    %dma_wait3A_24 = tpu.memref_squeeze %dma_wait3A_23 : memref<1x32x448xf32, #tpu.memory_space<hbm>> -> memref<32x448xf32, #tpu.memory_space<hbm>>
    %dma_wait3A_25 = tpu.memref_slice %arg9[%dma_wait3A_16] : memref<4x!tpu.dma_semaphore, #tpu.memory_space<semaphore_mem>> -> memref<1x!tpu.dma_semaphore, #tpu.memory_space<semaphore_mem>>
    %dma_wait3A_26 = tpu.memref_squeeze %dma_wait3A_25 : memref<1x!tpu.dma_semaphore, #tpu.memory_space<semaphore_mem>> -> memref<!tpu.dma_semaphore, #tpu.memory_space<semaphore_mem>>
    %dma_wait3A_27 = arith.constant 0 : i32
    %dma_wait3A_28 = arith.constant 0 : i32
    %dma_wait3A_29 = tpu.memref_slice %arg4[%dma_wait3A_15, %dma_wait3A_27, %dma_wait3A_28] : memref<27x32x50000xf32, #tpu.memory_space<hbm>> -> memref<1x32x448xf32, #tpu.memory_space<hbm>>
    %dma_wait3A_30 = tpu.memref_squeeze %dma_wait3A_29 : memref<1x32x448xf32, #tpu.memory_space<hbm>> -> memref<32x448xf32, #tpu.memory_space<hbm>>
    %dma_wait3A_31 = arith.constant 0 : i32
    %dma_wait3A_32 = arith.constant 0 : i32
    %dma_wait3A_33 = tpu.memref_slice %arg7[%dma_wait3A, %dma_wait3A_31, %dma_wait3A_32] : memref<4x32x449xf32, #tpu.memory_space<vmem>> -> memref<1x32x448xf32, #tpu.memory_space<vmem>>
    %dma_wait3A_34 = tpu.memref_squeeze %dma_wait3A_33 : memref<1x32x448xf32, #tpu.memory_space<vmem>> -> memref<32x448xf32, #tpu.memory_space<vmem>>
    tpu.wait_dma2 semaphore(%dma_wait3A_26 : memref<!tpu.dma_semaphore, #tpu.memory_space<semaphore_mem>>) src(%dma_wait3A_34 : memref<32x448xf32, #tpu.memory_space<vmem>>) dst(%dma_wait3A_30 : memref<32x448xf32, #tpu.memory_space<hbm>>)
    %dma_wait3A_35 = arith.constant 1 : i32
    %dma_wait3A_36 = arith.constant 0 : i32
    %dma_wait3A_37 = arith.constant 1 : i32
    %dma_wait3A_38 = arith.constant 0 : i32
    %dma_wait3A_39 = arith.constant 0 : i32
    %dma_wait3A_40 = tpu.memref_slice %arg7[%dma_wait3A_35, %dma_wait3A_38, %dma_wait3A_39] : memref<4x32x449xf32, #tpu.memory_space<vmem>> -> memref<1x32x448xf32, #tpu.memory_space<vmem>>
    %dma_wait3A_41 = tpu.memref_squeeze %dma_wait3A_40 : memref<1x32x448xf32, #tpu.memory_space<vmem>> -> memref<32x448xf32, #tpu.memory_space<vmem>>
    %dma_wait3A_42 = arith.constant 0 : i32
    %dma_wait3A_43 = arith.constant 0 : i32
    %dma_wait3A_44 = tpu.memref_slice %arg4[%dma_wait3A_36, %dma_wait3A_42, %dma_wait3A_43] : memref<27x32x50000xf32, #tpu.memory_space<hbm>> -> memref<1x32x448xf32, #tpu.memory_space<hbm>>
    %dma_wait3A_45 = tpu.memref_squeeze %dma_wait3A_44 : memref<1x32x448xf32, #tpu.memory_space<hbm>> -> memref<32x448xf32, #tpu.memory_space<hbm>>
    %dma_wait3A_46 = tpu.memref_slice %arg9[%dma_wait3A_37] : memref<4x!tpu.dma_semaphore, #tpu.memory_space<semaphore_mem>> -> memref<1x!tpu.dma_semaphore, #tpu.memory_space<semaphore_mem>>
    %dma_wait3A_47 = tpu.memref_squeeze %dma_wait3A_46 : memref<1x!tpu.dma_semaphore, #tpu.memory_space<semaphore_mem>> -> memref<!tpu.dma_semaphore, #tpu.memory_space<semaphore_mem>>
    %dma_wait3A_48 = arith.constant 0 : i32
    %dma_wait3A_49 = arith.constant 0 : i32
    %dma_wait3A_50 = tpu.memref_slice %arg4[%dma_wait3A_36, %dma_wait3A_48, %dma_wait3A_49] : memref<27x32x50000xf32, #tpu.memory_space<hbm>> -> memref<1x32x448xf32, #tpu.memory_space<hbm>>
    %dma_wait3A_51 = tpu.memref_squeeze %dma_wait3A_50 : memref<1x32x448xf32, #tpu.memory_space<hbm>> -> memref<32x448xf32, #tpu.memory_space<hbm>>
    %dma_wait3A_52 = arith.constant 0 : i32
    %dma_wait3A_53 = arith.constant 0 : i32
    %dma_wait3A_54 = tpu.memref_slice %arg7[%dma_wait3A_35, %dma_wait3A_52, %dma_wait3A_53] : memref<4x32x449xf32, #tpu.memory_space<vmem>> -> memref<1x32x448xf32, #tpu.memory_space<vmem>>
    %dma_wait3A_55 = tpu.memref_squeeze %dma_wait3A_54 : memref<1x32x448xf32, #tpu.memory_space<vmem>> -> memref<32x448xf32, #tpu.memory_space<vmem>>
    tpu.wait_dma2 semaphore(%dma_wait3A_47 : memref<!tpu.dma_semaphore, #tpu.memory_space<semaphore_mem>>) src(%dma_wait3A_55 : memref<32x448xf32, #tpu.memory_space<vmem>>) dst(%dma_wait3A_51 : memref<32x448xf32, #tpu.memory_space<hbm>>)
    %dma_wait3A_56 = arith.constant 2 : i32
    %dma_wait3A_57 = arith.constant 0 : i32
    %dma_wait3A_58 = arith.constant 2 : i32
    %dma_wait3A_59 = arith.constant 0 : i32
    %dma_wait3A_60 = arith.constant 0 : i32
    %dma_wait3A_61 = tpu.memref_slice %arg7[%dma_wait3A_56, %dma_wait3A_59, %dma_wait3A_60] : memref<4x32x449xf32, #tpu.memory_space<vmem>> -> memref<1x32x448xf32, #tpu.memory_space<vmem>>
    %dma_wait3A_62 = tpu.memref_squeeze %dma_wait3A_61 : memref<1x32x448xf32, #tpu.memory_space<vmem>> -> memref<32x448xf32, #tpu.memory_space<vmem>>
    %dma_wait3A_63 = arith.constant 0 : i32
    %dma_wait3A_64 = arith.constant 0 : i32
    %dma_wait3A_65 = tpu.memref_slice %arg4[%dma_wait3A_57, %dma_wait3A_63, %dma_wait3A_64] : memref<27x32x50000xf32, #tpu.memory_space<hbm>> -> memref<1x32x448xf32, #tpu.memory_space<hbm>>
    %dma_wait3A_66 = tpu.memref_squeeze %dma_wait3A_65 : memref<1x32x448xf32, #tpu.memory_space<hbm>> -> memref<32x448xf32, #tpu.memory_space<hbm>>
    %dma_wait3A_67 = tpu.memref_slice %arg9[%dma_wait3A_58] : memref<4x!tpu.dma_semaphore, #tpu.memory_space<semaphore_mem>> -> memref<1x!tpu.dma_semaphore, #tpu.memory_space<semaphore_mem>>
    %dma_wait3A_68 = tpu.memref_squeeze %dma_wait3A_67 : memref<1x!tpu.dma_semaphore, #tpu.memory_space<semaphore_mem>> -> memref<!tpu.dma_semaphore, #tpu.memory_space<semaphore_mem>>
    %dma_wait3A_69 = arith.constant 0 : i32
    %dma_wait3A_70 = arith.constant 0 : i32
    %dma_wait3A_71 = tpu.memref_slice %arg4[%dma_wait3A_57, %dma_wait3A_69, %dma_wait3A_70] : memref<27x32x50000xf32, #tpu.memory_space<hbm>> -> memref<1x32x448xf32, #tpu.memory_space<hbm>>
    %dma_wait3A_72 = tpu.memref_squeeze %dma_wait3A_71 : memref<1x32x448xf32, #tpu.memory_space<hbm>> -> memref<32x448xf32, #tpu.memory_space<hbm>>
    %dma_wait3A_73 = arith.constant 0 : i32
    %dma_wait3A_74 = arith.constant 0 : i32
    %dma_wait3A_75 = tpu.memref_slice %arg7[%dma_wait3A_56, %dma_wait3A_73, %dma_wait3A_74] : memref<4x32x449xf32, #tpu.memory_space<vmem>> -> memref<1x32x448xf32, #tpu.memory_space<vmem>>
    %dma_wait3A_76 = tpu.memref_squeeze %dma_wait3A_75 : memref<1x32x448xf32, #tpu.memory_space<vmem>> -> memref<32x448xf32, #tpu.memory_space<vmem>>
    tpu.wait_dma2 semaphore(%dma_wait3A_68 : memref<!tpu.dma_semaphore, #tpu.memory_space<semaphore_mem>>) src(%dma_wait3A_76 : memref<32x448xf32, #tpu.memory_space<vmem>>) dst(%dma_wait3A_72 : memref<32x448xf32, #tpu.memory_space<hbm>>)
    %dma_wait3A_77 = arith.constant 3 : i32
    %dma_wait3A_78 = arith.constant 0 : i32
    %dma_wait3A_79 = arith.constant 3 : i32
    %dma_wait3A_80 = arith.constant 0 : i32
    %dma_wait3A_81 = arith.constant 0 : i32
    %dma_wait3A_82 = tpu.memref_slice %arg7[%dma_wait3A_77, %dma_wait3A_80, %dma_wait3A_81] : memref<4x32x449xf32, #tpu.memory_space<vmem>> -> memref<1x32x448xf32, #tpu.memory_space<vmem>>
    %dma_wait3A_83 = tpu.memref_squeeze %dma_wait3A_82 : memref<1x32x448xf32, #tpu.memory_space<vmem>> -> memref<32x448xf32, #tpu.memory_space<vmem>>
    %dma_wait3A_84 = arith.constant 0 : i32
    %dma_wait3A_85 = arith.constant 0 : i32
    %dma_wait3A_86 = tpu.memref_slice %arg4[%dma_wait3A_78, %dma_wait3A_84, %dma_wait3A_85] : memref<27x32x50000xf32, #tpu.memory_space<hbm>> -> memref<1x32x448xf32, #tpu.memory_space<hbm>>
    %dma_wait3A_87 = tpu.memref_squeeze %dma_wait3A_86 : memref<1x32x448xf32, #tpu.memory_space<hbm>> -> memref<32x448xf32, #tpu.memory_space<hbm>>
    %dma_wait3A_88 = tpu.memref_slice %arg9[%dma_wait3A_79] : memref<4x!tpu.dma_semaphore, #tpu.memory_space<semaphore_mem>> -> memref<1x!tpu.dma_semaphore, #tpu.memory_space<semaphore_mem>>
    %dma_wait3A_89 = tpu.memref_squeeze %dma_wait3A_88 : memref<1x!tpu.dma_semaphore, #tpu.memory_space<semaphore_mem>> -> memref<!tpu.dma_semaphore, #tpu.memory_space<semaphore_mem>>
    %dma_wait3A_90 = arith.constant 0 : i32
    %dma_wait3A_91 = arith.constant 0 : i32
    %dma_wait3A_92 = tpu.memref_slice %arg4[%dma_wait3A_78, %dma_wait3A_90, %dma_wait3A_91] : memref<27x32x50000xf32, #tpu.memory_space<hbm>> -> memref<1x32x448xf32, #tpu.memory_space<hbm>>
    %dma_wait3A_93 = tpu.memref_squeeze %dma_wait3A_92 : memref<1x32x448xf32, #tpu.memory_space<hbm>> -> memref<32x448xf32, #tpu.memory_space<hbm>>
    %dma_wait3A_94 = arith.constant 0 : i32
    %dma_wait3A_95 = arith.constant 0 : i32
    %dma_wait3A_96 = tpu.memref_slice %arg7[%dma_wait3A_77, %dma_wait3A_94, %dma_wait3A_95] : memref<4x32x449xf32, #tpu.memory_space<vmem>> -> memref<1x32x448xf32, #tpu.memory_space<vmem>>
    %dma_wait3A_97 = tpu.memref_squeeze %dma_wait3A_96 : memref<1x32x448xf32, #tpu.memory_space<vmem>> -> memref<32x448xf32, #tpu.memory_space<vmem>>
    tpu.wait_dma2 semaphore(%dma_wait3A_89 : memref<!tpu.dma_semaphore, #tpu.memory_space<semaphore_mem>>) src(%dma_wait3A_97 : memref<32x448xf32, #tpu.memory_space<vmem>>) dst(%dma_wait3A_93 : memref<32x448xf32, #tpu.memory_space<hbm>>)
    %while3A = arith.constant 0 : i32
    %while3A_98 = arith.constant 92 : i32
    %while3A_99 = arith.subi %add3A_3, %while3A_98 : i32
    %while3A_100 = arith.addi %while3A_98, %while3A_99 : i32
    %while3A_101 = arith.constant 1 : i32
    %while3A_102 = arith.divsi %while3A_99, %while3A_101 : i32
    %while3A_103 = arith.muli %while3A_102, %while3A_101 : i32
    %while3A_104 = arith.addi %while3A_98, %while3A_103 : i32
    %while3A_105 = arith.constant 1 : i32
    scf.for %while3A_111 = %while3A_98 to %while3A_104 step %while3A_105  : i32 {
      %mul3A_112 = arith.constant 32 : i32
      %mul3A_113 = arith.muli %while3A_111, %mul3A_112 : i32
      %add3A_114 = arith.addi %add3A, %mul3A_113 : i32
      %jit3A = arith.constant 27 : i32
      %eq3A = arith.constant 0 : i32
      %eq3A_115 = arith.cmpi eq, %jit3A, %eq3A : i32
      %jit3A_116 = arith.constant 1 : i32
      %select_n3A = arith.select %eq3A_115, %jit3A_116, %jit3A : i32
      %rem3A = arith.remsi %add3A_114, %select_n3A : i32
      %ne3A = arith.constant 0 : i32
      %ne3A_117 = arith.cmpi ne, %rem3A, %ne3A : i32
      %lt3A_118 = arith.constant 0 : i32
      %lt3A_119 = arith.cmpi slt, %rem3A, %lt3A_118 : i32
      %lt3A_120 = arith.constant 0 : i32
      %lt3A_121 = arith.cmpi slt, %select_n3A, %lt3A_120 : i32
      %ne3A_122 = arith.xori %lt3A_119, %lt3A_121 : i1
      %and3A = arith.andi %ne3A_122, %ne3A_117 : i1
      %add3A_123 = arith.addi %rem3A, %select_n3A : i32
      %select_n3A_124 = arith.select %and3A, %add3A_123, %rem3A : i32
      %jit3A_125 = arith.constant 27 : i32
      %div3A = arith.divsi %add3A_114, %jit3A_125 : i32
      %sign3A = arith.constant 0 : i32
      %sign3A_126 = arith.cmpi sgt, %add3A_114, %sign3A : i32
      %sign3A_127 = arith.extui %sign3A_126 : i1 to i32
      %sign3A_128 = arith.constant 0 : i32
      %sign3A_129 = arith.cmpi slt, %add3A_114, %sign3A_128 : i32
      %sign3A_130 = arith.extui %sign3A_129 : i1 to i32
      %sign3A_131 = arith.subi %sign3A_127, %sign3A_130 : i32
      %sign3A_132 = arith.constant 0 : i32
      %sign3A_133 = arith.cmpi sgt, %jit3A_125, %sign3A_132 : i32
      %sign3A_134 = arith.extui %sign3A_133 : i1 to i32
      %sign3A_135 = arith.constant 0 : i32
      %sign3A_136 = arith.cmpi slt, %jit3A_125, %sign3A_135 : i32
      %sign3A_137 = arith.extui %sign3A_136 : i1 to i32
      %sign3A_138 = arith.subi %sign3A_134, %sign3A_137 : i32
      %ne3A_139 = arith.cmpi ne, %sign3A_131, %sign3A_138 : i32
      %rem3A_140 = arith.remsi %add3A_114, %jit3A_125 : i32
      %ne3A_141 = arith.constant 0 : i32
      %ne3A_142 = arith.cmpi ne, %rem3A_140, %ne3A_141 : i32
      %and3A_143 = arith.andi %ne3A_139, %ne3A_142 : i1
      %sub3A = arith.constant 1 : i32
      %sub3A_144 = arith.subi %div3A, %sub3A : i32
      %select_n3A_145 = arith.select %and3A_143, %sub3A_144, %div3A : i32
      %mul3A_146 = arith.constant 448 : i32
      %mul3A_147 = arith.muli %select_n3A_145, %mul3A_146 : i32
      %add3A_148 = arith.constant 0 : i32
      %add3A_149 = arith.addi %add3A_148, %select_n3A_124 : i32
      %run_scoped3A = arith.constant 0 : i32
      "tpu.region"() ({
        %run_scoped3A_227 = tpu.sem_alloc : memref<!tpu.dma_semaphore, #tpu.memory_space<semaphore_mem>>
        %dma_start3A_228 = arith.constant 0 : i32
        %dma_start3A_229 = tpu.memref_slice %arg5[%run_scoped3A, %dma_start3A_228] : memref<4x448xi32, #tpu.memory_space<vmem>> -> memref<1x448xi32, #tpu.memory_space<vmem>>
        %dma_start3A_230 = tpu.memref_squeeze %dma_start3A_229 : memref<1x448xi32, #tpu.memory_space<vmem>> -> memref<448xi32, #tpu.memory_space<vmem>>
        %dma_start3A_231 = tpu.memref_slice %arg3[%add3A_149, %mul3A_147] : memref<27x50000xi32, #tpu.memory_space<hbm>> -> memref<1x448xi32, #tpu.memory_space<hbm>>
        %dma_start3A_232 = tpu.memref_squeeze %dma_start3A_231 : memref<1x448xi32, #tpu.memory_space<hbm>> -> memref<448xi32, #tpu.memory_space<hbm>>
        %dma_start3A_233 = arith.constant 0 : i32
        %dma_start3A_234 = tpu.memref_slice %arg5[%run_scoped3A, %dma_start3A_233] : memref<4x448xi32, #tpu.memory_space<vmem>> -> memref<1x448xi32, #tpu.memory_space<vmem>>
        %dma_start3A_235 = tpu.memref_squeeze %dma_start3A_234 : memref<1x448xi32, #tpu.memory_space<vmem>> -> memref<448xi32, #tpu.memory_space<vmem>>
        %dma_start3A_236 = tpu.memref_slice %arg3[%add3A_149, %mul3A_147] : memref<27x50000xi32, #tpu.memory_space<hbm>> -> memref<1x448xi32, #tpu.memory_space<hbm>>
        %dma_start3A_237 = tpu.memref_squeeze %dma_start3A_236 : memref<1x448xi32, #tpu.memory_space<hbm>> -> memref<448xi32, #tpu.memory_space<hbm>>
        tpu.enqueue_dma source(%dma_start3A_237 : memref<448xi32, #tpu.memory_space<hbm>>) target(%dma_start3A_235 : memref<448xi32, #tpu.memory_space<vmem>>) target_semaphore(%run_scoped3A_227 : memref<!tpu.dma_semaphore, #tpu.memory_space<semaphore_mem>>)
        %dma_wait3A_238 = arith.constant 0 : i32
        %dma_wait3A_239 = tpu.memref_slice %arg5[%run_scoped3A, %dma_wait3A_238] : memref<4x448xi32, #tpu.memory_space<vmem>> -> memref<1x448xi32, #tpu.memory_space<vmem>>
        %dma_wait3A_240 = tpu.memref_squeeze %dma_wait3A_239 : memref<1x448xi32, #tpu.memory_space<vmem>> -> memref<448xi32, #tpu.memory_space<vmem>>
        %dma_wait3A_241 = tpu.memref_slice %arg3[%add3A_149, %mul3A_147] : memref<27x50000xi32, #tpu.memory_space<hbm>> -> memref<1x448xi32, #tpu.memory_space<hbm>>
        %dma_wait3A_242 = tpu.memref_squeeze %dma_wait3A_241 : memref<1x448xi32, #tpu.memory_space<hbm>> -> memref<448xi32, #tpu.memory_space<hbm>>
        %dma_wait3A_243 = arith.constant 0 : i32
        %dma_wait3A_244 = tpu.memref_slice %arg5[%run_scoped3A, %dma_wait3A_243] : memref<4x448xi32, #tpu.memory_space<vmem>> -> memref<1x448xi32, #tpu.memory_space<vmem>>
        %dma_wait3A_245 = tpu.memref_squeeze %dma_wait3A_244 : memref<1x448xi32, #tpu.memory_space<vmem>> -> memref<448xi32, #tpu.memory_space<vmem>>
        %dma_wait3A_246 = tpu.memref_slice %arg3[%add3A_149, %mul3A_147] : memref<27x50000xi32, #tpu.memory_space<hbm>> -> memref<1x448xi32, #tpu.memory_space<hbm>>
        %dma_wait3A_247 = tpu.memref_squeeze %dma_wait3A_246 : memref<1x448xi32, #tpu.memory_space<hbm>> -> memref<448xi32, #tpu.memory_space<hbm>>
        tpu.wait_dma2 semaphore(%run_scoped3A_227 : memref<!tpu.dma_semaphore, #tpu.memory_space<semaphore_mem>>) src(%dma_wait3A_247 : memref<448xi32, #tpu.memory_space<hbm>>) dst(%dma_wait3A_245 : memref<448xi32, #tpu.memory_space<vmem>>)
        tpu.yield
      }) : () -> ()
      %parallel_loop3A = arith.constant 0 : i32
      %parallel_loop3A_150 = arith.constant 28 : i32
      %parallel_loop3A_151 = arith.constant 1 : i32
      scf.for %parallel_loop3A_227 = %parallel_loop3A to %parallel_loop3A_150 step %parallel_loop3A_151  : i32 {
        %parallel_loop3A_228 = arith.constant 16 : i32
        %parallel_loop3A_229 = arith.muli %parallel_loop3A_227, %parallel_loop3A_228 : i32
        %parallel_loop3A_230 = arith.constant 0 : i32
        %parallel_loop3A_231 = arith.index_cast %parallel_loop3A_230 : i32 to index
        %parallel_loop3A_232 = arith.index_cast %parallel_loop3A_229 : i32 to index
        %parallel_loop3A_233 = tpu.vector_load %arg5[%parallel_loop3A_231, %parallel_loop3A_232] {strides = array<i32>} : memref<4x448xi32, #tpu.memory_space<vmem>>, vector<16xi32>,
        %parallel_loop3A_234 = arith.constant 1 : i32
        %parallel_loop3A_235 = vector.broadcast %parallel_loop3A_234 : i32 to vector<16xi32>
        %parallel_loop3A_236 = arith.addi %parallel_loop3A_233, %parallel_loop3A_235 : vector<16xi32>
        %parallel_loop3A_237 = arith.constant 0 : i32
        %parallel_loop3A_238 = arith.index_cast %parallel_loop3A_237 : i32 to index
        %parallel_loop3A_239 = arith.index_cast %parallel_loop3A_229 : i32 to index
        %parallel_loop3A_240 = tpu.vector_load %arg5[%parallel_loop3A_238, %parallel_loop3A_239] {strides = array<i32>} : memref<4x448xi32, #tpu.memory_space<vmem>>, vector<16xi32>,
        tpu.vector_store %arg5[%parallel_loop3A_238, %parallel_loop3A_239], %parallel_loop3A_236 {strides = array<i32>} : memref<4x448xi32, #tpu.memory_space<vmem>>, vector<16xi32>,
      } {sc.loop_unroll_factor = 4 : i64, sc.parallel_access}
      %dma_start3A = arith.constant 0 : i32
      %dma_start3A_152 = arith.constant 0 : i32
      %dma_start3A_153 = arith.constant 0 : i32
      %dma_start3A_154 = arith.constant 0 : i32
      %dma_start3A_155 = arith.constant 0 : i32
      %dma_start3A_156 = tpu.memref_slice %arg6[%dma_start3A_152, %dma_start3A_154, %dma_start3A_155] : memref<4x448x32xf32, #tpu.memory_space<vmem>> -> memref<1x448x32xf32, #tpu.memory_space<vmem>>
      %dma_start3A_157 = tpu.memref_squeeze %dma_start3A_156 : memref<1x448x32xf32, #tpu.memory_space<vmem>> -> memref<448x32xf32, #tpu.memory_space<vmem>>
      %dma_start3A_158 = arith.constant 0 : i32
      %dma_start3A_159 = tpu.memref_slice %arg5[%dma_start3A, %dma_start3A_158] : memref<4x448xi32, #tpu.memory_space<vmem>> -> memref<1x448xi32, #tpu.memory_space<vmem>>
      %dma_start3A_160 = tpu.memref_squeeze %dma_start3A_159 : memref<1x448xi32, #tpu.memory_space<vmem>> -> memref<448xi32, #tpu.memory_space<vmem>>
      %dma_start3A_161 = arith.constant 0 : i32
      %dma_start3A_162 = arith.constant 0 : i32
      %dma_start3A_163 = tpu.memref_slice %arg2[%dma_start3A_161, %dma_start3A_162] : memref<50001x32xf32, #tpu.memory_space<hbm>> -> memref<50001x32xf32, #tpu.memory_space<hbm>>
      %dma_start3A_164 = tpu.memref_slice %arg8[%dma_start3A_153] : memref<4x!tpu.dma_semaphore, #tpu.memory_space<semaphore_mem>> -> memref<1x!tpu.dma_semaphore, #tpu.memory_space<semaphore_mem>>
      %dma_start3A_165 = tpu.memref_squeeze %dma_start3A_164 : memref<1x!tpu.dma_semaphore, #tpu.memory_space<semaphore_mem>> -> memref<!tpu.dma_semaphore, #tpu.memory_space<semaphore_mem>>
      tpu.enqueue_indirect_dma source(%dma_start3A_163 : memref<50001x32xf32, #tpu.memory_space<hbm>>) target(%dma_start3A_157 : memref<448x32xf32, #tpu.memory_space<vmem>>) offsets(%dma_start3A_160 : memref<448xi32, #tpu.memory_space<vmem>>) semaphore(%dma_start3A_165 : memref<!tpu.dma_semaphore, #tpu.memory_space<semaphore_mem>>)
      %dma_wait3A_166 = arith.constant 0 : i32
      %dma_wait3A_167 = arith.constant 0 : i32
      %dma_wait3A_168 = arith.constant 0 : i32
      %dma_wait3A_169 = arith.constant 0 : i32
      %dma_wait3A_170 = arith.constant 0 : i32
      %dma_wait3A_171 = tpu.memref_slice %arg6[%dma_wait3A_167, %dma_wait3A_169, %dma_wait3A_170] : memref<4x448x32xf32, #tpu.memory_space<vmem>> -> memref<1x448x32xf32, #tpu.memory_space<vmem>>
      %dma_wait3A_172 = tpu.memref_squeeze %dma_wait3A_171 : memref<1x448x32xf32, #tpu.memory_space<vmem>> -> memref<448x32xf32, #tpu.memory_space<vmem>>
      %dma_wait3A_173 = arith.constant 0 : i32
      %dma_wait3A_174 = tpu.memref_slice %arg5[%dma_wait3A_166, %dma_wait3A_173] : memref<4x448xi32, #tpu.memory_space<vmem>> -> memref<1x448xi32, #tpu.memory_space<vmem>>
      %dma_wait3A_175 = tpu.memref_squeeze %dma_wait3A_174 : memref<1x448xi32, #tpu.memory_space<vmem>> -> memref<448xi32, #tpu.memory_space<vmem>>
      %dma_wait3A_176 = arith.constant 0 : i32
      %dma_wait3A_177 = arith.constant 0 : i32
      %dma_wait3A_178 = tpu.memref_slice %arg2[%dma_wait3A_176, %dma_wait3A_177] : memref<50001x32xf32, #tpu.memory_space<hbm>> -> memref<50001x32xf32, #tpu.memory_space<hbm>>
      %dma_wait3A_179 = tpu.memref_slice %arg8[%dma_wait3A_168] : memref<4x!tpu.dma_semaphore, #tpu.memory_space<semaphore_mem>> -> memref<1x!tpu.dma_semaphore, #tpu.memory_space<semaphore_mem>>
      %dma_wait3A_180 = tpu.memref_squeeze %dma_wait3A_179 : memref<1x!tpu.dma_semaphore, #tpu.memory_space<semaphore_mem>> -> memref<!tpu.dma_semaphore, #tpu.memory_space<semaphore_mem>>
      tpu.wait_indirect_dma semaphore(%dma_wait3A_180 : memref<!tpu.dma_semaphore, #tpu.memory_space<semaphore_mem>>) src(%dma_wait3A_178 : memref<50001x32xf32, #tpu.memory_space<hbm>>) dst(%dma_wait3A_172 : memref<448x32xf32, #tpu.memory_space<vmem>>)
      %parallel_loop3A_181 = arith.constant 0 : i32
      %parallel_loop3A_182 = arith.constant 448 : i32
      %parallel_loop3A_183 = arith.constant 1 : i32
      scf.for %parallel_loop3A_227 = %parallel_loop3A_181 to %parallel_loop3A_182 step %parallel_loop3A_183  : i32 {
        %parallel_loop3A_228 = vector.broadcast %parallel_loop3A_227 : i32 to vector<16xi32>
        %parallel_loop3A_229 = arith.constant 0 : i32
        %parallel_loop3A_230 = arith.index_cast %parallel_loop3A_229 : i32 to index
        %parallel_loop3A_231 = arith.index_cast %parallel_loop3A_227 : i32 to index
        %parallel_loop3A_232 = arith.constant 0 : index
        %parallel_loop3A_233 = tpu.vector_load %arg6[%parallel_loop3A_230, %parallel_loop3A_231, %parallel_loop3A_232] {strides = array<i32>} : memref<4x448x32xf32, #tpu.memory_space<vmem>>, vector<16xf32>,
        %parallel_loop3A_234 = arith.constant 0 : i32
        %parallel_loop3A_235 = arith.constant 0 : i32
        %parallel_loop3A_236 = arith.constant 0 : i32
        %parallel_loop3A_237 = tpu.memref_slice %arg7[%parallel_loop3A_234, %parallel_loop3A_235, %parallel_loop3A_236] : memref<4x32x449xf32, #tpu.memory_space<vmem>> -> memref<1x32x449xf32, #tpu.memory_space<vmem>>
        %parallel_loop3A_238 = tpu.memref_squeeze %parallel_loop3A_237 : memref<1x32x449xf32, #tpu.memory_space<vmem>> -> memref<32x449xf32, #tpu.memory_space<vmem>>
        tpu.vector_store_idx %parallel_loop3A_238[%add3A_6, %parallel_loop3A_228], %parallel_loop3A_233 : memref<32x449xf32, #tpu.memory_space<vmem>>[vector<16xi32>, vector<16xi32>], vector<16xf32>,
        %parallel_loop3A_239 = arith.constant 0 : i32
        %parallel_loop3A_240 = arith.index_cast %parallel_loop3A_239 : i32 to index
        %parallel_loop3A_241 = arith.index_cast %parallel_loop3A_227 : i32 to index
        %parallel_loop3A_242 = arith.constant 16 : index
        %parallel_loop3A_243 = tpu.vector_load %arg6[%parallel_loop3A_240, %parallel_loop3A_241, %parallel_loop3A_242] {strides = array<i32>} : memref<4x448x32xf32, #tpu.memory_space<vmem>>, vector<16xf32>,
        %parallel_loop3A_244 = arith.constant 0 : i32
        %parallel_loop3A_245 = arith.constant 0 : i32
        %parallel_loop3A_246 = arith.constant 0 : i32
        %parallel_loop3A_247 = tpu.memref_slice %arg7[%parallel_loop3A_244, %parallel_loop3A_245, %parallel_loop3A_246] : memref<4x32x449xf32, #tpu.memory_space<vmem>> -> memref<1x32x449xf32, #tpu.memory_space<vmem>>
        %parallel_loop3A_248 = tpu.memref_squeeze %parallel_loop3A_247 : memref<1x32x449xf32, #tpu.memory_space<vmem>> -> memref<32x449xf32, #tpu.memory_space<vmem>>
        tpu.vector_store_idx %parallel_loop3A_248[%add3A_9, %parallel_loop3A_228], %parallel_loop3A_243 : memref<32x449xf32, #tpu.memory_space<vmem>>[vector<16xi32>, vector<16xi32>], vector<16xf32>,
      } {sc.loop_unroll_factor = 4 : i64, sc.parallel_access}
      %jit3A_184 = arith.constant 27 : i32
      %eq3A_185 = arith.constant 0 : i32
      %eq3A_186 = arith.cmpi eq, %jit3A_184, %eq3A_185 : i32
      %jit3A_187 = arith.constant 1 : i32
      %select_n3A_188 = arith.select %eq3A_186, %jit3A_187, %jit3A_184 : i32
      %rem3A_189 = arith.remsi %add3A_114, %select_n3A_188 : i32
      %ne3A_190 = arith.constant 0 : i32
      %ne3A_191 = arith.cmpi ne, %rem3A_189, %ne3A_190 : i32
      %lt3A_192 = arith.constant 0 : i32
      %lt3A_193 = arith.cmpi slt, %rem3A_189, %lt3A_192 : i32
      %lt3A_194 = arith.constant 0 : i32
      %lt3A_195 = arith.cmpi slt, %select_n3A_188, %lt3A_194 : i32
      %ne3A_196 = arith.xori %lt3A_193, %lt3A_195 : i1
      %and3A_197 = arith.andi %ne3A_196, %ne3A_191 : i1
      %add3A_198 = arith.addi %rem3A_189, %select_n3A_188 : i32
      %select_n3A_199 = arith.select %and3A_197, %add3A_198, %rem3A_189 : i32
      %jit3A_200 = arith.constant 27 : i32
      %div3A_201 = arith.divsi %add3A_114, %jit3A_200 : i32
      %sign3A_202 = arith.constant 0 : i32
      %sign3A_203 = arith.cmpi sgt, %add3A_114, %sign3A_202 : i32
      %sign3A_204 = arith.extui %sign3A_203 : i1 to i32
      %sign3A_205 = arith.constant 0 : i32
      %sign3A_206 = arith.cmpi slt, %add3A_114, %sign3A_205 : i32
      %sign3A_207 = arith.extui %sign3A_206 : i1 to i32
      %sign3A_208 = arith.subi %sign3A_204, %sign3A_207 : i32
      %sign3A_209 = arith.constant 0 : i32
      %sign3A_210 = arith.cmpi sgt, %jit3A_200, %sign3A_209 : i32
      %sign3A_211 = arith.extui %sign3A_210 : i1 to i32
      %sign3A_212 = arith.constant 0 : i32
      %sign3A_213 = arith.cmpi slt, %jit3A_200, %sign3A_212 : i32
      %sign3A_214 = arith.extui %sign3A_213 : i1 to i32
      %sign3A_215 = arith.subi %sign3A_211, %sign3A_214 : i32
      %ne3A_216 = arith.cmpi ne, %sign3A_208, %sign3A_215 : i32
      %rem3A_217 = arith.remsi %add3A_114, %jit3A_200 : i32
      %ne3A_218 = arith.constant 0 : i32
      %ne3A_219 = arith.cmpi ne, %rem3A_217, %ne3A_218 : i32
      %and3A_220 = arith.andi %ne3A_216, %ne3A_219 : i1
      %sub3A_221 = arith.constant 1 : i32
      %sub3A_222 = arith.subi %div3A_201, %sub3A_221 : i32
      %select_n3A_223 = arith.select %and3A_220, %sub3A_222, %div3A_201 : i32
      %mul3A_224 = arith.constant 448 : i32
      %mul3A_225 = arith.muli %select_n3A_223, %mul3A_224 : i32
      %run_scoped3A_226 = arith.constant 0 : i32
      "tpu.region"() ({
        %run_scoped3A_227 = tpu.sem_alloc : memref<!tpu.dma_semaphore, #tpu.memory_space<semaphore_mem>>
        %dma_start3A_228 = arith.constant 0 : i32
        %dma_start3A_229 = arith.constant 0 : i32
        %dma_start3A_230 = tpu.memref_slice %arg7[%run_scoped3A_226, %dma_start3A_228, %dma_start3A_229] : memref<4x32x449xf32, #tpu.memory_space<vmem>> -> memref<1x32x448xf32, #tpu.memory_space<vmem>>
        %dma_start3A_231 = tpu.memref_squeeze %dma_start3A_230 : memref<1x32x448xf32, #tpu.memory_space<vmem>> -> memref<32x448xf32, #tpu.memory_space<vmem>>
        %dma_start3A_232 = arith.constant 0 : i32
        %dma_start3A_233 = tpu.memref_slice %arg4[%select_n3A_199, %dma_start3A_232, %mul3A_225] : memref<27x32x50000xf32, #tpu.memory_space<hbm>> -> memref<1x32x448xf32, #tpu.memory_space<hbm>>
        %dma_start3A_234 = tpu.memref_squeeze %dma_start3A_233 : memref<1x32x448xf32, #tpu.memory_space<hbm>> -> memref<32x448xf32, #tpu.memory_space<hbm>>
        %dma_start3A_235 = arith.constant 0 : i32
        %dma_start3A_236 = tpu.memref_slice %arg4[%select_n3A_199, %dma_start3A_235, %mul3A_225] : memref<27x32x50000xf32, #tpu.memory_space<hbm>> -> memref<1x32x448xf32, #tpu.memory_space<hbm>>
        %dma_start3A_237 = tpu.memref_squeeze %dma_start3A_236 : memref<1x32x448xf32, #tpu.memory_space<hbm>> -> memref<32x448xf32, #tpu.memory_space<hbm>>
        %dma_start3A_238 = arith.constant 0 : i32
        %dma_start3A_239 = arith.constant 0 : i32
        %dma_start3A_240 = tpu.memref_slice %arg7[%run_scoped3A_226, %dma_start3A_238, %dma_start3A_239] : memref<4x32x449xf32, #tpu.memory_space<vmem>> -> memref<1x32x448xf32, #tpu.memory_space<vmem>>
        %dma_start3A_241 = tpu.memref_squeeze %dma_start3A_240 : memref<1x32x448xf32, #tpu.memory_space<vmem>> -> memref<32x448xf32, #tpu.memory_space<vmem>>
        tpu.enqueue_dma source(%dma_start3A_241 : memref<32x448xf32, #tpu.memory_space<vmem>>) target(%dma_start3A_237 : memref<32x448xf32, #tpu.memory_space<hbm>>) target_semaphore(%run_scoped3A_227 : memref<!tpu.dma_semaphore, #tpu.memory_space<semaphore_mem>>)
        %dma_wait3A_242 = arith.constant 0 : i32
        %dma_wait3A_243 = arith.constant 0 : i32
        %dma_wait3A_244 = tpu.memref_slice %arg7[%run_scoped3A_226, %dma_wait3A_242, %dma_wait3A_243] : memref<4x32x449xf32, #tpu.memory_space<vmem>> -> memref<1x32x448xf32, #tpu.memory_space<vmem>>
        %dma_wait3A_245 = tpu.memref_squeeze %dma_wait3A_244 : memref<1x32x448xf32, #tpu.memory_space<vmem>> -> memref<32x448xf32, #tpu.memory_space<vmem>>
        %dma_wait3A_246 = arith.constant 0 : i32
        %dma_wait3A_247 = tpu.memref_slice %arg4[%select_n3A_199, %dma_wait3A_246, %mul3A_225] : memref<27x32x50000xf32, #tpu.memory_space<hbm>> -> memref<1x32x448xf32, #tpu.memory_space<hbm>>
        %dma_wait3A_248 = tpu.memref_squeeze %dma_wait3A_247 : memref<1x32x448xf32, #tpu.memory_space<hbm>> -> memref<32x448xf32, #tpu.memory_space<hbm>>
        %dma_wait3A_249 = arith.constant 0 : i32
        %dma_wait3A_250 = tpu.memref_slice %arg4[%select_n3A_199, %dma_wait3A_249, %mul3A_225] : memref<27x32x50000xf32, #tpu.memory_space<hbm>> -> memref<1x32x448xf32, #tpu.memory_space<hbm>>
        %dma_wait3A_251 = tpu.memref_squeeze %dma_wait3A_250 : memref<1x32x448xf32, #tpu.memory_space<hbm>> -> memref<32x448xf32, #tpu.memory_space<hbm>>
        %dma_wait3A_252 = arith.constant 0 : i32
        %dma_wait3A_253 = arith.constant 0 : i32
        %dma_wait3A_254 = tpu.memref_slice %arg7[%run_scoped3A_226, %dma_wait3A_252, %dma_wait3A_253] : memref<4x32x449xf32, #tpu.memory_space<vmem>> -> memref<1x32x448xf32, #tpu.memory_space<vmem>>
        %dma_wait3A_255 = tpu.memref_squeeze %dma_wait3A_254 : memref<1x32x448xf32, #tpu.memory_space<vmem>> -> memref<32x448xf32, #tpu.memory_space<vmem>>
        tpu.wait_dma2 semaphore(%run_scoped3A_227 : memref<!tpu.dma_semaphore, #tpu.memory_space<semaphore_mem>>) src(%dma_wait3A_255 : memref<32x448xf32, #tpu.memory_space<vmem>>) dst(%dma_wait3A_251 : memref<32x448xf32, #tpu.memory_space<hbm>>)
        tpu.yield
      }) : () -> ()
    }
    %while3A_106 = arith.constant 1 : i32
    scf.for %while3A_111 = %while3A_104 to %while3A_100 step %while3A_106  : i32 {
      %mul3A_112 = arith.constant 32 : i32
      %mul3A_113 = arith.muli %while3A_111, %mul3A_112 : i32
      %add3A_114 = arith.addi %add3A, %mul3A_113 : i32
      %jit3A = arith.constant 27 : i32
      %eq3A = arith.constant 0 : i32
      %eq3A_115 = arith.cmpi eq, %jit3A, %eq3A : i32
      %jit3A_116 = arith.constant 1 : i32
      %select_n3A = arith.select %eq3A_115, %jit3A_116, %jit3A : i32
      %rem3A = arith.remsi %add3A_114, %select_n3A : i32
      %ne3A = arith.constant 0 : i32
      %ne3A_117 = arith.cmpi ne, %rem3A, %ne3A : i32
      %lt3A_118 = arith.constant 0 : i32
      %lt3A_119 = arith.cmpi slt, %rem3A, %lt3A_118 : i32
      %lt3A_120 = arith.constant 0 : i32
      %lt3A_121 = arith.cmpi slt, %select_n3A, %lt3A_120 : i32
      %ne3A_122 = arith.xori %lt3A_119, %lt3A_121 : i1
      %and3A = arith.andi %ne3A_122, %ne3A_117 : i1
      %add3A_123 = arith.addi %rem3A, %select_n3A : i32
      %select_n3A_124 = arith.select %and3A, %add3A_123, %rem3A : i32
      %jit3A_125 = arith.constant 27 : i32
      %div3A = arith.divsi %add3A_114, %jit3A_125 : i32
      %sign3A = arith.constant 0 : i32
      %sign3A_126 = arith.cmpi sgt, %add3A_114, %sign3A : i32
      %sign3A_127 = arith.extui %sign3A_126 : i1 to i32
      %sign3A_128 = arith.constant 0 : i32
      %sign3A_129 = arith.cmpi slt, %add3A_114, %sign3A_128 : i32
      %sign3A_130 = arith.extui %sign3A_129 : i1 to i32
      %sign3A_131 = arith.subi %sign3A_127, %sign3A_130 : i32
      %sign3A_132 = arith.constant 0 : i32
      %sign3A_133 = arith.cmpi sgt, %jit3A_125, %sign3A_132 : i32
      %sign3A_134 = arith.extui %sign3A_133 : i1 to i32
      %sign3A_135 = arith.constant 0 : i32
      %sign3A_136 = arith.cmpi slt, %jit3A_125, %sign3A_135 : i32
      %sign3A_137 = arith.extui %sign3A_136 : i1 to i32
      %sign3A_138 = arith.subi %sign3A_134, %sign3A_137 : i32
      %ne3A_139 = arith.cmpi ne, %sign3A_131, %sign3A_138 : i32
      %rem3A_140 = arith.remsi %add3A_114, %jit3A_125 : i32
      %ne3A_141 = arith.constant 0 : i32
      %ne3A_142 = arith.cmpi ne, %rem3A_140, %ne3A_141 : i32
      %and3A_143 = arith.andi %ne3A_139, %ne3A_142 : i1
      %sub3A = arith.constant 1 : i32
      %sub3A_144 = arith.subi %div3A, %sub3A : i32
      %select_n3A_145 = arith.select %and3A_143, %sub3A_144, %div3A : i32
      %mul3A_146 = arith.constant 448 : i32
      %mul3A_147 = arith.muli %select_n3A_145, %mul3A_146 : i32
      %add3A_148 = arith.constant 0 : i32
      %add3A_149 = arith.addi %add3A_148, %select_n3A_124 : i32
      %run_scoped3A = arith.constant 0 : i32
      "tpu.region"() ({
        %run_scoped3A_227 = tpu.sem_alloc : memref<!tpu.dma_semaphore, #tpu.memory_space<semaphore_mem>>
        %dma_start3A_228 = arith.constant 0 : i32
        %dma_start3A_229 = tpu.memref_slice %arg5[%run_scoped3A, %dma_start3A_228] : memref<4x448xi32, #tpu.memory_space<vmem>> -> memref<1x448xi32, #tpu.memory_space<vmem>>
        %dma_start3A_230 = tpu.memref_squeeze %dma_start3A_229 : memref<1x448xi32, #tpu.memory_space<vmem>> -> memref<448xi32, #tpu.memory_space<vmem>>
        %dma_start3A_231 = tpu.memref_slice %arg3[%add3A_149, %mul3A_147] : memref<27x50000xi32, #tpu.memory_space<hbm>> -> memref<1x448xi32, #tpu.memory_space<hbm>>
        %dma_start3A_232 = tpu.memref_squeeze %dma_start3A_231 : memref<1x448xi32, #tpu.memory_space<hbm>> -> memref<448xi32, #tpu.memory_space<hbm>>
        %dma_start3A_233 = arith.constant 0 : i32
        %dma_start3A_234 = tpu.memref_slice %arg5[%run_scoped3A, %dma_start3A_233] : memref<4x448xi32, #tpu.memory_space<vmem>> -> memref<1x448xi32, #tpu.memory_space<vmem>>
        %dma_start3A_235 = tpu.memref_squeeze %dma_start3A_234 : memref<1x448xi32, #tpu.memory_space<vmem>> -> memref<448xi32, #tpu.memory_space<vmem>>
        %dma_start3A_236 = tpu.memref_slice %arg3[%add3A_149, %mul3A_147] : memref<27x50000xi32, #tpu.memory_space<hbm>> -> memref<1x448xi32, #tpu.memory_space<hbm>>
        %dma_start3A_237 = tpu.memref_squeeze %dma_start3A_236 : memref<1x448xi32, #tpu.memory_space<hbm>> -> memref<448xi32, #tpu.memory_space<hbm>>
        tpu.enqueue_dma source(%dma_start3A_237 : memref<448xi32, #tpu.memory_space<hbm>>) target(%dma_start3A_235 : memref<448xi32, #tpu.memory_space<vmem>>) target_semaphore(%run_scoped3A_227 : memref<!tpu.dma_semaphore, #tpu.memory_space<semaphore_mem>>)
        %dma_wait3A_238 = arith.constant 0 : i32
        %dma_wait3A_239 = tpu.memref_slice %arg5[%run_scoped3A, %dma_wait3A_238] : memref<4x448xi32, #tpu.memory_space<vmem>> -> memref<1x448xi32, #tpu.memory_space<vmem>>
        %dma_wait3A_240 = tpu.memref_squeeze %dma_wait3A_239 : memref<1x448xi32, #tpu.memory_space<vmem>> -> memref<448xi32, #tpu.memory_space<vmem>>
        %dma_wait3A_241 = tpu.memref_slice %arg3[%add3A_149, %mul3A_147] : memref<27x50000xi32, #tpu.memory_space<hbm>> -> memref<1x448xi32, #tpu.memory_space<hbm>>
        %dma_wait3A_242 = tpu.memref_squeeze %dma_wait3A_241 : memref<1x448xi32, #tpu.memory_space<hbm>> -> memref<448xi32, #tpu.memory_space<hbm>>
        %dma_wait3A_243 = arith.constant 0 : i32
        %dma_wait3A_244 = tpu.memref_slice %arg5[%run_scoped3A, %dma_wait3A_243] : memref<4x448xi32, #tpu.memory_space<vmem>> -> memref<1x448xi32, #tpu.memory_space<vmem>>
        %dma_wait3A_245 = tpu.memref_squeeze %dma_wait3A_244 : memref<1x448xi32, #tpu.memory_space<vmem>> -> memref<448xi32, #tpu.memory_space<vmem>>
        %dma_wait3A_246 = tpu.memref_slice %arg3[%add3A_149, %mul3A_147] : memref<27x50000xi32, #tpu.memory_space<hbm>> -> memref<1x448xi32, #tpu.memory_space<hbm>>
        %dma_wait3A_247 = tpu.memref_squeeze %dma_wait3A_246 : memref<1x448xi32, #tpu.memory_space<hbm>> -> memref<448xi32, #tpu.memory_space<hbm>>
        tpu.wait_dma2 semaphore(%run_scoped3A_227 : memref<!tpu.dma_semaphore, #tpu.memory_space<semaphore_mem>>) src(%dma_wait3A_247 : memref<448xi32, #tpu.memory_space<hbm>>) dst(%dma_wait3A_245 : memref<448xi32, #tpu.memory_space<vmem>>)
        tpu.yield
      }) : () -> ()
      %parallel_loop3A = arith.constant 0 : i32
      %parallel_loop3A_150 = arith.constant 28 : i32
      %parallel_loop3A_151 = arith.constant 1 : i32
      scf.for %parallel_loop3A_227 = %parallel_loop3A to %parallel_loop3A_150 step %parallel_loop3A_151  : i32 {
        %parallel_loop3A_228 = arith.constant 16 : i32
        %parallel_loop3A_229 = arith.muli %parallel_loop3A_227, %parallel_loop3A_228 : i32
        %parallel_loop3A_230 = arith.constant 0 : i32
        %parallel_loop3A_231 = arith.index_cast %parallel_loop3A_230 : i32 to index
        %parallel_loop3A_232 = arith.index_cast %parallel_loop3A_229 : i32 to index
        %parallel_loop3A_233 = tpu.vector_load %arg5[%parallel_loop3A_231, %parallel_loop3A_232] {strides = array<i32>} : memref<4x448xi32, #tpu.memory_space<vmem>>, vector<16xi32>,
        %parallel_loop3A_234 = arith.constant 1 : i32
        %parallel_loop3A_235 = vector.broadcast %parallel_loop3A_234 : i32 to vector<16xi32>
        %parallel_loop3A_236 = arith.addi %parallel_loop3A_233, %parallel_loop3A_235 : vector<16xi32>
        %parallel_loop3A_237 = arith.constant 0 : i32
        %parallel_loop3A_238 = arith.index_cast %parallel_loop3A_237 : i32 to index
        %parallel_loop3A_239 = arith.index_cast %parallel_loop3A_229 : i32 to index
        %parallel_loop3A_240 = tpu.vector_load %arg5[%parallel_loop3A_238, %parallel_loop3A_239] {strides = array<i32>} : memref<4x448xi32, #tpu.memory_space<vmem>>, vector<16xi32>,
        tpu.vector_store %arg5[%parallel_loop3A_238, %parallel_loop3A_239], %parallel_loop3A_236 {strides = array<i32>} : memref<4x448xi32, #tpu.memory_space<vmem>>, vector<16xi32>,
      } {sc.loop_unroll_factor = 4 : i64, sc.parallel_access}
      %dma_start3A = arith.constant 0 : i32
      %dma_start3A_152 = arith.constant 0 : i32
      %dma_start3A_153 = arith.constant 0 : i32
      %dma_start3A_154 = arith.constant 0 : i32
      %dma_start3A_155 = arith.constant 0 : i32
      %dma_start3A_156 = tpu.memref_slice %arg6[%dma_start3A_152, %dma_start3A_154, %dma_start3A_155] : memref<4x448x32xf32, #tpu.memory_space<vmem>> -> memref<1x448x32xf32, #tpu.memory_space<vmem>>
      %dma_start3A_157 = tpu.memref_squeeze %dma_start3A_156 : memref<1x448x32xf32, #tpu.memory_space<vmem>> -> memref<448x32xf32, #tpu.memory_space<vmem>>
      %dma_start3A_158 = arith.constant 0 : i32
      %dma_start3A_159 = tpu.memref_slice %arg5[%dma_start3A, %dma_start3A_158] : memref<4x448xi32, #tpu.memory_space<vmem>> -> memref<1x448xi32, #tpu.memory_space<vmem>>
      %dma_start3A_160 = tpu.memref_squeeze %dma_start3A_159 : memref<1x448xi32, #tpu.memory_space<vmem>> -> memref<448xi32, #tpu.memory_space<vmem>>
      %dma_start3A_161 = arith.constant 0 : i32
      %dma_start3A_162 = arith.constant 0 : i32
      %dma_start3A_163 = tpu.memref_slice %arg2[%dma_start3A_161, %dma_start3A_162] : memref<50001x32xf32, #tpu.memory_space<hbm>> -> memref<50001x32xf32, #tpu.memory_space<hbm>>
      %dma_start3A_164 = tpu.memref_slice %arg8[%dma_start3A_153] : memref<4x!tpu.dma_semaphore, #tpu.memory_space<semaphore_mem>> -> memref<1x!tpu.dma_semaphore, #tpu.memory_space<semaphore_mem>>
      %dma_start3A_165 = tpu.memref_squeeze %dma_start3A_164 : memref<1x!tpu.dma_semaphore, #tpu.memory_space<semaphore_mem>> -> memref<!tpu.dma_semaphore, #tpu.memory_space<semaphore_mem>>
      tpu.enqueue_indirect_dma source(%dma_start3A_163 : memref<50001x32xf32, #tpu.memory_space<hbm>>) target(%dma_start3A_157 : memref<448x32xf32, #tpu.memory_space<vmem>>) offsets(%dma_start3A_160 : memref<448xi32, #tpu.memory_space<vmem>>) semaphore(%dma_start3A_165 : memref<!tpu.dma_semaphore, #tpu.memory_space<semaphore_mem>>)
      %dma_wait3A_166 = arith.constant 0 : i32
      %dma_wait3A_167 = arith.constant 0 : i32
      %dma_wait3A_168 = arith.constant 0 : i32
      %dma_wait3A_169 = arith.constant 0 : i32
      %dma_wait3A_170 = arith.constant 0 : i32
      %dma_wait3A_171 = tpu.memref_slice %arg6[%dma_wait3A_167, %dma_wait3A_169, %dma_wait3A_170] : memref<4x448x32xf32, #tpu.memory_space<vmem>> -> memref<1x448x32xf32, #tpu.memory_space<vmem>>
      %dma_wait3A_172 = tpu.memref_squeeze %dma_wait3A_171 : memref<1x448x32xf32, #tpu.memory_space<vmem>> -> memref<448x32xf32, #tpu.memory_space<vmem>>
      %dma_wait3A_173 = arith.constant 0 : i32
      %dma_wait3A_174 = tpu.memref_slice %arg5[%dma_wait3A_166, %dma_wait3A_173] : memref<4x448xi32, #tpu.memory_space<vmem>> -> memref<1x448xi32, #tpu.memory_space<vmem>>
      %dma_wait3A_175 = tpu.memref_squeeze %dma_wait3A_174 : memref<1x448xi32, #tpu.memory_space<vmem>> -> memref<448xi32, #tpu.memory_space<vmem>>
      %dma_wait3A_176 = arith.constant 0 : i32
      %dma_wait3A_177 = arith.constant 0 : i32
      %dma_wait3A_178 = tpu.memref_slice %arg2[%dma_wait3A_176, %dma_wait3A_177] : memref<50001x32xf32, #tpu.memory_space<hbm>> -> memref<50001x32xf32, #tpu.memory_space<hbm>>
      %dma_wait3A_179 = tpu.memref_slice %arg8[%dma_wait3A_168] : memref<4x!tpu.dma_semaphore, #tpu.memory_space<semaphore_mem>> -> memref<1x!tpu.dma_semaphore, #tpu.memory_space<semaphore_mem>>
      %dma_wait3A_180 = tpu.memref_squeeze %dma_wait3A_179 : memref<1x!tpu.dma_semaphore, #tpu.memory_space<semaphore_mem>> -> memref<!tpu.dma_semaphore, #tpu.memory_space<semaphore_mem>>
      tpu.wait_indirect_dma semaphore(%dma_wait3A_180 : memref<!tpu.dma_semaphore, #tpu.memory_space<semaphore_mem>>) src(%dma_wait3A_178 : memref<50001x32xf32, #tpu.memory_space<hbm>>) dst(%dma_wait3A_172 : memref<448x32xf32, #tpu.memory_space<vmem>>)
      %parallel_loop3A_181 = arith.constant 0 : i32
      %parallel_loop3A_182 = arith.constant 448 : i32
      %parallel_loop3A_183 = arith.constant 1 : i32
      scf.for %parallel_loop3A_227 = %parallel_loop3A_181 to %parallel_loop3A_182 step %parallel_loop3A_183  : i32 {
        %parallel_loop3A_228 = vector.broadcast %parallel_loop3A_227 : i32 to vector<16xi32>
        %parallel_loop3A_229 = arith.constant 0 : i32
        %parallel_loop3A_230 = arith.index_cast %parallel_loop3A_229 : i32 to index
        %parallel_loop3A_231 = arith.index_cast %parallel_loop3A_227 : i32 to index
        %parallel_loop3A_232 = arith.constant 0 : index
        %parallel_loop3A_233 = tpu.vector_load %arg6[%parallel_loop3A_230, %parallel_loop3A_231, %parallel_loop3A_232] {strides = array<i32>} : memref<4x448x32xf32, #tpu.memory_space<vmem>>, vector<16xf32>,
        %parallel_loop3A_234 = arith.constant 0 : i32
        %parallel_loop3A_235 = arith.constant 0 : i32
        %parallel_loop3A_236 = arith.constant 0 : i32
        %parallel_loop3A_237 = tpu.memref_slice %arg7[%parallel_loop3A_234, %parallel_loop3A_235, %parallel_loop3A_236] : memref<4x32x449xf32, #tpu.memory_space<vmem>> -> memref<1x32x449xf32, #tpu.memory_space<vmem>>
        %parallel_loop3A_238 = tpu.memref_squeeze %parallel_loop3A_237 : memref<1x32x449xf32, #tpu.memory_space<vmem>> -> memref<32x449xf32, #tpu.memory_space<vmem>>
        tpu.vector_store_idx %parallel_loop3A_238[%add3A_6, %parallel_loop3A_228], %parallel_loop3A_233 : memref<32x449xf32, #tpu.memory_space<vmem>>[vector<16xi32>, vector<16xi32>], vector<16xf32>,
        %parallel_loop3A_239 = arith.constant 0 : i32
        %parallel_loop3A_240 = arith.index_cast %parallel_loop3A_239 : i32 to index
        %parallel_loop3A_241 = arith.index_cast %parallel_loop3A_227 : i32 to index
        %parallel_loop3A_242 = arith.constant 16 : index
        %parallel_loop3A_243 = tpu.vector_load %arg6[%parallel_loop3A_240, %parallel_loop3A_241, %parallel_loop3A_242] {strides = array<i32>} : memref<4x448x32xf32, #tpu.memory_space<vmem>>, vector<16xf32>,
        %parallel_loop3A_244 = arith.constant 0 : i32
        %parallel_loop3A_245 = arith.constant 0 : i32
        %parallel_loop3A_246 = arith.constant 0 : i32
        %parallel_loop3A_247 = tpu.memref_slice %arg7[%parallel_loop3A_244, %parallel_loop3A_245, %parallel_loop3A_246] : memref<4x32x449xf32, #tpu.memory_space<vmem>> -> memref<1x32x449xf32, #tpu.memory_space<vmem>>
        %parallel_loop3A_248 = tpu.memref_squeeze %parallel_loop3A_247 : memref<1x32x449xf32, #tpu.memory_space<vmem>> -> memref<32x449xf32, #tpu.memory_space<vmem>>
        tpu.vector_store_idx %parallel_loop3A_248[%add3A_9, %parallel_loop3A_228], %parallel_loop3A_243 : memref<32x449xf32, #tpu.memory_space<vmem>>[vector<16xi32>, vector<16xi32>], vector<16xf32>,
      } {sc.loop_unroll_factor = 4 : i64, sc.parallel_access}
      %jit3A_184 = arith.constant 27 : i32
      %eq3A_185 = arith.constant 0 : i32
      %eq3A_186 = arith.cmpi eq, %jit3A_184, %eq3A_185 : i32
      %jit3A_187 = arith.constant 1 : i32
      %select_n3A_188 = arith.select %eq3A_186, %jit3A_187, %jit3A_184 : i32
      %rem3A_189 = arith.remsi %add3A_114, %select_n3A_188 : i32
      %ne3A_190 = arith.constant 0 : i32
      %ne3A_191 = arith.cmpi ne, %rem3A_189, %ne3A_190 : i32
      %lt3A_192 = arith.constant 0 : i32
      %lt3A_193 = arith.cmpi slt, %rem3A_189, %lt3A_192 : i32
      %lt3A_194 = arith.constant 0 : i32
      %lt3A_195 = arith.cmpi slt, %select_n3A_188, %lt3A_194 : i32
      %ne3A_196 = arith.xori %lt3A_193, %lt3A_195 : i1
      %and3A_197 = arith.andi %ne3A_196, %ne3A_191 : i1
      %add3A_198 = arith.addi %rem3A_189, %select_n3A_188 : i32
      %select_n3A_199 = arith.select %and3A_197, %add3A_198, %rem3A_189 : i32
      %jit3A_200 = arith.constant 27 : i32
      %div3A_201 = arith.divsi %add3A_114, %jit3A_200 : i32
      %sign3A_202 = arith.constant 0 : i32
      %sign3A_203 = arith.cmpi sgt, %add3A_114, %sign3A_202 : i32
      %sign3A_204 = arith.extui %sign3A_203 : i1 to i32
      %sign3A_205 = arith.constant 0 : i32
      %sign3A_206 = arith.cmpi slt, %add3A_114, %sign3A_205 : i32
      %sign3A_207 = arith.extui %sign3A_206 : i1 to i32
      %sign3A_208 = arith.subi %sign3A_204, %sign3A_207 : i32
      %sign3A_209 = arith.constant 0 : i32
      %sign3A_210 = arith.cmpi sgt, %jit3A_200, %sign3A_209 : i32
      %sign3A_211 = arith.extui %sign3A_210 : i1 to i32
      %sign3A_212 = arith.constant 0 : i32
      %sign3A_213 = arith.cmpi slt, %jit3A_200, %sign3A_212 : i32
      %sign3A_214 = arith.extui %sign3A_213 : i1 to i32
      %sign3A_215 = arith.subi %sign3A_211, %sign3A_214 : i32
      %ne3A_216 = arith.cmpi ne, %sign3A_208, %sign3A_215 : i32
      %rem3A_217 = arith.remsi %add3A_114, %jit3A_200 : i32
      %ne3A_218 = arith.constant 0 : i32
      %ne3A_219 = arith.cmpi ne, %rem3A_217, %ne3A_218 : i32
      %and3A_220 = arith.andi %ne3A_216, %ne3A_219 : i1
      %sub3A_221 = arith.constant 1 : i32
      %sub3A_222 = arith.subi %div3A_201, %sub3A_221 : i32
      %select_n3A_223 = arith.select %and3A_220, %sub3A_222, %div3A_201 : i32
      %mul3A_224 = arith.constant 448 : i32
      %mul3A_225 = arith.muli %select_n3A_223, %mul3A_224 : i32
      %run_scoped3A_226 = arith.constant 0 : i32
      "tpu.region"() ({
        %run_scoped3A_227 = tpu.sem_alloc : memref<!tpu.dma_semaphore, #tpu.memory_space<semaphore_mem>>
        %dma_start3A_228 = arith.constant 0 : i32
        %dma_start3A_229 = arith.constant 0 : i32
        %dma_start3A_230 = tpu.memref_slice %arg7[%run_scoped3A_226, %dma_start3A_228, %dma_start3A_229] : memref<4x32x449xf32, #tpu.memory_space<vmem>> -> memref<1x32x448xf32, #tpu.memory_space<vmem>>
        %dma_start3A_231 = tpu.memref_squeeze %dma_start3A_230 : memref<1x32x448xf32, #tpu.memory_space<vmem>> -> memref<32x448xf32, #tpu.memory_space<vmem>>
        %dma_start3A_232 = arith.constant 0 : i32
        %dma_start3A_233 = tpu.memref_slice %arg4[%select_n3A_199, %dma_start3A_232, %mul3A_225] : memref<27x32x50000xf32, #tpu.memory_space<hbm>> -> memref<1x32x448xf32, #tpu.memory_space<hbm>>
        %dma_start3A_234 = tpu.memref_squeeze %dma_start3A_233 : memref<1x32x448xf32, #tpu.memory_space<hbm>> -> memref<32x448xf32, #tpu.memory_space<hbm>>
        %dma_start3A_235 = arith.constant 0 : i32
        %dma_start3A_236 = tpu.memref_slice %arg4[%select_n3A_199, %dma_start3A_235, %mul3A_225] : memref<27x32x50000xf32, #tpu.memory_space<hbm>> -> memref<1x32x448xf32, #tpu.memory_space<hbm>>
        %dma_start3A_237 = tpu.memref_squeeze %dma_start3A_236 : memref<1x32x448xf32, #tpu.memory_space<hbm>> -> memref<32x448xf32, #tpu.memory_space<hbm>>
        %dma_start3A_238 = arith.constant 0 : i32
        %dma_start3A_239 = arith.constant 0 : i32
        %dma_start3A_240 = tpu.memref_slice %arg7[%run_scoped3A_226, %dma_start3A_238, %dma_start3A_239] : memref<4x32x449xf32, #tpu.memory_space<vmem>> -> memref<1x32x448xf32, #tpu.memory_space<vmem>>
        %dma_start3A_241 = tpu.memref_squeeze %dma_start3A_240 : memref<1x32x448xf32, #tpu.memory_space<vmem>> -> memref<32x448xf32, #tpu.memory_space<vmem>>
        tpu.enqueue_dma source(%dma_start3A_241 : memref<32x448xf32, #tpu.memory_space<vmem>>) target(%dma_start3A_237 : memref<32x448xf32, #tpu.memory_space<hbm>>) target_semaphore(%run_scoped3A_227 : memref<!tpu.dma_semaphore, #tpu.memory_space<semaphore_mem>>)
        %dma_wait3A_242 = arith.constant 0 : i32
        %dma_wait3A_243 = arith.constant 0 : i32
        %dma_wait3A_244 = tpu.memref_slice %arg7[%run_scoped3A_226, %dma_wait3A_242, %dma_wait3A_243] : memref<4x32x449xf32, #tpu.memory_space<vmem>> -> memref<1x32x448xf32, #tpu.memory_space<vmem>>
        %dma_wait3A_245 = tpu.memref_squeeze %dma_wait3A_244 : memref<1x32x448xf32, #tpu.memory_space<vmem>> -> memref<32x448xf32, #tpu.memory_space<vmem>>
        %dma_wait3A_246 = arith.constant 0 : i32
        %dma_wait3A_247 = tpu.memref_slice %arg4[%select_n3A_199, %dma_wait3A_246, %mul3A_225] : memref<27x32x50000xf32, #tpu.memory_space<hbm>> -> memref<1x32x448xf32, #tpu.memory_space<hbm>>
        %dma_wait3A_248 = tpu.memref_squeeze %dma_wait3A_247 : memref<1x32x448xf32, #tpu.memory_space<hbm>> -> memref<32x448xf32, #tpu.memory_space<hbm>>
        %dma_wait3A_249 = arith.constant 0 : i32
        %dma_wait3A_250 = tpu.memref_slice %arg4[%select_n3A_199, %dma_wait3A_249, %mul3A_225] : memref<27x32x50000xf32, #tpu.memory_space<hbm>> -> memref<1x32x448xf32, #tpu.memory_space<hbm>>
        %dma_wait3A_251 = tpu.memref_squeeze %dma_wait3A_250 : memref<1x32x448xf32, #tpu.memory_space<hbm>> -> memref<32x448xf32, #tpu.memory_space<hbm>>
        %dma_wait3A_252 = arith.constant 0 : i32
        %dma_wait3A_253 = arith.constant 0 : i32
        %dma_wait3A_254 = tpu.memref_slice %arg7[%run_scoped3A_226, %dma_wait3A_252, %dma_wait3A_253] : memref<4x32x449xf32, #tpu.memory_space<vmem>> -> memref<1x32x448xf32, #tpu.memory_space<vmem>>
        %dma_wait3A_255 = tpu.memref_squeeze %dma_wait3A_254 : memref<1x32x448xf32, #tpu.memory_space<vmem>> -> memref<32x448xf32, #tpu.memory_space<vmem>>
        tpu.wait_dma2 semaphore(%run_scoped3A_227 : memref<!tpu.dma_semaphore, #tpu.memory_space<semaphore_mem>>) src(%dma_wait3A_255 : memref<32x448xf32, #tpu.memory_space<vmem>>) dst(%dma_wait3A_251 : memref<32x448xf32, #tpu.memory_space<hbm>>)
        tpu.yield
      }) : () -> ()
    }
    %lt3A_107 = arith.constant 27 : i32
    %lt3A_108 = arith.cmpi slt, %add3A, %lt3A_107 : i32
    %convert_element_type3A_109 = arith.extui %lt3A_108 : i1 to i32
    %cond3A = arith.constant 0 : i32
    %cond3A_110 = arith.cmpi ne, %convert_element_type3A_109, %cond3A : i32
    scf.if %cond3A_110 {
      %add3A_111 = arith.constant 0 : i32
      %add3A_112 = arith.addi %add3A_111, %add3A : i32
      %run_scoped3A = arith.constant 0 : i32
      "tpu.region"() ({
        %run_scoped3A_148 = tpu.sem_alloc : memref<!tpu.dma_semaphore, #tpu.memory_space<semaphore_mem>>
        %dma_start3A_149 = arith.constant 0 : i32
        %dma_start3A_150 = tpu.memref_slice %arg5[%run_scoped3A, %dma_start3A_149] : memref<4x448xi32, #tpu.memory_space<vmem>> -> memref<1x272xi32, #tpu.memory_space<vmem>>
        %dma_start3A_151 = tpu.memref_squeeze %dma_start3A_150 : memref<1x272xi32, #tpu.memory_space<vmem>> -> memref<272xi32, #tpu.memory_space<vmem>>
        %dma_start3A_152 = arith.constant 49728 : i32
        %dma_start3A_153 = tpu.memref_slice %arg3[%add3A_112, %dma_start3A_152] : memref<27x50000xi32, #tpu.memory_space<hbm>> -> memref<1x272xi32, #tpu.memory_space<hbm>>
        %dma_start3A_154 = tpu.memref_squeeze %dma_start3A_153 : memref<1x272xi32, #tpu.memory_space<hbm>> -> memref<272xi32, #tpu.memory_space<hbm>>
        %dma_start3A_155 = arith.constant 0 : i32
        %dma_start3A_156 = tpu.memref_slice %arg5[%run_scoped3A, %dma_start3A_155] : memref<4x448xi32, #tpu.memory_space<vmem>> -> memref<1x272xi32, #tpu.memory_space<vmem>>
        %dma_start3A_157 = tpu.memref_squeeze %dma_start3A_156 : memref<1x272xi32, #tpu.memory_space<vmem>> -> memref<272xi32, #tpu.memory_space<vmem>>
        %dma_start3A_158 = arith.constant 49728 : i32
        %dma_start3A_159 = tpu.memref_slice %arg3[%add3A_112, %dma_start3A_158] : memref<27x50000xi32, #tpu.memory_space<hbm>> -> memref<1x272xi32, #tpu.memory_space<hbm>>
        %dma_start3A_160 = tpu.memref_squeeze %dma_start3A_159 : memref<1x272xi32, #tpu.memory_space<hbm>> -> memref<272xi32, #tpu.memory_space<hbm>>
        tpu.enqueue_dma source(%dma_start3A_160 : memref<272xi32, #tpu.memory_space<hbm>>) target(%dma_start3A_157 : memref<272xi32, #tpu.memory_space<vmem>>) target_semaphore(%run_scoped3A_148 : memref<!tpu.dma_semaphore, #tpu.memory_space<semaphore_mem>>)
        %dma_wait3A_161 = arith.constant 0 : i32
        %dma_wait3A_162 = tpu.memref_slice %arg5[%run_scoped3A, %dma_wait3A_161] : memref<4x448xi32, #tpu.memory_space<vmem>> -> memref<1x272xi32, #tpu.memory_space<vmem>>
        %dma_wait3A_163 = tpu.memref_squeeze %dma_wait3A_162 : memref<1x272xi32, #tpu.memory_space<vmem>> -> memref<272xi32, #tpu.memory_space<vmem>>
        %dma_wait3A_164 = arith.constant 49728 : i32
        %dma_wait3A_165 = tpu.memref_slice %arg3[%add3A_112, %dma_wait3A_164] : memref<27x50000xi32, #tpu.memory_space<hbm>> -> memref<1x272xi32, #tpu.memory_space<hbm>>
        %dma_wait3A_166 = tpu.memref_squeeze %dma_wait3A_165 : memref<1x272xi32, #tpu.memory_space<hbm>> -> memref<272xi32, #tpu.memory_space<hbm>>
        %dma_wait3A_167 = arith.constant 0 : i32
        %dma_wait3A_168 = tpu.memref_slice %arg5[%run_scoped3A, %dma_wait3A_167] : memref<4x448xi32, #tpu.memory_space<vmem>> -> memref<1x272xi32, #tpu.memory_space<vmem>>
        %dma_wait3A_169 = tpu.memref_squeeze %dma_wait3A_168 : memref<1x272xi32, #tpu.memory_space<vmem>> -> memref<272xi32, #tpu.memory_space<vmem>>
        %dma_wait3A_170 = arith.constant 49728 : i32
        %dma_wait3A_171 = tpu.memref_slice %arg3[%add3A_112, %dma_wait3A_170] : memref<27x50000xi32, #tpu.memory_space<hbm>> -> memref<1x272xi32, #tpu.memory_space<hbm>>
        %dma_wait3A_172 = tpu.memref_squeeze %dma_wait3A_171 : memref<1x272xi32, #tpu.memory_space<hbm>> -> memref<272xi32, #tpu.memory_space<hbm>>
        tpu.wait_dma2 semaphore(%run_scoped3A_148 : memref<!tpu.dma_semaphore, #tpu.memory_space<semaphore_mem>>) src(%dma_wait3A_172 : memref<272xi32, #tpu.memory_space<hbm>>) dst(%dma_wait3A_169 : memref<272xi32, #tpu.memory_space<vmem>>)
        tpu.yield
      }) : () -> ()
      %parallel_loop3A = arith.constant 0 : i32
      %parallel_loop3A_113 = arith.constant 17 : i32
      %parallel_loop3A_114 = arith.constant 1 : i32
      scf.for %parallel_loop3A_148 = %parallel_loop3A to %parallel_loop3A_113 step %parallel_loop3A_114  : i32 {
        %parallel_loop3A_149 = arith.constant 16 : i32
        %parallel_loop3A_150 = arith.muli %parallel_loop3A_148, %parallel_loop3A_149 : i32
        %parallel_loop3A_151 = arith.constant 0 : i32
        %parallel_loop3A_152 = arith.index_cast %parallel_loop3A_151 : i32 to index
        %parallel_loop3A_153 = arith.index_cast %parallel_loop3A_150 : i32 to index
        %parallel_loop3A_154 = tpu.vector_load %arg5[%parallel_loop3A_152, %parallel_loop3A_153] {strides = array<i32>} : memref<4x448xi32, #tpu.memory_space<vmem>>, vector<16xi32>,
        %parallel_loop3A_155 = arith.constant 1 : i32
        %parallel_loop3A_156 = vector.broadcast %parallel_loop3A_155 : i32 to vector<16xi32>
        %parallel_loop3A_157 = arith.addi %parallel_loop3A_154, %parallel_loop3A_156 : vector<16xi32>
        %parallel_loop3A_158 = arith.constant 0 : i32
        %parallel_loop3A_159 = arith.index_cast %parallel_loop3A_158 : i32 to index
        %parallel_loop3A_160 = arith.index_cast %parallel_loop3A_150 : i32 to index
        %parallel_loop3A_161 = tpu.vector_load %arg5[%parallel_loop3A_159, %parallel_loop3A_160] {strides = array<i32>} : memref<4x448xi32, #tpu.memory_space<vmem>>, vector<16xi32>,
        tpu.vector_store %arg5[%parallel_loop3A_159, %parallel_loop3A_160], %parallel_loop3A_157 {strides = array<i32>} : memref<4x448xi32, #tpu.memory_space<vmem>>, vector<16xi32>,
      } {sc.loop_unroll_factor = 4 : i64, sc.parallel_access}
      %dma_start3A = arith.constant 0 : i32
      %dma_start3A_115 = arith.constant 0 : i32
      %dma_start3A_116 = arith.constant 0 : i32
      %dma_start3A_117 = arith.constant 0 : i32
      %dma_start3A_118 = arith.constant 0 : i32
      %dma_start3A_119 = tpu.memref_slice %arg6[%dma_start3A_115, %dma_start3A_117, %dma_start3A_118] : memref<4x448x32xf32, #tpu.memory_space<vmem>> -> memref<1x272x32xf32, #tpu.memory_space<vmem>>
      %dma_start3A_120 = tpu.memref_squeeze %dma_start3A_119 : memref<1x272x32xf32, #tpu.memory_space<vmem>> -> memref<272x32xf32, #tpu.memory_space<vmem>>
      %dma_start3A_121 = arith.constant 0 : i32
      %dma_start3A_122 = tpu.memref_slice %arg5[%dma_start3A, %dma_start3A_121] : memref<4x448xi32, #tpu.memory_space<vmem>> -> memref<1x272xi32, #tpu.memory_space<vmem>>
      %dma_start3A_123 = tpu.memref_squeeze %dma_start3A_122 : memref<1x272xi32, #tpu.memory_space<vmem>> -> memref<272xi32, #tpu.memory_space<vmem>>
      %dma_start3A_124 = arith.constant 0 : i32
      %dma_start3A_125 = arith.constant 0 : i32
      %dma_start3A_126 = tpu.memref_slice %arg2[%dma_start3A_124, %dma_start3A_125] : memref<50001x32xf32, #tpu.memory_space<hbm>> -> memref<50001x32xf32, #tpu.memory_space<hbm>>
      %dma_start3A_127 = tpu.memref_slice %arg8[%dma_start3A_116] : memref<4x!tpu.dma_semaphore, #tpu.memory_space<semaphore_mem>> -> memref<1x!tpu.dma_semaphore, #tpu.memory_space<semaphore_mem>>
      %dma_start3A_128 = tpu.memref_squeeze %dma_start3A_127 : memref<1x!tpu.dma_semaphore, #tpu.memory_space<semaphore_mem>> -> memref<!tpu.dma_semaphore, #tpu.memory_space<semaphore_mem>>
      tpu.enqueue_indirect_dma source(%dma_start3A_126 : memref<50001x32xf32, #tpu.memory_space<hbm>>) target(%dma_start3A_120 : memref<272x32xf32, #tpu.memory_space<vmem>>) offsets(%dma_start3A_123 : memref<272xi32, #tpu.memory_space<vmem>>) semaphore(%dma_start3A_128 : memref<!tpu.dma_semaphore, #tpu.memory_space<semaphore_mem>>)
      %dma_wait3A_129 = arith.constant 0 : i32
      %dma_wait3A_130 = arith.constant 0 : i32
      %dma_wait3A_131 = arith.constant 0 : i32
      %dma_wait3A_132 = arith.constant 0 : i32
      %dma_wait3A_133 = arith.constant 0 : i32
      %dma_wait3A_134 = tpu.memref_slice %arg6[%dma_wait3A_130, %dma_wait3A_132, %dma_wait3A_133] : memref<4x448x32xf32, #tpu.memory_space<vmem>> -> memref<1x272x32xf32, #tpu.memory_space<vmem>>
      %dma_wait3A_135 = tpu.memref_squeeze %dma_wait3A_134 : memref<1x272x32xf32, #tpu.memory_space<vmem>> -> memref<272x32xf32, #tpu.memory_space<vmem>>
      %dma_wait3A_136 = arith.constant 0 : i32
      %dma_wait3A_137 = tpu.memref_slice %arg5[%dma_wait3A_129, %dma_wait3A_136] : memref<4x448xi32, #tpu.memory_space<vmem>> -> memref<1x272xi32, #tpu.memory_space<vmem>>
      %dma_wait3A_138 = tpu.memref_squeeze %dma_wait3A_137 : memref<1x272xi32, #tpu.memory_space<vmem>> -> memref<272xi32, #tpu.memory_space<vmem>>
      %dma_wait3A_139 = arith.constant 0 : i32
      %dma_wait3A_140 = arith.constant 0 : i32
      %dma_wait3A_141 = tpu.memref_slice %arg2[%dma_wait3A_139, %dma_wait3A_140] : memref<50001x32xf32, #tpu.memory_space<hbm>> -> memref<50001x32xf32, #tpu.memory_space<hbm>>
      %dma_wait3A_142 = tpu.memref_slice %arg8[%dma_wait3A_131] : memref<4x!tpu.dma_semaphore, #tpu.memory_space<semaphore_mem>> -> memref<1x!tpu.dma_semaphore, #tpu.memory_space<semaphore_mem>>
      %dma_wait3A_143 = tpu.memref_squeeze %dma_wait3A_142 : memref<1x!tpu.dma_semaphore, #tpu.memory_space<semaphore_mem>> -> memref<!tpu.dma_semaphore, #tpu.memory_space<semaphore_mem>>
      tpu.wait_indirect_dma semaphore(%dma_wait3A_143 : memref<!tpu.dma_semaphore, #tpu.memory_space<semaphore_mem>>) src(%dma_wait3A_141 : memref<50001x32xf32, #tpu.memory_space<hbm>>) dst(%dma_wait3A_135 : memref<272x32xf32, #tpu.memory_space<vmem>>)
      %parallel_loop3A_144 = arith.constant 0 : i32
      %parallel_loop3A_145 = arith.constant 272 : i32
      %parallel_loop3A_146 = arith.constant 1 : i32
      scf.for %parallel_loop3A_148 = %parallel_loop3A_144 to %parallel_loop3A_145 step %parallel_loop3A_146  : i32 {
        %parallel_loop3A_149 = vector.broadcast %parallel_loop3A_148 : i32 to vector<16xi32>
        %parallel_loop3A_150 = arith.constant 0 : i32
        %parallel_loop3A_151 = arith.index_cast %parallel_loop3A_150 : i32 to index
        %parallel_loop3A_152 = arith.index_cast %parallel_loop3A_148 : i32 to index
        %parallel_loop3A_153 = arith.constant 0 : index
        %parallel_loop3A_154 = tpu.vector_load %arg6[%parallel_loop3A_151, %parallel_loop3A_152, %parallel_loop3A_153] {strides = array<i32>} : memref<4x448x32xf32, #tpu.memory_space<vmem>>, vector<16xf32>,
        %parallel_loop3A_155 = arith.constant 0 : i32
        %parallel_loop3A_156 = arith.constant 0 : i32
        %parallel_loop3A_157 = arith.constant 0 : i32
        %parallel_loop3A_158 = tpu.memref_slice %arg7[%parallel_loop3A_155, %parallel_loop3A_156, %parallel_loop3A_157] : memref<4x32x449xf32, #tpu.memory_space<vmem>> -> memref<1x32x449xf32, #tpu.memory_space<vmem>>
        %parallel_loop3A_159 = tpu.memref_squeeze %parallel_loop3A_158 : memref<1x32x449xf32, #tpu.memory_space<vmem>> -> memref<32x449xf32, #tpu.memory_space<vmem>>
        tpu.vector_store_idx %parallel_loop3A_159[%add3A_6, %parallel_loop3A_149], %parallel_loop3A_154 : memref<32x449xf32, #tpu.memory_space<vmem>>[vector<16xi32>, vector<16xi32>], vector<16xf32>,
        %parallel_loop3A_160 = arith.constant 0 : i32
        %parallel_loop3A_161 = arith.index_cast %parallel_loop3A_160 : i32 to index
        %parallel_loop3A_162 = arith.index_cast %parallel_loop3A_148 : i32 to index
        %parallel_loop3A_163 = arith.constant 16 : index
        %parallel_loop3A_164 = tpu.vector_load %arg6[%parallel_loop3A_161, %parallel_loop3A_162, %parallel_loop3A_163] {strides = array<i32>} : memref<4x448x32xf32, #tpu.memory_space<vmem>>, vector<16xf32>,
        %parallel_loop3A_165 = arith.constant 0 : i32
        %parallel_loop3A_166 = arith.constant 0 : i32
        %parallel_loop3A_167 = arith.constant 0 : i32
        %parallel_loop3A_168 = tpu.memref_slice %arg7[%parallel_loop3A_165, %parallel_loop3A_166, %parallel_loop3A_167] : memref<4x32x449xf32, #tpu.memory_space<vmem>> -> memref<1x32x449xf32, #tpu.memory_space<vmem>>
        %parallel_loop3A_169 = tpu.memref_squeeze %parallel_loop3A_168 : memref<1x32x449xf32, #tpu.memory_space<vmem>> -> memref<32x449xf32, #tpu.memory_space<vmem>>
        tpu.vector_store_idx %parallel_loop3A_169[%add3A_9, %parallel_loop3A_149], %parallel_loop3A_164 : memref<32x449xf32, #tpu.memory_space<vmem>>[vector<16xi32>, vector<16xi32>], vector<16xf32>,
      } {sc.loop_unroll_factor = 4 : i64, sc.parallel_access}
      %run_scoped3A_147 = arith.constant 0 : i32
      "tpu.region"() ({
        %run_scoped3A_148 = tpu.sem_alloc : memref<!tpu.dma_semaphore, #tpu.memory_space<semaphore_mem>>
        %dma_start3A_149 = arith.constant 0 : i32
        %dma_start3A_150 = arith.constant 0 : i32
        %dma_start3A_151 = tpu.memref_slice %arg7[%run_scoped3A_147, %dma_start3A_149, %dma_start3A_150] : memref<4x32x449xf32, #tpu.memory_space<vmem>> -> memref<1x32x272xf32, #tpu.memory_space<vmem>>
        %dma_start3A_152 = tpu.memref_squeeze %dma_start3A_151 : memref<1x32x272xf32, #tpu.memory_space<vmem>> -> memref<32x272xf32, #tpu.memory_space<vmem>>
        %dma_start3A_153 = arith.constant 0 : i32
        %dma_start3A_154 = arith.constant 49728 : i32
        %dma_start3A_155 = tpu.memref_slice %arg4[%add3A, %dma_start3A_153, %dma_start3A_154] : memref<27x32x50000xf32, #tpu.memory_space<hbm>> -> memref<1x32x272xf32, #tpu.memory_space<hbm>>
        %dma_start3A_156 = tpu.memref_squeeze %dma_start3A_155 : memref<1x32x272xf32, #tpu.memory_space<hbm>> -> memref<32x272xf32, #tpu.memory_space<hbm>>
        %dma_start3A_157 = arith.constant 0 : i32
        %dma_start3A_158 = arith.constant 49728 : i32
        %dma_start3A_159 = tpu.memref_slice %arg4[%add3A, %dma_start3A_157, %dma_start3A_158] : memref<27x32x50000xf32, #tpu.memory_space<hbm>> -> memref<1x32x272xf32, #tpu.memory_space<hbm>>
        %dma_start3A_160 = tpu.memref_squeeze %dma_start3A_159 : memref<1x32x272xf32, #tpu.memory_space<hbm>> -> memref<32x272xf32, #tpu.memory_space<hbm>>
        %dma_start3A_161 = arith.constant 0 : i32
        %dma_start3A_162 = arith.constant 0 : i32
        %dma_start3A_163 = tpu.memref_slice %arg7[%run_scoped3A_147, %dma_start3A_161, %dma_start3A_162] : memref<4x32x449xf32, #tpu.memory_space<vmem>> -> memref<1x32x272xf32, #tpu.memory_space<vmem>>
        %dma_start3A_164 = tpu.memref_squeeze %dma_start3A_163 : memref<1x32x272xf32, #tpu.memory_space<vmem>> -> memref<32x272xf32, #tpu.memory_space<vmem>>
        tpu.enqueue_dma source(%dma_start3A_164 : memref<32x272xf32, #tpu.memory_space<vmem>>) target(%dma_start3A_160 : memref<32x272xf32, #tpu.memory_space<hbm>>) target_semaphore(%run_scoped3A_148 : memref<!tpu.dma_semaphore, #tpu.memory_space<semaphore_mem>>)
        %dma_wait3A_165 = arith.constant 0 : i32
        %dma_wait3A_166 = arith.constant 0 : i32
        %dma_wait3A_167 = tpu.memref_slice %arg7[%run_scoped3A_147, %dma_wait3A_165, %dma_wait3A_166] : memref<4x32x449xf32, #tpu.memory_space<vmem>> -> memref<1x32x272xf32, #tpu.memory_space<vmem>>
        %dma_wait3A_168 = tpu.memref_squeeze %dma_wait3A_167 : memref<1x32x272xf32, #tpu.memory_space<vmem>> -> memref<32x272xf32, #tpu.memory_space<vmem>>
        %dma_wait3A_169 = arith.constant 0 : i32
        %dma_wait3A_170 = arith.constant 49728 : i32
        %dma_wait3A_171 = tpu.memref_slice %arg4[%add3A, %dma_wait3A_169, %dma_wait3A_170] : memref<27x32x50000xf32, #tpu.memory_space<hbm>> -> memref<1x32x272xf32, #tpu.memory_space<hbm>>
        %dma_wait3A_172 = tpu.memref_squeeze %dma_wait3A_171 : memref<1x32x272xf32, #tpu.memory_space<hbm>> -> memref<32x272xf32, #tpu.memory_space<hbm>>
        %dma_wait3A_173 = arith.constant 0 : i32
        %dma_wait3A_174 = arith.constant 49728 : i32
        %dma_wait3A_175 = tpu.memref_slice %arg4[%add3A, %dma_wait3A_173, %dma_wait3A_174] : memref<27x32x50000xf32, #tpu.memory_space<hbm>> -> memref<1x32x272xf32, #tpu.memory_space<hbm>>
        %dma_wait3A_176 = tpu.memref_squeeze %dma_wait3A_175 : memref<1x32x272xf32, #tpu.memory_space<hbm>> -> memref<32x272xf32, #tpu.memory_space<hbm>>
        %dma_wait3A_177 = arith.constant 0 : i32
        %dma_wait3A_178 = arith.constant 0 : i32
        %dma_wait3A_179 = tpu.memref_slice %arg7[%run_scoped3A_147, %dma_wait3A_177, %dma_wait3A_178] : memref<4x32x449xf32, #tpu.memory_space<vmem>> -> memref<1x32x272xf32, #tpu.memory_space<vmem>>
        %dma_wait3A_180 = tpu.memref_squeeze %dma_wait3A_179 : memref<1x32x272xf32, #tpu.memory_space<vmem>> -> memref<32x272xf32, #tpu.memory_space<vmem>>
        tpu.wait_dma2 semaphore(%run_scoped3A_148 : memref<!tpu.dma_semaphore, #tpu.memory_space<semaphore_mem>>) src(%dma_wait3A_180 : memref<32x272xf32, #tpu.memory_space<vmem>>) dst(%dma_wait3A_176 : memref<32x272xf32, #tpu.memory_space<hbm>>)
        tpu.yield
      }) : () -> ()
    } else {
    }
    return
  }
}

</mosaic_0001>

<sc_bundles>
// kernel: kernel.3.cloned.1.call-start
scs
__scs_entry_jumppad:
0x0: {  	(pc) =	sbr.rel $0x88, $3  }
0x1: {  	(tag) =	ssettag $0x0;
	lr =	simm.s32 $0x1  }
0x2: {  	[smem:$0x3F9F] =	sst lr;
	_ =	strace $0xD0000000  }
0x3: {  	_ = 	snop  }
0x4: {  	_ = 	snop  }
0x5: {  	_ = 	snop  }
0x6: {  	_ = 	snop  }
0x7: {  	_ = 	snop  }
__scs_overlays_trampoline_lowered:
0x8: {  	[smem:$0x3FAE] =	sst s0  }
0x9: {  	[smem:$0x3FAF] =	sst s1  }
0xa: {  	[smem:$0x3FB0] =	sst s2  }
0xb: {  	[smem:$0x3FB1] =	sst s3  }
0xc: {  	[smem:$0x3FB2] =	sst s4  }
0xd: {  	[smem:$0x3FB3] =	sst s5  }
0xe: {  	[smem:$0x3FB4] =	sst s6  }
0xf: {  	[smem:$0x3FB5] =	sst s7  }
0x10: {  	[smem:$0x3FB6] =	sst s8  }
0x11: {  	[smem:$0x3FB7] =	sst s9;
	s0 =	simm.s32 @!p0 $0x0  }
0x12: {  	s1 =	sld [smem:$0x3F9D];
	s0 =	simm.s32 @p0 $0x1  }
0x13: {  	[smem:$0x3FB8] =	sst s0;
	s0 =	simm.s32 @!p1 $0x0  }
0x14: {  	s2 =	sld [smem:$0x3F9C];
	s0 =	simm.s32 @p1 $0x1  }
0x15: {  	[smem:$0x3FB9] =	sst s0;
	s0 =	simm.s32 @!p2 $0x0  }
0x16: {  	s3 =	sld [smem:$0x3FDB];
	s0 =	simm.s32 @p2 $0x1  }
0x17: {  	s4 =	simm.s32 $0x1BF5;
	[smem:$0x3FBB] =	sst s0  }
0x18: {  	s0 =	sld [smem:$0x3F9E];
	_ =	swait.ge [sflag:s4], $0x0  }
0x19: {  	s7 =	sld [smem:$0x3F9F]  }
0x1a: {  	s8 =	sadd.s32 $0xFFFFE003, lr  }
0x1b: {  	s9 =	sadd.s32 $0xFFFFFEF7, lr;
	s5 =	simm.s32 $0xFFFFFFFF;
	p2 =	slt.u32 s8, $0xFFFFF086  }
0x1c: {  	p1 =	slt.u32 s9, $0xF7A;
	s5 =	simm.s32 @!p2 $0x0  }
0x1d: {  	s5 =	simm.s32 @p1 $0x1;
	p0 =	seq.s32 s7, s2  }
0x1e: {  	s7 =	smul.u32 @!p0 $0xF7A, s2;
	p2 =	seq.s32 @!p0 s5, $0x0  }
0x1f: {  	s9 =	smul.u32 $0xF7A, s1;
	s8 =	simm.s32 @!p0 $0x1BF5;
	p2 =	por !p2, p0  }
0x20: {  	[sflag:s8] =	ssyncset.s32 @!p0 $0xFFFFF086;
	s6 =	sadd.s32 @!p0 s3, s7;
	s7 =	simm.s32 @!p0 $0x108  }
0x21: {  	s3 =	sadd.s32 s3, s9;
	s6 =	sadd.s32 @!p0 $0x88, s6;
	s7 =	simm.s32 @p2 $0x1082  }
0x22: {  	[simem:s7], [sflag:s8] =	dma.local @!p0 [hbm:s6], $0xF7A  }
0x23: {  	s9 =	sor.u32 $0xD0000000, s2;
	s6 =	simm.s32 $0x108;
	_ =	swait.ge @!p0 [sflag:s8], $0x0  }
0x24: {  	s3 =	sadd.s32 $0x88, s3;
	s6 =	simm.s32 @!p1 $0x1082;
	[sflag:s4] =	ssyncset.s32 $0xFFFFF086  }
0x25: {  	[simem:s6], [sflag:s4] =	dma.local [hbm:s3], $0xF7A  }
0x26: {  	[smem:$0x3F9F] =	sst s1;
	(tag) =	ssettag s2;
	_ =	strace s9  }
0x27: {  	s1 =	sld [smem:$0x3FAF]  }
0x28: {  	s2 =	sld [smem:$0x3FB0]  }
0x29: {  	s4 =	sld [smem:$0x3FB2]  }
0x2a: {  	p0 =	seq.s32 s5, $0x0;
	s5 =	sld [smem:$0x3FB3]  }
0x2b: {  	s6 =	sld [smem:$0x3FB4]  }
0x2c: {  	s7 =	sld [smem:$0x3FB5]  }
0x2d: {  	s3 =	simm.s32 $0x108;
	s8 =	sld [smem:$0x3FB6]  }
0x2e: {  	s3 =	simm.s32 @!p0 $0x1082;
	s9 =	sld [smem:$0x3FB7]  }
0x2f: {  	lr =	sadd.s32 s0, s3;
	s0 =	sld [smem:$0x3FAE]  }
0x30: {  	s3 =	sld [smem:$0x3FB1]  }
0x31: {  	[smem:$0x3FBA] =	sst s10  }
0x32: {  	s10 =	sld [smem:$0x3FB8];
	_ =	sdelay $0x3  }
0x33: {  	p0 =	seq.s32 s10, $0x1;
	s10 =	sld [smem:$0x3FBA];
	_ =	sdelay $0x3  }
0x34: {  	[smem:$0x3FBA] =	sst s10  }
0x35: {  	s10 =	sld [smem:$0x3FB9];
	_ =	sdelay $0x3  }
0x36: {  	p1 =	seq.s32 s10, $0x1;
	s10 =	sld [smem:$0x3FBA];
	_ =	sdelay $0x3  }
0x37: {  	[smem:$0x3FBA] =	sst s10  }
0x38: {  	s10 =	sld [smem:$0x3FBB]  }
0x39: {  	_ = 	snop;
	(pc) =	sbr.ind lr, $3  }
0x3a: {  	_ = 	snop  }
0x3b: {  	_ = 	snop  }
0x3c: {  	p2 =	seq.s32 s10, $0x1;
	s10 =	sld [smem:$0x3FBA]  }
0x3d: {  	_ =	shalt  }
0x3e: {  	_ =	shalt  }
0x3f: {  	_ =	shalt  }
0x40: {  	_ =	shalt  }
0x41: {  	_ =	shalt  }
0x42: {  	_ =	shalt  }
0x43: {  	_ =	shalt  }
0x44: {  	_ =	shalt  }
0x45: {  	_ =	shalt  }
0x46: {  	_ =	shalt  }
0x47: {  	_ =	shalt  }
0x48: {  	_ =	shalt  }
0x49: {  	_ =	shalt  }
0x4a: {  	_ =	shalt  }
0x4b: {  	_ =	shalt  }
0x4c: {  	_ =	shalt  }
0x4d: {  	_ =	shalt  }
0x4e: {  	_ =	shalt  }
0x4f: {  	_ =	shalt  }
0x50: {  	_ =	shalt  }
0x51: {  	_ =	shalt  }
0x52: {  	_ =	shalt  }
0x53: {  	_ =	shalt  }
0x54: {  	_ =	shalt  }
0x55: {  	_ =	shalt  }
0x56: {  	_ =	shalt  }
0x57: {  	_ =	shalt  }
0x58: {  	_ =	shalt  }
0x59: {  	_ =	shalt  }
0x5a: {  	_ =	shalt  }
0x5b: {  	_ =	shalt  }
0x5c: {  	_ =	shalt  }
0x5d: {  	_ =	shalt  }
0x5e: {  	_ =	shalt  }
0x5f: {  	_ =	shalt  }
0x60: {  	_ =	shalt  }
0x61: {  	_ =	shalt  }
0x62: {  	_ =	shalt  }
0x63: {  	_ =	shalt  }
0x64: {  	_ =	shalt  }
0x65: {  	_ =	shalt  }
0x66: {  	_ =	shalt  }
0x67: {  	_ =	shalt  }
0x68: {  	_ =	shalt  }
0x69: {  	_ =	shalt  }
0x6a: {  	_ =	shalt  }
0x6b: {  	_ =	shalt  }
0x6c: {  	_ =	shalt  }
0x6d: {  	_ =	shalt  }
0x6e: {  	_ =	shalt  }
0x6f: {  	_ =	shalt  }
0x70: {  	_ =	shalt  }
0x71: {  	_ =	shalt  }
0x72: {  	_ =	shalt  }
0x73: {  	_ =	shalt  }
0x74: {  	_ =	shalt  }
0x75: {  	_ =	shalt  }
0x76: {  	_ =	shalt  }
0x77: {  	_ =	shalt  }
0x78: {  	_ =	shalt  }
0x79: {  	_ =	shalt  }
0x7a: {  	_ =	shalt  }
0x7b: {  	_ =	shalt  }
0x7c: {  	_ =	shalt  }
0x7d: {  	_ =	shalt  }
0x7e: {  	_ =	shalt  }
0x7f: {  	_ =	shalt  }
0x80: {  	_ =	shalt  }
0x81: {  	_ =	shalt  }
0x82: {  	_ =	shalt  }
0x83: {  	_ =	shalt  }
0x84: {  	_ =	shalt  }
0x85: {  	_ =	shalt  }
0x86: {  	_ =	shalt  }
0x87: {  	_ =	shalt  }
.Lfunc_end0:
.L_simem_size_0:
called_computation_lowered:
.L_overlay_start_0:
0x88: {  	s2 =	sld [smem:$0x3FD9]  }
0x89: {  	s3 =	sld [smem:$0x3FFE];
	_ =	sdelay $0x1  }
0x8a: {  	s1 =	srdreg.scid  }
0x8b: {  	s0 =	sand.u32 $0x1, s1  }
0x8c: {  	s17 =	sshll.u32 s0, $0xA;
	s2 =	sadd.s32 s3, s2  }
0x8d: {  	s2 =	sadd.s32 s2, s17  }
0x8e: {  	[smem:$0x3FC6] =	sst s2  }
0x8f: {  	_ = 	snop  }
0x90: {  	s2 =	sld [smem:$0x3FD0];
	(tm) =	ssettm $0x1  }
0x91: {  	s18 =	sld [smem:$0x3FFB];
	_ =	sdelay $0x3  }
0x92: {  	_ =	strace s18  }
0x93: {  	s3 =	sld [smem:$0x3FFC];
	_ =	sdelay $0x3  }
0x94: {  	_ =	strace s3  }
0x95: {  	s3 =	sld [smem:$0x3FFD];
	_ =	sdelay $0x3  }
0x96: {  	_ =	strace s3  }
0x97: {  	_ =	strace $0x8FFFFFFF  }
0x98: {  	s19 =	sld [smem:$0x3FDB];
	_ =	sdelay $0x1  }
0x99: {  	s4 =	simm.s32 $_scs_section_size  }
0x9a: {  	s5 =	simm.s32 $_size__tile_overlayer_lowered;
	s6 =	simm.s32 $_tile_overlayer_lowered  }
0x9b: {  	s22 =	simm.s32 $0x1BFF;
	s21 =	sshll.u32 s6, $0x1;
	s3 =	sadd.s32 s4, s19  }
0x9c: {  	s7 =	simm.s32 $0x0;
	s20 =	sshll.u32 s5, $0x1;
	s5 =	sadd.s32 s21, s3  }
0x9d: {  	[timem:s7], [sflag:s22] =	dma.local [hbm:s5], s20  }
0x9e: {  	_ =	swait.ge [sflag:s22], s20  }
0x9f: {  	s4 =	ssub.s32 $0x0, s20;
	[sflag:s22] =	ssyncset.done $0x0  }
0xa0: {  	[sflag:s22] =	ssyncadd.s32 s4;
	_ =	sdelay $0x1  }
0xa1: {  	s23 =	simm.s32 $0x1B8B  }
0xa2: {  	_ =	swait.ge [sflag:s23], $0x1  }
0xa3: {  	[sflag:s23] =	ssyncset.done $0x0  }
0xa4: {  	s25 =	simm.s32 $0x1B8E;
	s24 =	sld [smem:$0x3FFE];
	[sflag:s23] =	ssyncadd.s32 $0xFFFFFFFF  }
0xa5: {  	s26 =	simm.s32 $execute0_lowered;
	[smem:$0x3FD2] =	sst s25  }
0xa6: {  	s5 =	sshll.u32 s26, $0x1;
	_ =	strace $0x80000046;
	[dreg:$0x1] =	wrdreg $0xFFFFFFFF  }
0xa7: {  	s28 =	simm.s32 $_size_execute0_lowered;
	s3 =	sadd.s32 s3, s5;
	[dreg:$0x0] =	wrdreg $0x0  }
0xa8: {  	s5 =	sshll.u32 s28, $0x1;
	[dreg:$0x2] =	wrdreg s3  }
0xa9: {  	[dreg:$0x3] =	wrdreg s5  }
0xaa: {  	[dreg:$0x4] =	wrdreg $0xC0  }
0xab: {  	_ =	task [dreg:s7], $0x5FFFF  }
0xac: {  	[dreg:$0x1] =	wrdreg $0xFFFFFFFF  }
0xad: {  	[dreg:$0x0] =	wrdreg $0x60  }
0xae: {  	[dreg:$0x2] =	wrdreg s2  }
0xaf: {  	[dreg:$0x3] =	wrdreg s24  }
0xb0: {  	[dreg:$0x4] =	wrdreg $0x9  }
0xb1: {  	_ =	task.clear_ibuf [dreg:s7], $0x5FFFF;
	_ =	strace $0x90000046  }
0xb2: {  	s29 =	simm.s32 $0x9;
	_ =	strace $0x80000048  }
0xb3: {  	_ =	swait.ge [sflag:s29], $0x1  }
0xb4: {  	[sflag:s29] =	ssyncadd.s32 $0xFFFFFFFF  }
0xb5: {  	_ =	strace $0x90000048  }
0xb6: {  	_ =	sfence  }
0xb7: {  	s30 =	sld [smem:$0x0];
	_ =	sdelay $0x2  }
0xb8: {  	s31 =	sshll.u32 s1, $0xD;
	s1 =	sshrl.u32 s1, $0x2  }
0xb9: {  	s3 =	sand.u32 $0x4000, s31;
	s1 =	sadd.s32 s1, s30  }
0xba: {  	s0 =	sor.u32 s3, s0;
	s1 =	sshll.u32 s1, $0x11  }
0xbb: {  	s0 =	sor.u32 s1, s0  }
0xbc: {  	s0 =	sadd.s32 $0x8F2B, s0  }
0xbd: {  	[sflag:s0] =	ssyncadd.remote.s32 $0x1  }
0xbe: {  	_ =	sfence.sel $0xFFFF  }
0xbf: {  	[dreg:$0x0] =	wrdreg $0xFFFFFFFF;
	(pc) =	sbr.abs _section_cstart, $3  }
0xc0: {  	[dreg:$0x1] =	wrdreg $0xFFFFFFFF  }
0xc1: {  	_ =	task.clear_ibuf [dreg:s7], $0x2FFFF;
	_ =	strace $0x9FFFFFFF  }
0xc2: {  	(tm) =	ssettm $0x7FFFFFFF  }
0xc3: {  	_ =	shalt  }
tec
execute0_lowered:
.L_overlay_start_1:
0x0: {  	(tag) =	ssettag $0x1  }
0x1: {  	s2 =	rddreg [dreg:$0x0];
	s0 =	srdreg.scid  }
0x2: {  	s3 =	stileid.u32;
	s1 =	rddreg [dreg:$0x1]  }
0x3: {  	s17 =	simm.s32 $0x5E;
	s11 =	simm.s32 $0x9;
	s12 =	simm.s32 $0x1C0  }
0x4: {  	s13 =	simm.s32 $0x700;
	s16 =	simm.s32 $0x380;
	s18 =	simm.s32 $0x540  }
0x5: {  	s19 =	simm.s32 $0x1;
	s20 =	simm.s32 $0xE700;
	s21 =	simm.s32 $0x2  }
0x6: {  	s22 =	simm.s32 $0x12000;
	s23 =	simm.s32 $0x3;
	s24 =	simm.s32 $0x15900  }
0x7: {  	s25 =	simm.s32 $0x4;
	s26 =	simm.s32 $0x19200;
	s0 =	sand.u32 $0x1, s0  }
0x8: {  	s4 =	sshll.u32 s3, $0x1;
	s3 =	simm.s32 $0x0;
	s5 =	sadd.s32 $0x400, s1  }
0x9: {  	s6 =	sadd.s32 $0x29800, s1;
	s4 =	sor.u32 s0, s4;
	[smem:$0x7FF] =	sst s3  }
0xa: {  	s0 =	ssub.s32 $0x2, s0;
	s7 =	smul.u32 $0xC350, s4;
	_ =	strace $0x80000047  }
0xb: {  	s8 =	sshrl.u32 s0, $0x1;
	s9 =	smul.u32 $0x186A00, s4;
	p0 =	slt.u32 s4, $0x15  }
.Ltmp0:
0xc: {  	s0 =	ssub.s32 s0, s8;
	s29 =	sshrl.u32 s7, $0x3;
	(pc) =	sbr.rel .LBB2_1-.Ltmp0, $4  }
0xd: {  	v0 =	vlaneseq.u32;
	s30 =	sshrl.u32 s9, $0x3;
	s0 =	smax.u32 s0, $0x1;
	s1 =	sadd.s32 s5, s29  }
0xe: {  	v0 =	vmul.u32 $0x1C8, v0;
	s7 =	sadd.s32 s6, s30;
	[dreg:$0x5] =	wrdreg s0;
	s1 =	sadd.s32 $0x1848, s1  }
0xf: {  	s17 =	simm.s32 @!p0 $0x5D;
	s31 =	sadd.s32 $0x1848, s7;
	[dreg:$0x3] =	wrdreg s1  }
0x10: {  	v1 =	vadd.s32 $0x1C80, v0;
	p0 =	sgt.u32 s4, $0x1A;
	[dreg:$0x4] =	wrdreg s31;
	s1 =	simm.s32 $0x0  }
.LBB2_43:
0x11: {  	s1 =	sadd.s32 $0x1, s1;
	s0 =	rddreg [dreg:$0x5]  }
0x12: {  	p1 =	sne.s32 s1, s0  }
.Ltmp1:
0x13: {  	_ = 	snop;
	(pc) =	sbr.rel @!p1 .LBB2_44-.Ltmp1, $1  }
0x14: {  	_ =	sdelay $0x3  }
.LBB2_1:
0x15: {  	[dreg:$0x6] =	wrdreg s1;
	s1 =	simm.s32 $0x0  }
.LBB2_2:
0x16: {  	s0 =	sshll.u32 s1, $0x7  }
0x17: {  	s8 =	sor.u32 s4, s0  }
0x18: {  	s0 =	smulhi.u32 $0x4BDA12F7, s8;
	_ =	sdelay $0x1  }
0x19: {  	s7 =	sshrl.u32 s0, $0x3  }
0x1a: {  	s0 =	smul.u32 $0x1B, s7;
	_ =	sdelay $0x1  }
0x1b: {  	s31 =	smul.u32 $0x1C0, s7;
	s0 =	ssub.s32 s8, s0  }
0x1c: {  	p1 =	seq.s32 s1, $0x0;
	s30 =	smul.u32 $0xC350, s0  }
0x1d: {  	s9 =	simm.s32 @!p1 $0x5  }
0x1e: {  	_ =	swait.ge @!p1 [sflag:s9], $0x3800;
	s7 =	sadd.s32 s31, s30  }
0x1f: {  	[sflag:s9] =	ssyncset.done @!p1 $0x0;
	s7 =	sshrl.u32 s7, $0x3  }
0x20: {  	[sflag:s9] =	ssyncadd.s32 @!p1 $0xFFFFC800;
	s7 =	sadd.s32 s5, s7  }
0x21: {  	[tilespmem:s3], [sflag:$0x9] =	stream.linear.gather [hbm4b:s7+s3], $0x1C0, $0x38;
	[tilespmem:$0x1CB00] =	vst v63  }
0x22: {  	_ =	swait.ge [sflag:s11], $0x1C0  }
0x23: {  	[sflag:s11] =	ssyncset.done $0x0  }
0x24: {  	s9 =	simm.s32 $0x20;
	[sflag:s11] =	ssyncadd.s32 $0xFFFFFE40  }
0x25: {  	v2 =	vld [tilespmem:s9+$0xFFFFFFE0]  }
0x26: {  	v4 =	vld [tilespmem:s9+$0x10]  }
0x27: {  	v5 =	vld [tilespmem:s9+$0x0]  }
0x28: {  	v6 =	vld [tilespmem:s9+$0xFFFFFFF0];
	_ =	sdelay $0x1  }
0x29: {  	s7 =	simm.s32 $0x60;
	v2 =	vadd.s32 $0x1, v2  }
0x2a: {  	v3 =	vld [tilespmem:s7+$0xFFFFFFE0];
	v4 =	vadd.s32 $0x1, v4;
	[tilespmem:s9+$0xFFFFFFE0] =	vst v2  }
0x2b: {  	v7 =	vadd.s32 $0x1, v5;
	v2 =	vld [tilespmem:s7+$0x10];
	[tilespmem:s9+$0x10] =	vst v4  }
0x2c: {  	s10 =	simm.s32 $0x4;
	v5 =	vadd.s32 $0x1, v6;
	v4 =	vld [tilespmem:s7+$0x0];
	[tilespmem:s9+$0x0] =	vst v7  }
.LBB2_3:
0x2d: {  	s10 =	sadd.s32 $0x4, s10  }
0x2e: {  	v6 =	vld [tilespmem:s7+$0xFFFFFFF0];
	[tilespmem:s9+$0xFFFFFFF0] =	vst v5;
	s9 =	smov.u32 s7;
	p2 =	slt.u32 s10, $0x18  }
.Ltmp2:
0x2f: {  	(pc) =	sbr.rel @p2 .LBB2_3-.Ltmp2, $4  }
0x30: {  	s7 =	sadd.s32 $0x40, s7;
	v5 =	vadd.s32 $0x1, v3  }
0x31: {  	v3 =	vld [tilespmem:s7+$0xFFFFFFE0];
	[tilespmem:s9+$0xFFFFFFE0] =	vst v5;
	v5 =	vadd.s32 $0x1, v2  }
0x32: {  	v2 =	vld [tilespmem:s7+$0x10];
	v7 =	vadd.s32 $0x1, v4;
	[tilespmem:s9+$0x10] =	vst v5  }
0x33: {  	v4 =	vld [tilespmem:s7+$0x0];
	v5 =	vadd.s32 $0x1, v6;
	[tilespmem:s9+$0x0] =	vst v7  }
0x34: {  	s15 =	sor.u32 $0x20, s8  }
0x35: {  	v6 =	vld [tilespmem:s7+$0xFFFFFFF0];
	s10 =	smulhi.u32 $0x4BDA12F7, s15;
	_ =	sdelay $0x1  }
0x36: {  	[tilespmem:s9+$0xFFFFFFF0] =	vst v5;
	v3 =	vadd.s32 $0x1, v3;
	s10 =	sshrl.u32 s10, $0x3  }
0x37: {  	[tilespmem:s7+$0xFFFFFFE0] =	vst v3;
	v2 =	vadd.s32 $0x1, v2;
	s28 =	smul.u32 $0x1B, s10  }
0x38: {  	v3 =	vadd.s32 $0x1, v4;
	[tilespmem:s7+$0x10] =	vst v2  }
0x39: {  	s29 =	smul.u32 $0x1C0, s10;
	v2 =	vadd.s32 $0x1, v6;
	[tilespmem:s7+$0x0] =	vst v3;
	s30 =	ssub.s32 s15, s28  }
0x3a: {  	s9 =	simm.s32 @!p1 $0x6;
	[tilespmem:s7+$0xFFFFFFF0] =	vst v2;
	s7 =	smul.u32 $0xC350, s30  }
0x3b: {  	[tilespmem:s13], [sflag:$0x1] =	stream.indirect.gather [hbm4b:s2+s12], $0x20, s3, s12, $0xb8;
	[tilespmem:$0x1CB00] =	vst v63  }
0x3c: {  	_ =	swait.ge @!p1 [sflag:s9], $0x3800;
	s7 =	sadd.s32 s29, s7  }
0x3d: {  	[sflag:s9] =	ssyncset.done @!p1 $0x0;
	s7 =	sshrl.u32 s7, $0x3  }
0x3e: {  	[sflag:s9] =	ssyncadd.s32 @!p1 $0xFFFFC800;
	s7 =	sadd.s32 s5, s7  }
0x3f: {  	[tilespmem:s12], [sflag:$0x9] =	stream.linear.gather [hbm4b:s7+s3], $0x1C0, $0x38;
	[tilespmem:$0x1CB00] =	vst v63  }
0x40: {  	_ =	swait.ge [sflag:s11], $0x1C0  }
0x41: {  	[sflag:s11] =	ssyncset.done $0x0  }
0x42: {  	s9 =	simm.s32 $0x1F0;
	[sflag:s11] =	ssyncadd.s32 $0xFFFFFE40  }
0x43: {  	v2 =	vld [tilespmem:s9+$0xFFFFFFD0]  }
0x44: {  	v4 =	vld [tilespmem:s9+$0x0]  }
0x45: {  	v5 =	vld [tilespmem:s9+$0xFFFFFFF0]  }
0x46: {  	v6 =	vld [tilespmem:s9+$0xFFFFFFE0];
	_ =	sdelay $0x1  }
0x47: {  	s7 =	simm.s32 $0x230;
	v2 =	vadd.s32 $0x1, v2  }
0x48: {  	v3 =	vld [tilespmem:s7+$0xFFFFFFD0];
	v4 =	vadd.s32 $0x1, v4;
	[tilespmem:s9+$0xFFFFFFD0] =	vst v2  }
0x49: {  	v7 =	vadd.s32 $0x1, v5;
	v2 =	vld [tilespmem:s7+$0x0];
	[tilespmem:s9+$0x0] =	vst v4  }
0x4a: {  	s10 =	simm.s32 $0x4;
	v5 =	vadd.s32 $0x1, v6;
	v4 =	vld [tilespmem:s7+$0xFFFFFFF0];
	[tilespmem:s9+$0xFFFFFFF0] =	vst v7  }
.LBB2_5:
0x4b: {  	s10 =	sadd.s32 $0x4, s10  }
0x4c: {  	v6 =	vld [tilespmem:s7+$0xFFFFFFE0];
	[tilespmem:s9+$0xFFFFFFE0] =	vst v5;
	s9 =	smov.u32 s7;
	p2 =	slt.u32 s10, $0x18  }
.Ltmp3:
0x4d: {  	(pc) =	sbr.rel @p2 .LBB2_5-.Ltmp3, $4  }
0x4e: {  	s7 =	sadd.s32 $0x40, s7;
	v5 =	vadd.s32 $0x1, v3  }
0x4f: {  	v3 =	vld [tilespmem:s7+$0xFFFFFFD0];
	[tilespmem:s9+$0xFFFFFFD0] =	vst v5;
	v5 =	vadd.s32 $0x1, v2  }
0x50: {  	v2 =	vld [tilespmem:s7+$0x0];
	v7 =	vadd.s32 $0x1, v4;
	[tilespmem:s9+$0x0] =	vst v5  }
0x51: {  	v4 =	vld [tilespmem:s7+$0xFFFFFFF0];
	v5 =	vadd.s32 $0x1, v6;
	[tilespmem:s9+$0xFFFFFFF0] =	vst v7  }
0x52: {  	[tilespmem:s9+$0xFFFFFFE0] =	vst v5;
	s9 =	sor.u32 $0x40, s8  }
0x53: {  	v6 =	vld [tilespmem:s7+$0xFFFFFFE0];
	s10 =	smulhi.u32 $0x4BDA12F7, s9;
	_ =	sdelay $0x1  }
0x54: {  	v3 =	vadd.s32 $0x1, v3;
	s10 =	sshrl.u32 s10, $0x3  }
0x55: {  	[tilespmem:s7+$0xFFFFFFD0] =	vst v3;
	v2 =	vadd.s32 $0x1, v2;
	s15 =	smul.u32 $0x1B, s10  }
0x56: {  	v3 =	vadd.s32 $0x1, v4;
	[tilespmem:s7+$0x0] =	vst v2  }
0x57: {  	v2 =	vadd.s32 $0x1, v6;
	[tilespmem:s7+$0xFFFFFFF0] =	vst v3;
	s28 =	ssub.s32 s9, s15;
	s9 =	smul.u32 $0x1C0, s10  }
0x58: {  	s14 =	simm.s32 $0x3F00;
	[tilespmem:s7+$0xFFFFFFE0] =	vst v2;
	s10 =	simm.s32 @!p1 $0x7;
	s7 =	smul.u32 $0xC350, s28  }
0x59: {  	[tilespmem:s14], [sflag:$0x2] =	stream.indirect.gather [hbm4b:s2+s12], $0x20, s12, s12, $0xb8;
	[tilespmem:$0x1CB00] =	vst v63  }
0x5a: {  	_ =	swait.ge @!p1 [sflag:s10], $0x3800;
	s7 =	sadd.s32 s9, s7  }
0x5b: {  	[sflag:s10] =	ssyncset.done @!p1 $0x0;
	s7 =	sshrl.u32 s7, $0x3  }
0x5c: {  	[sflag:s10] =	ssyncadd.s32 @!p1 $0xFFFFC800;
	s7 =	sadd.s32 s5, s7  }
0x5d: {  	[tilespmem:s16], [sflag:$0x9] =	stream.linear.gather [hbm4b:s7+s3], $0x1C0, $0x38;
	[tilespmem:$0x1CB00] =	vst v63  }
0x5e: {  	_ =	swait.ge [sflag:s11], $0x1C0  }
0x5f: {  	[sflag:s11] =	ssyncset.done $0x0  }
0x60: {  	s10 =	simm.s32 $0x3B0;
	[sflag:s11] =	ssyncadd.s32 $0xFFFFFE40  }
0x61: {  	v2 =	vld [tilespmem:s10+$0xFFFFFFD0]  }
0x62: {  	v4 =	vld [tilespmem:s10+$0x0]  }
0x63: {  	v5 =	vld [tilespmem:s10+$0xFFFFFFF0]  }
0x64: {  	v6 =	vld [tilespmem:s10+$0xFFFFFFE0];
	_ =	sdelay $0x1  }
0x65: {  	s7 =	simm.s32 $0x3F0;
	v2 =	vadd.s32 $0x1, v2  }
0x66: {  	v3 =	vld [tilespmem:s7+$0xFFFFFFD0];
	v4 =	vadd.s32 $0x1, v4;
	[tilespmem:s10+$0xFFFFFFD0] =	vst v2  }
0x67: {  	v7 =	vadd.s32 $0x1, v5;
	v2 =	vld [tilespmem:s7+$0x0];
	[tilespmem:s10+$0x0] =	vst v4  }
0x68: {  	s14 =	simm.s32 $0x4;
	v5 =	vadd.s32 $0x1, v6;
	v4 =	vld [tilespmem:s7+$0xFFFFFFF0];
	[tilespmem:s10+$0xFFFFFFF0] =	vst v7  }
.LBB2_7:
0x69: {  	s14 =	sadd.s32 $0x4, s14  }
0x6a: {  	v6 =	vld [tilespmem:s7+$0xFFFFFFE0];
	[tilespmem:s10+$0xFFFFFFE0] =	vst v5;
	s10 =	smov.u32 s7;
	p2 =	slt.u32 s14, $0x18  }
.Ltmp4:
0x6b: {  	(pc) =	sbr.rel @p2 .LBB2_7-.Ltmp4, $4  }
0x6c: {  	s7 =	sadd.s32 $0x40, s7;
	v5 =	vadd.s32 $0x1, v3  }
0x6d: {  	v3 =	vld [tilespmem:s7+$0xFFFFFFD0];
	[tilespmem:s10+$0xFFFFFFD0] =	vst v5;
	v5 =	vadd.s32 $0x1, v2  }
0x6e: {  	v2 =	vld [tilespmem:s7+$0x0];
	v7 =	vadd.s32 $0x1, v4;
	[tilespmem:s10+$0x0] =	vst v5  }
0x6f: {  	v4 =	vld [tilespmem:s7+$0xFFFFFFF0];
	v5 =	vadd.s32 $0x1, v6;
	[tilespmem:s10+$0xFFFFFFF0] =	vst v7  }
0x70: {  	v6 =	vld [tilespmem:s7+$0xFFFFFFE0];
	_ =	sdelay $0x1  }
0x71: {  	[tilespmem:s10+$0xFFFFFFE0] =	vst v5;
	s8 =	sor.u32 $0x60, s8;
	v3 =	vadd.s32 $0x1, v3  }
0x72: {  	s14 =	smulhi.u32 $0x4BDA12F7, s8;
	[tilespmem:s7+$0xFFFFFFD0] =	vst v3;
	v2 =	vadd.s32 $0x1, v2  }
0x73: {  	v3 =	vadd.s32 $0x1, v4;
	[tilespmem:s7+$0x0] =	vst v2  }
0x74: {  	s14 =	sshrl.u32 s14, $0x3;
	v2 =	vadd.s32 $0x1, v6;
	[tilespmem:s7+$0xFFFFFFF0] =	vst v3  }
0x75: {  	s15 =	simm.s32 $0x7700;
	[tilespmem:s7+$0xFFFFFFE0] =	vst v2;
	s7 =	smul.u32 $0x1B, s14  }
0x76: {  	[tilespmem:s15], [sflag:$0x3] =	stream.indirect.gather [hbm4b:s2+s12], $0x20, s16, s12, $0xb8;
	[tilespmem:$0x1CB00] =	vst v63  }
0x77: {  	s10 =	ssub.s32 s8, s7;
	s8 =	smul.u32 $0x1C0, s14  }
0x78: {  	s7 =	smul.u32 $0xC350, s10  }
0x79: {  	s14 =	simm.s32 @!p1 $0x8  }
0x7a: {  	_ =	swait.ge @!p1 [sflag:s14], $0x3800;
	s7 =	sadd.s32 s8, s7  }
0x7b: {  	[sflag:s14] =	ssyncset.done @!p1 $0x0;
	s7 =	sshrl.u32 s7, $0x3  }
0x7c: {  	[sflag:s14] =	ssyncadd.s32 @!p1 $0xFFFFC800;
	s7 =	sadd.s32 s5, s7  }
0x7d: {  	[tilespmem:s18], [sflag:$0x9] =	stream.linear.gather [hbm4b:s7+s3], $0x1C0, $0x38;
	[tilespmem:$0x1CB00] =	vst v63  }
0x7e: {  	_ =	swait.ge [sflag:s11], $0x1C0  }
0x7f: {  	[sflag:s11] =	ssyncset.done $0x0  }
0x80: {  	s14 =	simm.s32 $0x570;
	[sflag:s11] =	ssyncadd.s32 $0xFFFFFE40  }
0x81: {  	v2 =	vld [tilespmem:s14+$0xFFFFFFD0]  }
0x82: {  	v4 =	vld [tilespmem:s14+$0xFFFFFFF0]  }
0x83: {  	v3 =	vld [tilespmem:s14+$0x0]  }
0x84: {  	v5 =	vld [tilespmem:s14+$0xFFFFFFE0];
	_ =	sdelay $0x1  }
0x85: {  	s7 =	simm.s32 $0x5B0;
	v6 =	vadd.s32 $0x1, v2  }
0x86: {  	v2 =	vld [tilespmem:s7+$0xFFFFFFD0];
	v7 =	vadd.s32 $0x1, v4;
	[tilespmem:s14+$0xFFFFFFD0] =	vst v6  }
0x87: {  	v4 =	vld [tilespmem:s7+$0xFFFFFFF0];
	v6 =	vadd.s32 $0x1, v3;
	[tilespmem:s14+$0xFFFFFFF0] =	vst v7  }
0x88: {  	s16 =	simm.s32 $0x4;
	v5 =	vadd.s32 $0x1, v5;
	v3 =	vld [tilespmem:s7+$0x0];
	[tilespmem:s14+$0x0] =	vst v6  }
.LBB2_9:
0x89: {  	s16 =	sadd.s32 $0x4, s16  }
0x8a: {  	v6 =	vld [tilespmem:s7+$0xFFFFFFE0];
	[tilespmem:s14+$0xFFFFFFE0] =	vst v5;
	s14 =	smov.u32 s7;
	p1 =	slt.u32 s16, $0x18  }
.Ltmp5:
0x8b: {  	(pc) =	sbr.rel @p1 .LBB2_9-.Ltmp5, $4  }
0x8c: {  	s7 =	sadd.s32 $0x40, s7;
	v5 =	vadd.s32 $0x1, v2  }
0x8d: {  	v2 =	vld [tilespmem:s7+$0xFFFFFFD0];
	[tilespmem:s14+$0xFFFFFFD0] =	vst v5;
	v5 =	vadd.s32 $0x1, v3  }
0x8e: {  	v3 =	vld [tilespmem:s7+$0x0];
	v7 =	vadd.s32 $0x1, v4;
	[tilespmem:s14+$0x0] =	vst v5  }
0x8f: {  	v4 =	vld [tilespmem:s7+$0xFFFFFFF0];
	v5 =	vadd.s32 $0x1, v6;
	[tilespmem:s14+$0xFFFFFFF0] =	vst v7  }
0x90: {  	v6 =	vld [tilespmem:s7+$0xFFFFFFE0];
	_ =	sdelay $0x1  }
0x91: {  	[tilespmem:s14+$0xFFFFFFE0] =	vst v5;
	v2 =	vadd.s32 $0x1, v2  }
0x92: {  	[tilespmem:s7+$0xFFFFFFD0] =	vst v2;
	v2 =	vadd.s32 $0x1, v3  }
0x93: {  	v3 =	vadd.s32 $0x1, v4;
	[tilespmem:s7+$0x0] =	vst v2  }
0x94: {  	v2 =	vadd.s32 $0x1, v6;
	[tilespmem:s7+$0xFFFFFFF0] =	vst v3  }
0x95: {  	s15 =	simm.s32 $0xAF00;
	[tilespmem:s7+$0xFFFFFFE0] =	vst v2  }
0x96: {  	[tilespmem:s15], [sflag:$0x4] =	stream.indirect.gather [hbm4b:s2+s12], $0x20, s18, s12, $0xb8;
	[tilespmem:$0x1CB00] =	vst v63  }
0x97: {  	s16 =	simm.s32 $0x3;
	_ =	swait.ge [sflag:s19], $0x3800  }
0x98: {  	v2 =	vmov s16;
	s18 =	simm.s32 $0x0;
	[sflag:s19] =	ssyncset.done $0x0  }
0x99: {  	s16 =	simm.s32 $0x740;
	v2 =	vand.u32 $0x1FF, v2;
	v3 =	vmov s18;
	[sflag:s19] =	ssyncadd.s32 $0xFFFFC800  }
0x9a: {  	v5 =	vadd.s32 v0, v2;
	v3 =	vand.u32 $0x1FC, v3;
	v4 =	vld [tilespmem:s16+$0x20]  }
0x9b: {  	v7 =	vadd.s32 v0, v3;
	v6 =	vld [tilespmem:s16+$0xFFFFFFC0]  }
0x9c: {  	s18 =	simm.s32 $0x2  }
0x9d: {  	v9 =	vmov s18  }
0x9e: {  	s15 =	simm.s32 $0x1;
	v16 =	vand.u32 $0x1FE, v9  }
0x9f: {  	v8 =	vmov s15;
	v9 =	vld [tilespmem:s16+$0x0];
	v12 =	vadd.s32 v0, v16;
	[tilespmem:v5+s20+$0x0] =	vst.idx.msk $0xffff, v4  }
0xa0: {  	s14 =	simm.s32 $0x7;
	v14 =	vadd.s32 v1, v2;
	v8 =	vand.u32 $0x1FD, v8;
	[tilespmem:v7+s20+$0x0] =	vst.idx.msk $0xffff, v6;
	v6 =	vld [tilespmem:s16+$0x30]  }
0xa1: {  	s15 =	simm.s32 $0x4;
	v11 =	vadd.s32 v0, v8;
	v10 =	vld [tilespmem:s16+$0xFFFFFFE0];
	v4 =	vmov s14  }
0xa2: {  	v2 =	vmov s15;
	s18 =	simm.s32 $0x5;
	v18 =	vadd.s32 v1, v3;
	s14 =	simm.s32 $0x7C0;
	v4 =	vand.u32 $0x1FF, v4;
	v17 =	vld [tilespmem:s16+$0xFFFFFFD0]  }
0xa3: {  	s15 =	simm.s32 $0x6;
	v5 =	vand.u32 $0x1FC, v2;
	v2 =	vmov s18;
	v19 =	vld [tilespmem:s14+$0x20];
	v20 =	vadd.s32 v0, v4  }
0xa4: {  	[tilespmem:v12+s20+$0x0] =	vst.idx.msk $0xffff, v9;
	v7 =	vmov s15;
	v13 =	vld [tilespmem:s14+$0xFFFFFFC0];
	v15 =	vadd.s32 v0, v5;
	v3 =	vand.u32 $0x1FD, v2  }
0xa5: {  	v12 =	vld [tilespmem:s14+$0xFFFFFFE0];
	v2 =	vand.u32 $0x1FE, v7;
	[tilespmem:v14+s20+$0x0] =	vst.idx.msk $0xffff, v6;
	v14 =	vadd.s32 v0, v3  }
0xa6: {  	[tilespmem:v11+s20+$0x0] =	vst.idx.msk $0xffff, v10;
	v7 =	vld [tilespmem:s14+$0x0];
	v11 =	vadd.s32 v0, v2  }
0xa7: {  	s7 =	simm.s32 $0xC;
	v8 =	vadd.s32 v1, v8;
	[tilespmem:v18+s20+$0x0] =	vst.idx.msk $0xffff, v17;
	v6 =	vld [tilespmem:s16+$0xFFFFFFF0]  }
0xa8: {  	s18 =	simm.s32 $0x8;
	s15 =	simm.s32 $0xB;
	v10 =	vadd.s32 v1, v16;
	v9 =	vld [tilespmem:s16+$0x10];
	s16 =	simm.s32 $0x7C0;
	[tilespmem:v20+s20+$0x0] =	vst.idx.msk $0xffff, v19  }
.LBB2_11:
0xa9: {  	p1 =	slt.u32 s7, $0x1BC;
	v16 =	vmov s15;
	[tilespmem:v15+s20+$0x0] =	vst.idx.msk $0xffff, v13;
	v17 =	vld [tilespmem:s14+$0x30];
	v18 =	vadd.s32 v1, v4  }
0xaa: {  	v13 =	vmov s18;
	s15 =	sadd.s32 $0x1, s18;
	v19 =	vadd.s32 v1, v5;
	s14 =	sadd.s32 $0x80, s14;
	v4 =	vand.u32 $0x1FF, v16;
	v16 =	vld [tilespmem:s16+$0xFFFFFFD0];
	[tilespmem:v14+s20+$0x0] =	vst.idx.msk $0xffff, v12  }
0xab: {  	v5 =	vand.u32 $0x1FC, v13;
	v12 =	vmov s15;
	s15 =	sadd.s32 $0x2, s18;
	s18 =	smov.u32 s7;
	v20 =	vld [tilespmem:s14+$0x20];
	v21 =	vadd.s32 v0, v4;
	[tilespmem:v11+s20+$0x0] =	vst.idx.msk $0xffff, v7  }
.Ltmp6:
0xac: {  	v15 =	vadd.s32 v0, v5;
	v22 =	vand.u32 $0x1FD, v12;
	v7 =	vmov s15;
	v13 =	vld [tilespmem:s14+$0xFFFFFFC0];
	[tilespmem:v8+s20+$0x0] =	vst.idx.msk $0xffff, v6;
	(pc) =	sbr.rel @p1 .LBB2_11-.Ltmp6, $4  }
0xad: {  	v14 =	vadd.s32 v0, v22;
	v23 =	vand.u32 $0x1FE, v7;
	v12 =	vld [tilespmem:s14+$0xFFFFFFE0];
	[tilespmem:v10+s20+$0x0] =	vst.idx.msk $0xffff, v9  }
0xae: {  	v11 =	vadd.s32 v0, v23;
	v7 =	vld [tilespmem:s14+$0x0];
	[tilespmem:v18+s20+$0x0] =	vst.idx.msk $0xffff, v17  }
0xaf: {  	v8 =	vadd.s32 v1, v3;
	v3 =	vmov v22;
	[tilespmem:v19+s20+$0x0] =	vst.idx.msk $0xffff, v16;
	v6 =	vld [tilespmem:s16+$0xFFFFFFF0]  }
0xb0: {  	s7 =	sadd.s32 $0x4, s7;
	s15 =	sadd.s32 $0x3, s18;
	v10 =	vadd.s32 v1, v2;
	v2 =	vmov v23;
	[tilespmem:v21+s20+$0x0] =	vst.idx.msk $0xffff, v20;
	v9 =	vld [tilespmem:s16+$0x10];
	s16 =	smov.u32 s14  }
0xb1: {  	_ =	sdelay $0x3  }
0xb2: {  	v16 =	vmov s15;
	[tilespmem:v15+s20+$0x0] =	vst.idx.msk $0xffff, v13;
	v46 =	vld [tilespmem:s14+$0x30];
	v4 =	vadd.s32 v1, v4  }
0xb3: {  	v47 =	vmov s18;
	s7 =	sadd.s32 $0x1, s18;
	v5 =	vadd.s32 v1, v5;
	s15 =	sadd.s32 $0x80, s14;
	v16 =	vand.u32 $0x1FF, v16;
	v17 =	vld [tilespmem:s16+$0xFFFFFFD0];
	[tilespmem:v14+s20+$0x0] =	vst.idx.msk $0xffff, v12  }
0xb4: {  	s18 =	sadd.s32 $0x2, s18;
	v48 =	vand.u32 $0x1FC, v47;
	v49 =	vmov s7;
	v50 =	vld [tilespmem:s15+$0x20];
	v18 =	vadd.s32 v0, v16;
	[tilespmem:v11+s20+$0x0] =	vst.idx.msk $0xffff, v7  }
0xb5: {  	v51 =	vld [tilespmem:s15+$0xFFFFFFC0];
	v19 =	vmov s18;
	v52 =	vadd.s32 v0, v48;
	v14 =	vand.u32 $0x1FD, v49;
	[tilespmem:v8+s20+$0x0] =	vst.idx.msk $0xffff, v6  }
0xb6: {  	v53 =	vld [tilespmem:s15+$0xFFFFFFE0];
	v19 =	vand.u32 $0x1FE, v19;
	v54 =	vadd.s32 v0, v14;
	[tilespmem:v10+s20+$0x0] =	vst.idx.msk $0xffff, v9  }
0xb7: {  	v55 =	vld [tilespmem:s15+$0x0];
	v56 =	vadd.s32 v0, v19;
	[tilespmem:v4+s20+$0x0] =	vst.idx.msk $0xffff, v46  }
0xb8: {  	v3 =	vadd.s32 v1, v3;
	v57 =	vld [tilespmem:s16+$0xFFFFFFF0];
	[tilespmem:v5+s20+$0x0] =	vst.idx.msk $0xffff, v17  }
0xb9: {  	v2 =	vadd.s32 v1, v2;
	v58 =	vld [tilespmem:s16+$0x10];
	[tilespmem:v18+s20+$0x0] =	vst.idx.msk $0xffff, v50  }
0xba: {  	v60 =	vadd.s32 v1, v16;
	[tilespmem:v52+s20+$0x0] =	vst.idx.msk $0xffff, v51;
	v59 =	vld [tilespmem:s15+$0x30]  }
0xbb: {  	v12 =	vadd.s32 v1, v48;
	v61 =	vld [tilespmem:s15+$0xFFFFFFD0];
	[tilespmem:v54+s20+$0x0] =	vst.idx.msk $0xffff, v53  }
0xbc: {  	v62 =	vadd.s32 v1, v14;
	[tilespmem:v56+s20+$0x0] =	vst.idx.msk $0xffff, v55;
	v6 =	vld [tilespmem:s15+$0xFFFFFFF0]  }
0xbd: {  	v63 =	vadd.s32 v1, v19;
	[tilespmem:v3+s20+$0x0] =	vst.idx.msk $0xffff, v57;
	v3 =	vld [tilespmem:s15+$0x10]  }
0xbe: {  	s0 =	smul.u32 $0x186A00, s0;
	[tilespmem:v2+s20+$0x0] =	vst.idx.msk $0xffff, v58  }
0xbf: {  	[tilespmem:v60+s20+$0x0] =	vst.idx.msk $0xffff, v59  }
0xc0: {  	s0 =	sadd.s32 s31, s0;
	[tilespmem:v12+s20+$0x0] =	vst.idx.msk $0xffff, v61  }
0xc1: {  	s0 =	sshrl.u32 s0, $0x3;
	[tilespmem:v62+s20+$0x0] =	vst.idx.msk $0xffff, v6  }
0xc2: {  	s7 =	simm.s32 $0x720;
	s31 =	simm.s32 $0xE700;
	s0 =	sadd.s32 s6, s0;
	[tilespmem:v63+s20+$0x0] =	vst.idx.msk $0xffff, v3  }
0xc3: {  	[hbm4b:s0+s3] =	stream.linear.scatter [tilespmem:s31], [sflag:$0x5], $0x1C0, $0x38;
	[tilespmem:$0x1CB00] =	vst v63  }
.LBB2_13:
0xc4: {  	p1 =	sne.s32 s7, $0xDCE0  }
.Ltmp7:
0xc5: {  	_ = 	snop;
	(pc) =	sbr.rel @p1 .LBB2_13-.Ltmp7, $4  }
0xc6: {  	_ = 	snop  }
0xc7: {  	s14 =	sshra.s32 s7, $0x2;
	s7 =	sadd.s32 $0x720, s7  }
0xc8: {  	s0 =	sadd.s32 $0x186A, s0;
	s14 =	sadd.s32 $0xE700, s14  }
0xc9: {  	[hbm4b:s0+s3] =	stream.linear.scatter [tilespmem:s14], [sflag:$0x5], $0x1C0, $0x38;
	[tilespmem:$0x1CB00] =	vst v63  }
0xca: {  	_ =	swait.ge [sflag:s21], $0x3800;
	s0 =	simm.s32 $0x3  }
0xcb: {  	s7 =	simm.s32 $0x0;
	[sflag:s21] =	ssyncset.done $0x0;
	v2 =	vmov s0  }
0xcc: {  	s14 =	simm.s32 $0x3F70;
	v3 =	vmov s7;
	[sflag:s21] =	ssyncadd.s32 $0xFFFFC800;
	v2 =	vand.u32 $0x1FF, v2  }
0xcd: {  	v3 =	vand.u32 $0x1FC, v3;
	v4 =	vld [tilespmem:s14+$0xFFFFFFF0];
	v5 =	vadd.s32 v0, v2  }
0xce: {  	v6 =	vld [tilespmem:s14+$0xFFFFFF90];
	v7 =	vadd.s32 v0, v3  }
0xcf: {  	s15 =	simm.s32 $0x2  }
0xd0: {  	v9 =	vmov s15  }
0xd1: {  	s7 =	simm.s32 $0x1;
	v16 =	vand.u32 $0x1FE, v9  }
0xd2: {  	v8 =	vmov s7;
	v9 =	vld [tilespmem:s14+$0xFFFFFFD0];
	v12 =	vadd.s32 v0, v16;
	[tilespmem:v5+s22+$0x0] =	vst.idx.msk $0xffff, v4  }
0xd3: {  	s16 =	simm.s32 $0x7;
	v8 =	vand.u32 $0x1FD, v8;
	v14 =	vadd.s32 v1, v2;
	[tilespmem:v7+s22+$0x0] =	vst.idx.msk $0xffff, v6;
	v6 =	vld [tilespmem:s14+$0x0]  }
0xd4: {  	s18 =	simm.s32 $0x4;
	v10 =	vld [tilespmem:s14+$0xFFFFFFB0];
	v11 =	vadd.s32 v0, v8;
	v4 =	vmov s16  }
0xd5: {  	s31 =	simm.s32 $0x5;
	s0 =	simm.s32 $0x3FF0;
	v18 =	vadd.s32 v1, v3;
	v2 =	vmov s18;
	v4 =	vand.u32 $0x1FF, v4;
	v17 =	vld [tilespmem:s14+$0xFFFFFFA0]  }
0xd6: {  	s15 =	simm.s32 $0x6;
	v19 =	vld [tilespmem:s0+$0xFFFFFFF0];
	v5 =	vand.u32 $0x1FC, v2;
	v2 =	vmov s31;
	v20 =	vadd.s32 v0, v4  }
0xd7: {  	v13 =	vld [tilespmem:s0+$0xFFFFFF90];
	[tilespmem:v12+s22+$0x0] =	vst.idx.msk $0xffff, v9;
	v7 =	vmov s15;
	v15 =	vadd.s32 v0, v5;
	v3 =	vand.u32 $0x1FD, v2  }
0xd8: {  	v12 =	vld [tilespmem:s0+$0xFFFFFFB0];
	v2 =	vand.u32 $0x1FE, v7;
	[tilespmem:v14+s22+$0x0] =	vst.idx.msk $0xffff, v6;
	v14 =	vadd.s32 v0, v3  }
0xd9: {  	[tilespmem:v11+s22+$0x0] =	vst.idx.msk $0xffff, v10;
	v7 =	vld [tilespmem:s0+$0xFFFFFFD0];
	v11 =	vadd.s32 v0, v2  }
0xda: {  	s7 =	simm.s32 $0xC;
	s18 =	simm.s32 $0x540;
	v8 =	vadd.s32 v1, v8;
	[tilespmem:v18+s22+$0x0] =	vst.idx.msk $0xffff, v17;
	v6 =	vld [tilespmem:s14+$0xFFFFFFC0]  }
0xdb: {  	s16 =	simm.s32 $0x8;
	s15 =	simm.s32 $0xB;
	v9 =	vld [tilespmem:s14+$0xFFFFFFE0];
	v10 =	vadd.s32 v1, v16;
	s14 =	simm.s32 $0x3FF0;
	[tilespmem:v20+s22+$0x0] =	vst.idx.msk $0xffff, v19  }
.LBB2_15:
0xdc: {  	p1 =	slt.u32 s7, $0x1BC;
	v16 =	vmov s15;
	[tilespmem:v15+s22+$0x0] =	vst.idx.msk $0xffff, v13;
	v17 =	vld [tilespmem:s0+$0x0];
	v18 =	vadd.s32 v1, v4  }
0xdd: {  	v13 =	vmov s16;
	s15 =	sadd.s32 $0x1, s16;
	v19 =	vadd.s32 v1, v5;
	s0 =	sadd.s32 $0x80, s0;
	v4 =	vand.u32 $0x1FF, v16;
	v16 =	vld [tilespmem:s14+$0xFFFFFFA0];
	[tilespmem:v14+s22+$0x0] =	vst.idx.msk $0xffff, v12  }
0xde: {  	v5 =	vand.u32 $0x1FC, v13;
	v12 =	vmov s15;
	s15 =	sadd.s32 $0x2, s16;
	s16 =	smov.u32 s7;
	v20 =	vld [tilespmem:s0+$0xFFFFFFF0];
	v21 =	vadd.s32 v0, v4;
	[tilespmem:v11+s22+$0x0] =	vst.idx.msk $0xffff, v7  }
.Ltmp8:
0xdf: {  	v15 =	vadd.s32 v0, v5;
	v22 =	vand.u32 $0x1FD, v12;
	v7 =	vmov s15;
	v13 =	vld [tilespmem:s0+$0xFFFFFF90];
	[tilespmem:v8+s22+$0x0] =	vst.idx.msk $0xffff, v6;
	(pc) =	sbr.rel @p1 .LBB2_15-.Ltmp8, $4  }
0xe0: {  	v14 =	vadd.s32 v0, v22;
	v23 =	vand.u32 $0x1FE, v7;
	v12 =	vld [tilespmem:s0+$0xFFFFFFB0];
	[tilespmem:v10+s22+$0x0] =	vst.idx.msk $0xffff, v9  }
0xe1: {  	v11 =	vadd.s32 v0, v23;
	v7 =	vld [tilespmem:s0+$0xFFFFFFD0];
	[tilespmem:v18+s22+$0x0] =	vst.idx.msk $0xffff, v17  }
0xe2: {  	v8 =	vadd.s32 v1, v3;
	v3 =	vmov v22;
	[tilespmem:v19+s22+$0x0] =	vst.idx.msk $0xffff, v16;
	v6 =	vld [tilespmem:s14+$0xFFFFFFC0]  }
0xe3: {  	s7 =	sadd.s32 $0x4, s7;
	s15 =	sadd.s32 $0x3, s16;
	v10 =	vadd.s32 v1, v2;
	v2 =	vmov v23;
	[tilespmem:v21+s22+$0x0] =	vst.idx.msk $0xffff, v20;
	v9 =	vld [tilespmem:s14+$0xFFFFFFE0];
	s14 =	smov.u32 s0  }
0xe4: {  	_ =	sdelay $0x3  }
0xe5: {  	v16 =	vmov s15;
	[tilespmem:v15+s22+$0x0] =	vst.idx.msk $0xffff, v13;
	v46 =	vld [tilespmem:s0+$0x0];
	v4 =	vadd.s32 v1, v4  }
0xe6: {  	v47 =	vmov s16;
	s7 =	sadd.s32 $0x1, s16;
	v5 =	vadd.s32 v1, v5;
	s15 =	sadd.s32 $0x80, s0;
	v16 =	vand.u32 $0x1FF, v16;
	v17 =	vld [tilespmem:s14+$0xFFFFFFA0];
	[tilespmem:v14+s22+$0x0] =	vst.idx.msk $0xffff, v12  }
0xe7: {  	s16 =	sadd.s32 $0x2, s16;
	v48 =	vand.u32 $0x1FC, v47;
	v49 =	vmov s7;
	v50 =	vld [tilespmem:s15+$0xFFFFFFF0];
	v18 =	vadd.s32 v0, v16;
	[tilespmem:v11+s22+$0x0] =	vst.idx.msk $0xffff, v7  }
0xe8: {  	v51 =	vld [tilespmem:s15+$0xFFFFFF90];
	v19 =	vmov s16;
	v52 =	vadd.s32 v0, v48;
	v14 =	vand.u32 $0x1FD, v49;
	[tilespmem:v8+s22+$0x0] =	vst.idx.msk $0xffff, v6  }
0xe9: {  	v53 =	vld [tilespmem:s15+$0xFFFFFFB0];
	v19 =	vand.u32 $0x1FE, v19;
	v54 =	vadd.s32 v0, v14;
	[tilespmem:v10+s22+$0x0] =	vst.idx.msk $0xffff, v9  }
0xea: {  	v55 =	vld [tilespmem:s15+$0xFFFFFFD0];
	v56 =	vadd.s32 v0, v19;
	[tilespmem:v4+s22+$0x0] =	vst.idx.msk $0xffff, v46  }
0xeb: {  	v3 =	vadd.s32 v1, v3;
	v57 =	vld [tilespmem:s14+$0xFFFFFFC0];
	[tilespmem:v5+s22+$0x0] =	vst.idx.msk $0xffff, v17  }
0xec: {  	v2 =	vadd.s32 v1, v2;
	v58 =	vld [tilespmem:s14+$0xFFFFFFE0];
	[tilespmem:v18+s22+$0x0] =	vst.idx.msk $0xffff, v50  }
0xed: {  	v60 =	vadd.s32 v1, v16;
	[tilespmem:v52+s22+$0x0] =	vst.idx.msk $0xffff, v51;
	v59 =	vld [tilespmem:s15+$0x0]  }
0xee: {  	v12 =	vadd.s32 v1, v48;
	v61 =	vld [tilespmem:s15+$0xFFFFFFA0];
	[tilespmem:v54+s22+$0x0] =	vst.idx.msk $0xffff, v53  }
0xef: {  	v62 =	vadd.s32 v1, v14;
	[tilespmem:v56+s22+$0x0] =	vst.idx.msk $0xffff, v55;
	v6 =	vld [tilespmem:s15+$0xFFFFFFC0]  }
0xf0: {  	v63 =	vadd.s32 v1, v19;
	[tilespmem:v3+s22+$0x0] =	vst.idx.msk $0xffff, v57;
	v3 =	vld [tilespmem:s15+$0xFFFFFFE0]  }
0xf1: {  	s30 =	smul.u32 $0x186A00, s30;
	[tilespmem:v2+s22+$0x0] =	vst.idx.msk $0xffff, v58  }
0xf2: {  	[tilespmem:v60+s22+$0x0] =	vst.idx.msk $0xffff, v59  }
0xf3: {  	s0 =	sadd.s32 s29, s30;
	[tilespmem:v12+s22+$0x0] =	vst.idx.msk $0xffff, v61  }
0xf4: {  	s0 =	sshrl.u32 s0, $0x3;
	[tilespmem:v62+s22+$0x0] =	vst.idx.msk $0xffff, v6  }
0xf5: {  	s31 =	simm.s32 $0x12000;
	s7 =	simm.s32 $0x720;
	s0 =	sadd.s32 s6, s0;
	[tilespmem:v63+s22+$0x0] =	vst.idx.msk $0xffff, v3  }
0xf6: {  	[hbm4b:s0+s3] =	stream.linear.scatter [tilespmem:s31], [sflag:$0x6], $0x1C0, $0x38;
	[tilespmem:$0x1CB00] =	vst v63  }
.LBB2_17:
0xf7: {  	p1 =	sne.s32 s7, $0xDCE0  }
.Ltmp9:
0xf8: {  	_ = 	snop;
	(pc) =	sbr.rel @p1 .LBB2_17-.Ltmp9, $4  }
0xf9: {  	_ = 	snop  }
0xfa: {  	s14 =	sshra.s32 s7, $0x2;
	s7 =	sadd.s32 $0x720, s7  }
0xfb: {  	s0 =	sadd.s32 $0x186A, s0;
	s14 =	sadd.s32 $0x12000, s14  }
0xfc: {  	[hbm4b:s0+s3] =	stream.linear.scatter [tilespmem:s14], [sflag:$0x6], $0x1C0, $0x38;
	[tilespmem:$0x1CB00] =	vst v63  }
0xfd: {  	_ =	swait.ge [sflag:s23], $0x3800;
	s0 =	simm.s32 $0x3  }
0xfe: {  	s7 =	simm.s32 $0x0;
	[sflag:s23] =	ssyncset.done $0x0;
	v2 =	vmov s0  }
0xff: {  	s14 =	simm.s32 $0x7770;
	v3 =	vmov s7;
	[sflag:s23] =	ssyncadd.s32 $0xFFFFC800;
	v2 =	vand.u32 $0x1FF, v2  }
0x100: {  	v3 =	vand.u32 $0x1FC, v3;
	v4 =	vld [tilespmem:s14+$0xFFFFFFF0];
	v5 =	vadd.s32 v0, v2  }
0x101: {  	v6 =	vld [tilespmem:s14+$0xFFFFFF90];
	v7 =	vadd.s32 v0, v3  }
0x102: {  	s16 =	simm.s32 $0x2  }
0x103: {  	v9 =	vmov s16  }
0x104: {  	s15 =	simm.s32 $0x1;
	v16 =	vand.u32 $0x1FE, v9  }
0x105: {  	v8 =	vmov s15;
	v9 =	vld [tilespmem:s14+$0xFFFFFFD0];
	v12 =	vadd.s32 v0, v16;
	[tilespmem:v5+s24+$0x0] =	vst.idx.msk $0xffff, v4  }
0x106: {  	s29 =	simm.s32 $0x7;
	v8 =	vand.u32 $0x1FD, v8;
	v14 =	vadd.s32 v1, v2;
	[tilespmem:v7+s24+$0x0] =	vst.idx.msk $0xffff, v6;
	v6 =	vld [tilespmem:s14+$0x0]  }
0x107: {  	s30 =	simm.s32 $0x4;
	v10 =	vld [tilespmem:s14+$0xFFFFFFB0];
	v11 =	vadd.s32 v0, v8;
	v4 =	vmov s29  }
0x108: {  	s31 =	simm.s32 $0x5;
	s0 =	simm.s32 $0x77F0;
	v18 =	vadd.s32 v1, v3;
	v2 =	vmov s30;
	v4 =	vand.u32 $0x1FF, v4;
	v17 =	vld [tilespmem:s14+$0xFFFFFFA0]  }
0x109: {  	s15 =	simm.s32 $0x6;
	v19 =	vld [tilespmem:s0+$0xFFFFFFF0];
	v5 =	vand.u32 $0x1FC, v2;
	v2 =	vmov s31;
	v20 =	vadd.s32 v0, v4  }
0x10a: {  	v13 =	vld [tilespmem:s0+$0xFFFFFF90];
	[tilespmem:v12+s24+$0x0] =	vst.idx.msk $0xffff, v9;
	v7 =	vmov s15;
	v15 =	vadd.s32 v0, v5;
	v3 =	vand.u32 $0x1FD, v2  }
0x10b: {  	v12 =	vld [tilespmem:s0+$0xFFFFFFB0];
	v2 =	vand.u32 $0x1FE, v7;
	[tilespmem:v14+s24+$0x0] =	vst.idx.msk $0xffff, v6;
	v14 =	vadd.s32 v0, v3  }
0x10c: {  	[tilespmem:v11+s24+$0x0] =	vst.idx.msk $0xffff, v10;
	v7 =	vld [tilespmem:s0+$0xFFFFFFD0];
	v11 =	vadd.s32 v0, v2  }
0x10d: {  	s16 =	simm.s32 $0x8;
	v8 =	vadd.s32 v1, v8;
	[tilespmem:v18+s24+$0x0] =	vst.idx.msk $0xffff, v17;
	v6 =	vld [tilespmem:s14+$0xFFFFFFC0]  }
0x10e: {  	s7 =	simm.s32 $0xC;
	s15 =	simm.s32 $0xB;
	v10 =	vadd.s32 v1, v16;
	v9 =	vld [tilespmem:s14+$0xFFFFFFE0];
	s14 =	simm.s32 $0x77F0;
	[tilespmem:v20+s24+$0x0] =	vst.idx.msk $0xffff, v19  }
.LBB2_19:
0x10f: {  	p1 =	slt.u32 s7, $0x1BC;
	v16 =	vmov s15;
	[tilespmem:v15+s24+$0x0] =	vst.idx.msk $0xffff, v13;
	v17 =	vld [tilespmem:s0+$0x0];
	v18 =	vadd.s32 v1, v4  }
0x110: {  	v13 =	vmov s16;
	s15 =	sadd.s32 $0x1, s16;
	v19 =	vadd.s32 v1, v5;
	s0 =	sadd.s32 $0x80, s0;
	v4 =	vand.u32 $0x1FF, v16;
	v16 =	vld [tilespmem:s14+$0xFFFFFFA0];
	[tilespmem:v14+s24+$0x0] =	vst.idx.msk $0xffff, v12  }
0x111: {  	v5 =	vand.u32 $0x1FC, v13;
	v12 =	vmov s15;
	s15 =	sadd.s32 $0x2, s16;
	s16 =	smov.u32 s7;
	v20 =	vld [tilespmem:s0+$0xFFFFFFF0];
	v21 =	vadd.s32 v0, v4;
	[tilespmem:v11+s24+$0x0] =	vst.idx.msk $0xffff, v7  }
.Ltmp10:
0x112: {  	v15 =	vadd.s32 v0, v5;
	v22 =	vand.u32 $0x1FD, v12;
	v7 =	vmov s15;
	v13 =	vld [tilespmem:s0+$0xFFFFFF90];
	[tilespmem:v8+s24+$0x0] =	vst.idx.msk $0xffff, v6;
	(pc) =	sbr.rel @p1 .LBB2_19-.Ltmp10, $4  }
0x113: {  	v14 =	vadd.s32 v0, v22;
	v23 =	vand.u32 $0x1FE, v7;
	v12 =	vld [tilespmem:s0+$0xFFFFFFB0];
	[tilespmem:v10+s24+$0x0] =	vst.idx.msk $0xffff, v9  }
0x114: {  	v11 =	vadd.s32 v0, v23;
	v7 =	vld [tilespmem:s0+$0xFFFFFFD0];
	[tilespmem:v18+s24+$0x0] =	vst.idx.msk $0xffff, v17  }
0x115: {  	v8 =	vadd.s32 v1, v3;
	v3 =	vmov v22;
	[tilespmem:v19+s24+$0x0] =	vst.idx.msk $0xffff, v16;
	v6 =	vld [tilespmem:s14+$0xFFFFFFC0]  }
0x116: {  	s7 =	sadd.s32 $0x4, s7;
	s15 =	sadd.s32 $0x3, s16;
	v10 =	vadd.s32 v1, v2;
	v2 =	vmov v23;
	[tilespmem:v21+s24+$0x0] =	vst.idx.msk $0xffff, v20;
	v9 =	vld [tilespmem:s14+$0xFFFFFFE0];
	s14 =	smov.u32 s0  }
0x117: {  	_ =	sdelay $0x3  }
0x118: {  	v16 =	vmov s15;
	[tilespmem:v15+s24+$0x0] =	vst.idx.msk $0xffff, v13;
	v46 =	vld [tilespmem:s0+$0x0];
	v4 =	vadd.s32 v1, v4  }
0x119: {  	v47 =	vmov s16;
	s7 =	sadd.s32 $0x1, s16;
	v5 =	vadd.s32 v1, v5;
	s15 =	sadd.s32 $0x80, s0;
	v16 =	vand.u32 $0x1FF, v16;
	v17 =	vld [tilespmem:s14+$0xFFFFFFA0];
	[tilespmem:v14+s24+$0x0] =	vst.idx.msk $0xffff, v12  }
0x11a: {  	s29 =	sadd.s32 $0x2, s16;
	v48 =	vand.u32 $0x1FC, v47;
	v49 =	vmov s7;
	v50 =	vld [tilespmem:s15+$0xFFFFFFF0];
	v18 =	vadd.s32 v0, v16;
	[tilespmem:v11+s24+$0x0] =	vst.idx.msk $0xffff, v7  }
0x11b: {  	v51 =	vld [tilespmem:s15+$0xFFFFFF90];
	v19 =	vmov s29;
	v52 =	vadd.s32 v0, v48;
	v14 =	vand.u32 $0x1FD, v49;
	[tilespmem:v8+s24+$0x0] =	vst.idx.msk $0xffff, v6  }
0x11c: {  	v53 =	vld [tilespmem:s15+$0xFFFFFFB0];
	v19 =	vand.u32 $0x1FE, v19;
	v54 =	vadd.s32 v0, v14;
	[tilespmem:v10+s24+$0x0] =	vst.idx.msk $0xffff, v9  }
0x11d: {  	v55 =	vld [tilespmem:s15+$0xFFFFFFD0];
	v56 =	vadd.s32 v0, v19;
	[tilespmem:v4+s24+$0x0] =	vst.idx.msk $0xffff, v46  }
0x11e: {  	v3 =	vadd.s32 v1, v3;
	v57 =	vld [tilespmem:s14+$0xFFFFFFC0];
	[tilespmem:v5+s24+$0x0] =	vst.idx.msk $0xffff, v17  }
0x11f: {  	v2 =	vadd.s32 v1, v2;
	v58 =	vld [tilespmem:s14+$0xFFFFFFE0];
	[tilespmem:v18+s24+$0x0] =	vst.idx.msk $0xffff, v50  }
0x120: {  	v60 =	vadd.s32 v1, v16;
	[tilespmem:v52+s24+$0x0] =	vst.idx.msk $0xffff, v51;
	v59 =	vld [tilespmem:s15+$0x0]  }
0x121: {  	v12 =	vadd.s32 v1, v48;
	v61 =	vld [tilespmem:s15+$0xFFFFFFA0];
	[tilespmem:v54+s24+$0x0] =	vst.idx.msk $0xffff, v53  }
0x122: {  	v62 =	vadd.s32 v1, v14;
	[tilespmem:v56+s24+$0x0] =	vst.idx.msk $0xffff, v55;
	v6 =	vld [tilespmem:s15+$0xFFFFFFC0]  }
0x123: {  	v63 =	vadd.s32 v1, v19;
	[tilespmem:v3+s24+$0x0] =	vst.idx.msk $0xffff, v57;
	v3 =	vld [tilespmem:s15+$0xFFFFFFE0]  }
0x124: {  	s30 =	smul.u32 $0x186A00, s28;
	[tilespmem:v2+s24+$0x0] =	vst.idx.msk $0xffff, v58  }
0x125: {  	[tilespmem:v60+s24+$0x0] =	vst.idx.msk $0xffff, v59  }
0x126: {  	s0 =	sadd.s32 s9, s30;
	[tilespmem:v12+s24+$0x0] =	vst.idx.msk $0xffff, v61  }
0x127: {  	s0 =	sshrl.u32 s0, $0x3;
	[tilespmem:v62+s24+$0x0] =	vst.idx.msk $0xffff, v6  }
0x128: {  	s31 =	simm.s32 $0x15900;
	s7 =	simm.s32 $0x720;
	s0 =	sadd.s32 s6, s0;
	[tilespmem:v63+s24+$0x0] =	vst.idx.msk $0xffff, v3  }
0x129: {  	[hbm4b:s0+s3] =	stream.linear.scatter [tilespmem:s31], [sflag:$0x7], $0x1C0, $0x38;
	[tilespmem:$0x1CB00] =	vst v63  }
.LBB2_21:
0x12a: {  	p1 =	sne.s32 s7, $0xDCE0  }
.Ltmp11:
0x12b: {  	_ = 	snop;
	(pc) =	sbr.rel @p1 .LBB2_21-.Ltmp11, $4  }
0x12c: {  	_ = 	snop  }
0x12d: {  	s9 =	sshra.s32 s7, $0x2;
	s7 =	sadd.s32 $0x720, s7  }
0x12e: {  	s0 =	sadd.s32 $0x186A, s0;
	s9 =	sadd.s32 $0x15900, s9  }
0x12f: {  	[hbm4b:s0+s3] =	stream.linear.scatter [tilespmem:s9], [sflag:$0x7], $0x1C0, $0x38;
	[tilespmem:$0x1CB00] =	vst v63  }
0x130: {  	_ =	swait.ge [sflag:s25], $0x3800;
	s0 =	simm.s32 $0x3  }
0x131: {  	s7 =	simm.s32 $0x0;
	[sflag:s25] =	ssyncset.done $0x0;
	v2 =	vmov s0  }
0x132: {  	s9 =	simm.s32 $0xAF70;
	v3 =	vmov s7;
	[sflag:s25] =	ssyncadd.s32 $0xFFFFC800;
	v2 =	vand.u32 $0x1FF, v2  }
0x133: {  	v3 =	vand.u32 $0x1FC, v3;
	v4 =	vld [tilespmem:s9+$0xFFFFFFF0];
	v5 =	vadd.s32 v0, v2  }
0x134: {  	v6 =	vld [tilespmem:s9+$0xFFFFFF90];
	v7 =	vadd.s32 v0, v3  }
0x135: {  	s28 =	simm.s32 $0x2  }
0x136: {  	v9 =	vmov s28  }
0x137: {  	s16 =	simm.s32 $0x1;
	v16 =	vand.u32 $0x1FE, v9  }
0x138: {  	v8 =	vmov s16;
	v9 =	vld [tilespmem:s9+$0xFFFFFFD0];
	v12 =	vadd.s32 v0, v16;
	[tilespmem:v5+s26+$0x0] =	vst.idx.msk $0xffff, v4  }
0x139: {  	s29 =	simm.s32 $0x7;
	v8 =	vand.u32 $0x1FD, v8;
	v14 =	vadd.s32 v1, v2;
	[tilespmem:v7+s26+$0x0] =	vst.idx.msk $0xffff, v6;
	v6 =	vld [tilespmem:s9+$0x0]  }
0x13a: {  	s30 =	simm.s32 $0x4;
	v10 =	vld [tilespmem:s9+$0xFFFFFFB0];
	v11 =	vadd.s32 v0, v8;
	v4 =	vmov s29  }
0x13b: {  	s31 =	simm.s32 $0x5;
	s0 =	simm.s32 $0xAFF0;
	v18 =	vadd.s32 v1, v3;
	v2 =	vmov s30;
	v4 =	vand.u32 $0x1FF, v4;
	v17 =	vld [tilespmem:s9+$0xFFFFFFA0]  }
0x13c: {  	s14 =	simm.s32 $0x6;
	v19 =	vld [tilespmem:s0+$0xFFFFFFF0];
	v5 =	vand.u32 $0x1FC, v2;
	v2 =	vmov s31;
	v20 =	vadd.s32 v0, v4  }
0x13d: {  	v13 =	vld [tilespmem:s0+$0xFFFFFF90];
	[tilespmem:v12+s26+$0x0] =	vst.idx.msk $0xffff, v9;
	v7 =	vmov s14;
	v15 =	vadd.s32 v0, v5;
	v3 =	vand.u32 $0x1FD, v2  }
0x13e: {  	v12 =	vld [tilespmem:s0+$0xFFFFFFB0];
	v2 =	vand.u32 $0x1FE, v7;
	[tilespmem:v14+s26+$0x0] =	vst.idx.msk $0xffff, v6;
	v14 =	vadd.s32 v0, v3  }
0x13f: {  	[tilespmem:v11+s26+$0x0] =	vst.idx.msk $0xffff, v10;
	v7 =	vld [tilespmem:s0+$0xFFFFFFD0];
	v11 =	vadd.s32 v0, v2  }
0x140: {  	s15 =	simm.s32 $0xB;
	s7 =	simm.s32 $0xC;
	v8 =	vadd.s32 v1, v8;
	[tilespmem:v18+s26+$0x0] =	vst.idx.msk $0xffff, v17;
	v6 =	vld [tilespmem:s9+$0xFFFFFFC0]  }
0x141: {  	s16 =	simm.s32 $0x380;
	s14 =	simm.s32 $0x8;
	v10 =	vadd.s32 v1, v16;
	v9 =	vld [tilespmem:s9+$0xFFFFFFE0];
	s9 =	simm.s32 $0xAFF0;
	[tilespmem:v20+s26+$0x0] =	vst.idx.msk $0xffff, v19  }
.LBB2_23:
0x142: {  	p1 =	slt.u32 s7, $0x1BC;
	v16 =	vmov s15;
	[tilespmem:v15+s26+$0x0] =	vst.idx.msk $0xffff, v13;
	v17 =	vld [tilespmem:s0+$0x0];
	v18 =	vadd.s32 v1, v4  }
0x143: {  	v13 =	vmov s14;
	s15 =	sadd.s32 $0x1, s14;
	v19 =	vadd.s32 v1, v5;
	s0 =	sadd.s32 $0x80, s0;
	v4 =	vand.u32 $0x1FF, v16;
	v16 =	vld [tilespmem:s9+$0xFFFFFFA0];
	[tilespmem:v14+s26+$0x0] =	vst.idx.msk $0xffff, v12  }
0x144: {  	v5 =	vand.u32 $0x1FC, v13;
	v12 =	vmov s15;
	s15 =	sadd.s32 $0x2, s14;
	s14 =	smov.u32 s7;
	v20 =	vld [tilespmem:s0+$0xFFFFFFF0];
	v21 =	vadd.s32 v0, v4;
	[tilespmem:v11+s26+$0x0] =	vst.idx.msk $0xffff, v7  }
.Ltmp12:
0x145: {  	v15 =	vadd.s32 v0, v5;
	v22 =	vand.u32 $0x1FD, v12;
	v7 =	vmov s15;
	v13 =	vld [tilespmem:s0+$0xFFFFFF90];
	[tilespmem:v8+s26+$0x0] =	vst.idx.msk $0xffff, v6;
	(pc) =	sbr.rel @p1 .LBB2_23-.Ltmp12, $4  }
0x146: {  	v14 =	vadd.s32 v0, v22;
	v23 =	vand.u32 $0x1FE, v7;
	v12 =	vld [tilespmem:s0+$0xFFFFFFB0];
	[tilespmem:v10+s26+$0x0] =	vst.idx.msk $0xffff, v9  }
0x147: {  	v11 =	vadd.s32 v0, v23;
	v7 =	vld [tilespmem:s0+$0xFFFFFFD0];
	[tilespmem:v18+s26+$0x0] =	vst.idx.msk $0xffff, v17  }
0x148: {  	v8 =	vadd.s32 v1, v3;
	v3 =	vmov v22;
	[tilespmem:v19+s26+$0x0] =	vst.idx.msk $0xffff, v16;
	v6 =	vld [tilespmem:s9+$0xFFFFFFC0]  }
0x149: {  	s7 =	sadd.s32 $0x4, s7;
	s15 =	sadd.s32 $0x3, s14;
	v10 =	vadd.s32 v1, v2;
	v2 =	vmov v23;
	[tilespmem:v21+s26+$0x0] =	vst.idx.msk $0xffff, v20;
	v9 =	vld [tilespmem:s9+$0xFFFFFFE0];
	s9 =	smov.u32 s0  }
0x14a: {  	_ =	sdelay $0x3  }
0x14b: {  	v16 =	vmov s15;
	[tilespmem:v15+s26+$0x0] =	vst.idx.msk $0xffff, v13;
	v46 =	vld [tilespmem:s0+$0x0];
	v4 =	vadd.s32 v1, v4  }
0x14c: {  	v47 =	vmov s14;
	s7 =	sadd.s32 $0x1, s14;
	v5 =	vadd.s32 v1, v5;
	s28 =	sadd.s32 $0x80, s0;
	v16 =	vand.u32 $0x1FF, v16;
	v17 =	vld [tilespmem:s9+$0xFFFFFFA0];
	[tilespmem:v14+s26+$0x0] =	vst.idx.msk $0xffff, v12  }
0x14d: {  	s29 =	sadd.s32 $0x2, s14;
	v48 =	vand.u32 $0x1FC, v47;
	v49 =	vmov s7;
	v50 =	vld [tilespmem:s28+$0xFFFFFFF0];
	v18 =	vadd.s32 v0, v16;
	[tilespmem:v11+s26+$0x0] =	vst.idx.msk $0xffff, v7  }
0x14e: {  	v51 =	vld [tilespmem:s28+$0xFFFFFF90];
	v19 =	vmov s29;
	v52 =	vadd.s32 v0, v48;
	v14 =	vand.u32 $0x1FD, v49;
	[tilespmem:v8+s26+$0x0] =	vst.idx.msk $0xffff, v6  }
0x14f: {  	v53 =	vld [tilespmem:s28+$0xFFFFFFB0];
	v19 =	vand.u32 $0x1FE, v19;
	v54 =	vadd.s32 v0, v14;
	[tilespmem:v10+s26+$0x0] =	vst.idx.msk $0xffff, v9  }
0x150: {  	v55 =	vld [tilespmem:s28+$0xFFFFFFD0];
	v56 =	vadd.s32 v0, v19;
	[tilespmem:v4+s26+$0x0] =	vst.idx.msk $0xffff, v46  }
0x151: {  	v3 =	vadd.s32 v1, v3;
	v57 =	vld [tilespmem:s9+$0xFFFFFFC0];
	[tilespmem:v5+s26+$0x0] =	vst.idx.msk $0xffff, v17  }
0x152: {  	v2 =	vadd.s32 v1, v2;
	v58 =	vld [tilespmem:s9+$0xFFFFFFE0];
	[tilespmem:v18+s26+$0x0] =	vst.idx.msk $0xffff, v50  }
0x153: {  	v60 =	vadd.s32 v1, v16;
	[tilespmem:v52+s26+$0x0] =	vst.idx.msk $0xffff, v51;
	v59 =	vld [tilespmem:s28+$0x0]  }
0x154: {  	v12 =	vadd.s32 v1, v48;
	v61 =	vld [tilespmem:s28+$0xFFFFFFA0];
	[tilespmem:v54+s26+$0x0] =	vst.idx.msk $0xffff, v53  }
0x155: {  	v62 =	vadd.s32 v1, v14;
	[tilespmem:v56+s26+$0x0] =	vst.idx.msk $0xffff, v55;
	v6 =	vld [tilespmem:s28+$0xFFFFFFC0]  }
0x156: {  	v63 =	vadd.s32 v1, v19;
	[tilespmem:v3+s26+$0x0] =	vst.idx.msk $0xffff, v57;
	v3 =	vld [tilespmem:s28+$0xFFFFFFE0]  }
0x157: {  	s30 =	smul.u32 $0x186A00, s10;
	[tilespmem:v2+s26+$0x0] =	vst.idx.msk $0xffff, v58  }
0x158: {  	[tilespmem:v60+s26+$0x0] =	vst.idx.msk $0xffff, v59  }
0x159: {  	s0 =	sadd.s32 s8, s30;
	[tilespmem:v12+s26+$0x0] =	vst.idx.msk $0xffff, v61  }
0x15a: {  	s0 =	sshrl.u32 s0, $0x3;
	[tilespmem:v62+s26+$0x0] =	vst.idx.msk $0xffff, v6  }
0x15b: {  	s31 =	simm.s32 $0x19200;
	s7 =	simm.s32 $0x720;
	s0 =	sadd.s32 s6, s0;
	[tilespmem:v63+s26+$0x0] =	vst.idx.msk $0xffff, v3  }
0x15c: {  	[hbm4b:s0+s3] =	stream.linear.scatter [tilespmem:s31], [sflag:$0x8], $0x1C0, $0x38;
	[tilespmem:$0x1CB00] =	vst v63  }
.LBB2_25:
0x15d: {  	p1 =	sne.s32 s7, $0xDCE0  }
.Ltmp13:
0x15e: {  	_ = 	snop;
	(pc) =	sbr.rel @p1 .LBB2_25-.Ltmp13, $4  }
0x15f: {  	_ = 	snop  }
0x160: {  	s8 =	sshra.s32 s7, $0x2;
	s7 =	sadd.s32 $0x720, s7  }
0x161: {  	s0 =	sadd.s32 $0x186A, s0;
	s8 =	sadd.s32 $0x19200, s8  }
0x162: {  	[hbm4b:s0+s3] =	stream.linear.scatter [tilespmem:s8], [sflag:$0x8], $0x1C0, $0x38;
	[tilespmem:$0x1CB00] =	vst v63  }
0x163: {  	s1 =	sadd.s32 $0x1, s1  }
0x164: {  	p1 =	sne.s32 s1, $0x17  }
.Ltmp14:
0x165: {  	_ = 	snop;
	(pc) =	sbr.rel @p1 .LBB2_2-.Ltmp14, $1  }
0x166: {  	_ =	sdelay $0x3  }
0x167: {  	s0 =	simm.s32 $0x5  }
0x168: {  	_ =	swait.ge [sflag:s0], $0x3800  }
0x169: {  	[sflag:s0] =	ssyncset.done $0x0  }
0x16a: {  	s29 =	simm.s32 $0x6;
	[sflag:s0] =	ssyncadd.s32 $0xFFFFC800  }
0x16b: {  	_ =	swait.ge [sflag:s29], $0x3800  }
0x16c: {  	[sflag:s29] =	ssyncset.done $0x0  }
0x16d: {  	s30 =	simm.s32 $0x7;
	[sflag:s29] =	ssyncadd.s32 $0xFFFFC800  }
0x16e: {  	_ =	swait.ge [sflag:s30], $0x3800  }
0x16f: {  	[sflag:s30] =	ssyncset.done $0x0  }
0x170: {  	s31 =	simm.s32 $0x8;
	[sflag:s30] =	ssyncadd.s32 $0xFFFFC800  }
0x171: {  	_ =	swait.ge [sflag:s31], $0x3800  }
0x172: {  	[sflag:s31] =	ssyncset.done $0x0  }
0x173: {  	s0 =	simm.s32 $0x5C;
	[sflag:s31] =	ssyncadd.s32 $0xFFFFC800  }
.LBB2_28:
0x174: {  	s1 =	sshll.u32 s0, $0x5  }
0x175: {  	s1 =	sor.u32 s4, s1  }
0x176: {  	s7 =	smulhi.u32 $0x4BDA12F7, s1;
	_ =	sdelay $0x1  }
0x177: {  	s7 =	sshrl.u32 s7, $0x3  }
0x178: {  	s8 =	smul.u32 $0x1B, s7;
	_ =	sdelay $0x1  }
0x179: {  	s8 =	ssub.s32 s1, s8;
	s1 =	smul.u32 $0x1C0, s7  }
0x17a: {  	s31 =	smul.u32 $0xC350, s8;
	_ =	sdelay $0x1  }
0x17b: {  	s7 =	sadd.s32 s1, s31  }
0x17c: {  	s7 =	sshrl.u32 s7, $0x3  }
0x17d: {  	s7 =	sadd.s32 s5, s7  }
0x17e: {  	[tilespmem:s3], [sflag:$0x9] =	stream.linear.gather [hbm4b:s7+s3], $0x1C0, $0x38;
	[tilespmem:$0x1CB00] =	vst v63  }
0x17f: {  	_ =	swait.ge [sflag:s11], $0x1C0  }
0x180: {  	[sflag:s11] =	ssyncset.done $0x0  }
0x181: {  	s9 =	simm.s32 $0x20;
	[sflag:s11] =	ssyncadd.s32 $0xFFFFFE40  }
0x182: {  	v2 =	vld [tilespmem:s9+$0xFFFFFFE0]  }
0x183: {  	v4 =	vld [tilespmem:s9+$0x0]  }
0x184: {  	v3 =	vld [tilespmem:s9+$0x10]  }
0x185: {  	v5 =	vld [tilespmem:s9+$0xFFFFFFF0];
	_ =	sdelay $0x1  }
0x186: {  	s7 =	simm.s32 $0x60;
	v6 =	vadd.s32 $0x1, v2  }
0x187: {  	v2 =	vld [tilespmem:s7+$0xFFFFFFE0];
	v7 =	vadd.s32 $0x1, v4;
	[tilespmem:s9+$0xFFFFFFE0] =	vst v6  }
0x188: {  	v4 =	vld [tilespmem:s7+$0x0];
	v6 =	vadd.s32 $0x1, v3;
	[tilespmem:s9+$0x0] =	vst v7  }
0x189: {  	s10 =	simm.s32 $0x4;
	v5 =	vadd.s32 $0x1, v5;
	v3 =	vld [tilespmem:s7+$0x10];
	[tilespmem:s9+$0x10] =	vst v6  }
.LBB2_29:
0x18a: {  	s10 =	sadd.s32 $0x4, s10  }
0x18b: {  	v6 =	vld [tilespmem:s7+$0xFFFFFFF0];
	[tilespmem:s9+$0xFFFFFFF0] =	vst v5;
	s9 =	smov.u32 s7;
	p1 =	slt.u32 s10, $0x18  }
.Ltmp15:
0x18c: {  	(pc) =	sbr.rel @p1 .LBB2_29-.Ltmp15, $4  }
0x18d: {  	s7 =	sadd.s32 $0x40, s7;
	v5 =	vadd.s32 $0x1, v2  }
0x18e: {  	v2 =	vld [tilespmem:s7+$0xFFFFFFE0];
	[tilespmem:s9+$0xFFFFFFE0] =	vst v5;
	v5 =	vadd.s32 $0x1, v3  }
0x18f: {  	v3 =	vld [tilespmem:s7+$0x10];
	v7 =	vadd.s32 $0x1, v4;
	[tilespmem:s9+$0x10] =	vst v5  }
0x190: {  	v4 =	vld [tilespmem:s7+$0x0];
	v5 =	vadd.s32 $0x1, v6;
	[tilespmem:s9+$0x0] =	vst v7  }
0x191: {  	v6 =	vld [tilespmem:s7+$0xFFFFFFF0];
	_ =	sdelay $0x1  }
0x192: {  	[tilespmem:s9+$0xFFFFFFF0] =	vst v5;
	v2 =	vadd.s32 $0x1, v2  }
0x193: {  	[tilespmem:s7+$0xFFFFFFE0] =	vst v2;
	v2 =	vadd.s32 $0x1, v3  }
0x194: {  	v3 =	vadd.s32 $0x1, v4;
	[tilespmem:s7+$0x10] =	vst v2  }
0x195: {  	v2 =	vadd.s32 $0x1, v6;
	[tilespmem:s7+$0x0] =	vst v3  }
0x196: {  	s31 =	simm.s32 $0x0;
	[tilespmem:s7+$0xFFFFFFF0] =	vst v2  }
0x197: {  	[tilespmem:s13], [sflag:$0x1] =	stream.indirect.gather [hbm4b:s2+s12], $0x20, s31, s12, $0xb8;
	[tilespmem:$0x1CB00] =	vst v63  }
0x198: {  	s14 =	simm.s32 $0x3;
	_ =	swait.ge [sflag:s19], $0x3800  }
0x199: {  	v2 =	vmov s14;
	[sflag:s19] =	ssyncset.done $0x0  }
0x19a: {  	s10 =	simm.s32 $0x740;
	v3 =	vmov s31;
	v2 =	vand.u32 $0x1FF, v2;
	[sflag:s19] =	ssyncadd.s32 $0xFFFFC800  }
0x19b: {  	v3 =	vand.u32 $0x1FC, v3;
	v5 =	vadd.s32 v0, v2;
	v4 =	vld [tilespmem:s10+$0x20]  }
0x19c: {  	v7 =	vadd.s32 v0, v3;
	v6 =	vld [tilespmem:s10+$0xFFFFFFC0]  }
0x19d: {  	s28 =	simm.s32 $0x2  }
0x19e: {  	v9 =	vmov s28  }
0x19f: {  	s15 =	simm.s32 $0x1;
	v16 =	vand.u32 $0x1FE, v9  }
0x1a0: {  	v8 =	vmov s15;
	v12 =	vadd.s32 v0, v16;
	v9 =	vld [tilespmem:s10+$0x0];
	[tilespmem:v5+s20+$0x0] =	vst.idx.msk $0xffff, v4  }
0x1a1: {  	s29 =	simm.s32 $0x7;
	v8 =	vand.u32 $0x1FD, v8;
	v14 =	vadd.s32 v1, v2;
	[tilespmem:v7+s20+$0x0] =	vst.idx.msk $0xffff, v6;
	v6 =	vld [tilespmem:s10+$0x30]  }
0x1a2: {  	s30 =	simm.s32 $0x4;
	v11 =	vadd.s32 v0, v8;
	v10 =	vld [tilespmem:s10+$0xFFFFFFE0];
	v4 =	vmov s29  }
0x1a3: {  	s9 =	simm.s32 $0x7C0;
	v18 =	vadd.s32 v1, v3;
	s31 =	simm.s32 $0x5;
	v2 =	vmov s30;
	v4 =	vand.u32 $0x1FF, v4;
	v17 =	vld [tilespmem:s10+$0xFFFFFFD0]  }
0x1a4: {  	s14 =	simm.s32 $0x6;
	v19 =	vld [tilespmem:s9+$0x20];
	v5 =	vand.u32 $0x1FC, v2;
	v2 =	vmov s31;
	v20 =	vadd.s32 v0, v4  }
0x1a5: {  	v13 =	vld [tilespmem:s9+$0xFFFFFFC0];
	[tilespmem:v12+s20+$0x0] =	vst.idx.msk $0xffff, v9;
	v7 =	vmov s14;
	v15 =	vadd.s32 v0, v5;
	v3 =	vand.u32 $0x1FD, v2  }
0x1a6: {  	v12 =	vld [tilespmem:s9+$0xFFFFFFE0];
	v2 =	vand.u32 $0x1FE, v7;
	[tilespmem:v14+s20+$0x0] =	vst.idx.msk $0xffff, v6;
	v14 =	vadd.s32 v0, v3  }
0x1a7: {  	[tilespmem:v11+s20+$0x0] =	vst.idx.msk $0xffff, v10;
	v7 =	vld [tilespmem:s9+$0x0];
	v11 =	vadd.s32 v0, v2  }
0x1a8: {  	s15 =	simm.s32 $0xB;
	v8 =	vadd.s32 v1, v8;
	[tilespmem:v18+s20+$0x0] =	vst.idx.msk $0xffff, v17;
	v6 =	vld [tilespmem:s10+$0xFFFFFFF0]  }
0x1a9: {  	s7 =	simm.s32 $0xC;
	s14 =	simm.s32 $0x8;
	v10 =	vadd.s32 v1, v16;
	v9 =	vld [tilespmem:s10+$0x10];
	s10 =	simm.s32 $0x7C0;
	[tilespmem:v20+s20+$0x0] =	vst.idx.msk $0xffff, v19  }
.LBB2_31:
0x1aa: {  	p1 =	slt.u32 s7, $0x1BC;
	v16 =	vmov s15;
	[tilespmem:v15+s20+$0x0] =	vst.idx.msk $0xffff, v13;
	v17 =	vld [tilespmem:s9+$0x30];
	v18 =	vadd.s32 v1, v4  }
0x1ab: {  	v13 =	vmov s14;
	s15 =	sadd.s32 $0x1, s14;
	v19 =	vadd.s32 v1, v5;
	s9 =	sadd.s32 $0x80, s9;
	v4 =	vand.u32 $0x1FF, v16;
	v16 =	vld [tilespmem:s10+$0xFFFFFFD0];
	[tilespmem:v14+s20+$0x0] =	vst.idx.msk $0xffff, v12  }
0x1ac: {  	v5 =	vand.u32 $0x1FC, v13;
	v12 =	vmov s15;
	s15 =	sadd.s32 $0x2, s14;
	s14 =	smov.u32 s7;
	v20 =	vld [tilespmem:s9+$0x20];
	v21 =	vadd.s32 v0, v4;
	[tilespmem:v11+s20+$0x0] =	vst.idx.msk $0xffff, v7  }
.Ltmp16:
0x1ad: {  	v15 =	vadd.s32 v0, v5;
	v22 =	vand.u32 $0x1FD, v12;
	v7 =	vmov s15;
	v13 =	vld [tilespmem:s9+$0xFFFFFFC0];
	[tilespmem:v8+s20+$0x0] =	vst.idx.msk $0xffff, v6;
	(pc) =	sbr.rel @p1 .LBB2_31-.Ltmp16, $4  }
0x1ae: {  	v14 =	vadd.s32 v0, v22;
	v23 =	vand.u32 $0x1FE, v7;
	v12 =	vld [tilespmem:s9+$0xFFFFFFE0];
	[tilespmem:v10+s20+$0x0] =	vst.idx.msk $0xffff, v9  }
0x1af: {  	v11 =	vadd.s32 v0, v23;
	v7 =	vld [tilespmem:s9+$0x0];
	[tilespmem:v18+s20+$0x0] =	vst.idx.msk $0xffff, v17  }
0x1b0: {  	v8 =	vadd.s32 v1, v3;
	v3 =	vmov v22;
	[tilespmem:v19+s20+$0x0] =	vst.idx.msk $0xffff, v16;
	v6 =	vld [tilespmem:s10+$0xFFFFFFF0]  }
0x1b1: {  	s7 =	sadd.s32 $0x4, s7;
	s15 =	sadd.s32 $0x3, s14;
	v10 =	vadd.s32 v1, v2;
	v2 =	vmov v23;
	[tilespmem:v21+s20+$0x0] =	vst.idx.msk $0xffff, v20;
	v9 =	vld [tilespmem:s10+$0x10];
	s10 =	smov.u32 s9  }
0x1b2: {  	_ =	sdelay $0x3  }
0x1b3: {  	v16 =	vmov s15;
	[tilespmem:v15+s20+$0x0] =	vst.idx.msk $0xffff, v13;
	v46 =	vld [tilespmem:s9+$0x30];
	v4 =	vadd.s32 v1, v4  }
0x1b4: {  	v47 =	vmov s14;
	s7 =	sadd.s32 $0x1, s14;
	v5 =	vadd.s32 v1, v5;
	s28 =	sadd.s32 $0x80, s9;
	v16 =	vand.u32 $0x1FF, v16;
	v17 =	vld [tilespmem:s10+$0xFFFFFFD0];
	[tilespmem:v14+s20+$0x0] =	vst.idx.msk $0xffff, v12  }
0x1b5: {  	s29 =	sadd.s32 $0x2, s14;
	v48 =	vand.u32 $0x1FC, v47;
	v49 =	vmov s7;
	v50 =	vld [tilespmem:s28+$0x20];
	v18 =	vadd.s32 v0, v16;
	[tilespmem:v11+s20+$0x0] =	vst.idx.msk $0xffff, v7  }
0x1b6: {  	v51 =	vld [tilespmem:s28+$0xFFFFFFC0];
	v19 =	vmov s29;
	v52 =	vadd.s32 v0, v48;
	v14 =	vand.u32 $0x1FD, v49;
	[tilespmem:v8+s20+$0x0] =	vst.idx.msk $0xffff, v6  }
0x1b7: {  	v53 =	vld [tilespmem:s28+$0xFFFFFFE0];
	v19 =	vand.u32 $0x1FE, v19;
	v54 =	vadd.s32 v0, v14;
	[tilespmem:v10+s20+$0x0] =	vst.idx.msk $0xffff, v9  }
0x1b8: {  	v55 =	vld [tilespmem:s28+$0x0];
	v56 =	vadd.s32 v0, v19;
	[tilespmem:v4+s20+$0x0] =	vst.idx.msk $0xffff, v46  }
0x1b9: {  	v3 =	vadd.s32 v1, v3;
	v57 =	vld [tilespmem:s10+$0xFFFFFFF0];
	[tilespmem:v5+s20+$0x0] =	vst.idx.msk $0xffff, v17  }
0x1ba: {  	v2 =	vadd.s32 v1, v2;
	v58 =	vld [tilespmem:s10+$0x10];
	[tilespmem:v18+s20+$0x0] =	vst.idx.msk $0xffff, v50  }
0x1bb: {  	v60 =	vadd.s32 v1, v16;
	[tilespmem:v52+s20+$0x0] =	vst.idx.msk $0xffff, v51;
	v59 =	vld [tilespmem:s28+$0x30]  }
0x1bc: {  	v12 =	vadd.s32 v1, v48;
	v61 =	vld [tilespmem:s28+$0xFFFFFFD0];
	[tilespmem:v54+s20+$0x0] =	vst.idx.msk $0xffff, v53  }
0x1bd: {  	v62 =	vadd.s32 v1, v14;
	[tilespmem:v56+s20+$0x0] =	vst.idx.msk $0xffff, v55;
	v6 =	vld [tilespmem:s28+$0xFFFFFFF0]  }
0x1be: {  	v63 =	vadd.s32 v1, v19;
	[tilespmem:v3+s20+$0x0] =	vst.idx.msk $0xffff, v57;
	v3 =	vld [tilespmem:s28+$0x10]  }
0x1bf: {  	s30 =	smul.u32 $0x186A00, s8;
	[tilespmem:v2+s20+$0x0] =	vst.idx.msk $0xffff, v58  }
0x1c0: {  	[tilespmem:v60+s20+$0x0] =	vst.idx.msk $0xffff, v59  }
0x1c1: {  	s1 =	sadd.s32 s1, s30;
	[tilespmem:v12+s20+$0x0] =	vst.idx.msk $0xffff, v61  }
0x1c2: {  	s1 =	sshrl.u32 s1, $0x3;
	[tilespmem:v62+s20+$0x0] =	vst.idx.msk $0xffff, v6  }
0x1c3: {  	s31 =	simm.s32 $0xE700;
	s7 =	simm.s32 $0x720;
	s1 =	sadd.s32 s6, s1;
	[tilespmem:v63+s20+$0x0] =	vst.idx.msk $0xffff, v3  }
0x1c4: {  	[hbm4b:s1+s3] =	stream.linear.scatter [tilespmem:s31], [sflag:$0x9], $0x1C0, $0x38;
	[tilespmem:$0x1CB00] =	vst v63  }
.LBB2_33:
0x1c5: {  	p1 =	sne.s32 s7, $0xDCE0  }
.Ltmp17:
0x1c6: {  	_ = 	snop;
	(pc) =	sbr.rel @p1 .LBB2_33-.Ltmp17, $4  }
0x1c7: {  	_ = 	snop  }
0x1c8: {  	s8 =	sshra.s32 s7, $0x2;
	s7 =	sadd.s32 $0x720, s7  }
0x1c9: {  	s1 =	sadd.s32 $0x186A, s1;
	s8 =	sadd.s32 $0xE700, s8  }
0x1ca: {  	[hbm4b:s1+s3] =	stream.linear.scatter [tilespmem:s8], [sflag:$0x9], $0x1C0, $0x38;
	[tilespmem:$0x1CB00] =	vst v63  }
0x1cb: {  	s0 =	sadd.s32 $0x1, s0  }
0x1cc: {  	p1 =	sne.s32 s0, s17  }
.Ltmp18:
0x1cd: {  	_ = 	snop;
	(pc) =	sbr.rel @p1 .LBB2_28-.Ltmp18, $4  }
0x1ce: {  	_ = 	snop  }
0x1cf: {  	_ =	swait.ge [sflag:s11], $0x3800  }
0x1d0: {  	[sflag:s11] =	ssyncset.done $0x0  }
0x1d1: {  	[sflag:s11] =	ssyncadd.s32 $0xFFFFC800  }
.Ltmp19:
0x1d2: {  	(pc) =	sbr.rel @p0 .LBB2_43-.Ltmp19, $2  }
0x1d3: {  	_ =	sdelay $0x2  }
0x1d4: {  	s1 =	rddreg [dreg:$0x6]  }
0x1d5: {  	s0 =	rddreg [dreg:$0x3]  }
0x1d6: {  	[tilespmem:s3], [sflag:$0x9] =	stream.linear.gather [hbm4b:s0+s3], $0x110, $0x38;
	[tilespmem:$0x1CB00] =	vst v63  }
0x1d7: {  	_ =	swait.ge [sflag:s11], $0x110  }
0x1d8: {  	[sflag:s11] =	ssyncset.done $0x0  }
0x1d9: {  	s1 =	simm.s32 $0x20;
	[sflag:s11] =	ssyncadd.s32 $0xFFFFFEF0  }
0x1da: {  	v2 =	vld [tilespmem:s1+$0xFFFFFFE0]  }
0x1db: {  	v4 =	vld [tilespmem:s1+$0x0]  }
0x1dc: {  	v3 =	vld [tilespmem:s1+$0x10]  }
0x1dd: {  	v5 =	vld [tilespmem:s1+$0xFFFFFFF0];
	_ =	sdelay $0x1  }
0x1de: {  	s0 =	simm.s32 $0x60;
	v6 =	vadd.s32 $0x1, v2  }
0x1df: {  	v2 =	vld [tilespmem:s0+$0xFFFFFFE0];
	v7 =	vadd.s32 $0x1, v4;
	[tilespmem:s1+$0xFFFFFFE0] =	vst v6  }
0x1e0: {  	v4 =	vld [tilespmem:s0+$0x0];
	v6 =	vadd.s32 $0x1, v3;
	[tilespmem:s1+$0x0] =	vst v7  }
0x1e1: {  	s7 =	simm.s32 $0x4;
	v5 =	vadd.s32 $0x1, v5;
	v3 =	vld [tilespmem:s0+$0x10];
	[tilespmem:s1+$0x10] =	vst v6  }
.LBB2_37:
0x1e2: {  	s7 =	sadd.s32 $0x4, s7  }
0x1e3: {  	v6 =	vld [tilespmem:s0+$0xFFFFFFF0];
	[tilespmem:s1+$0xFFFFFFF0] =	vst v5;
	s1 =	smov.u32 s0;
	p1 =	slt.u32 s7, $0xC  }
.Ltmp20:
0x1e4: {  	(pc) =	sbr.rel @p1 .LBB2_37-.Ltmp20, $4  }
0x1e5: {  	s0 =	sadd.s32 $0x40, s0;
	v5 =	vadd.s32 $0x1, v2  }
0x1e6: {  	v2 =	vld [tilespmem:s0+$0xFFFFFFE0];
	[tilespmem:s1+$0xFFFFFFE0] =	vst v5;
	v5 =	vadd.s32 $0x1, v3  }
0x1e7: {  	v3 =	vld [tilespmem:s0+$0x10];
	v7 =	vadd.s32 $0x1, v4;
	[tilespmem:s1+$0x10] =	vst v5  }
0x1e8: {  	v4 =	vld [tilespmem:s0+$0x0];
	v5 =	vadd.s32 $0x1, v6;
	[tilespmem:s1+$0x0] =	vst v7  }
0x1e9: {  	v6 =	vld [tilespmem:s0+$0xFFFFFFF0];
	_ =	sdelay $0x1  }
0x1ea: {  	[tilespmem:s1+$0xFFFFFFF0] =	vst v5;
	v2 =	vadd.s32 $0x1, v2  }
0x1eb: {  	[tilespmem:s0+$0xFFFFFFE0] =	vst v2;
	v2 =	vadd.s32 $0x1, v3  }
0x1ec: {  	v3 =	vadd.s32 $0x1, v4;
	[tilespmem:s0+$0x10] =	vst v2  }
0x1ed: {  	v2 =	vadd.s32 $0x1, v6;
	[tilespmem:s0+$0x0] =	vst v3  }
0x1ee: {  	[tilespmem:s0+$0xFFFFFFF0] =	vst v2  }
0x1ef: {  	v2 =	vld [tilespmem:$0x100];
	_ =	sdelay $0x4  }
0x1f0: {  	v2 =	vadd.s32 $0x1, v2  }
0x1f1: {  	s9 =	simm.s32 $0x0;
	s10 =	simm.s32 $0x110;
	[tilespmem:$0x100] =	vst v2  }
0x1f2: {  	[tilespmem:s13], [sflag:$0x1] =	stream.indirect.gather [hbm4b:s2+s10], $0x20, s9, s10, $0xb8;
	[tilespmem:$0x1CB00] =	vst v63  }
0x1f3: {  	s14 =	simm.s32 $0x3;
	_ =	swait.ge [sflag:s19], $0x2200  }
0x1f4: {  	v2 =	vmov s14;
	[sflag:s19] =	ssyncset.done $0x0  }
0x1f5: {  	s15 =	simm.s32 $0x740;
	v3 =	vmov s9;
	v2 =	vand.u32 $0x1FF, v2;
	[sflag:s19] =	ssyncadd.s32 $0xFFFFDE00  }
0x1f6: {  	v3 =	vand.u32 $0x1FC, v3;
	v5 =	vadd.s32 v0, v2;
	v4 =	vld [tilespmem:s15+$0x20]  }
0x1f7: {  	v7 =	vadd.s32 v0, v3;
	v6 =	vld [tilespmem:s15+$0xFFFFFFC0]  }
0x1f8: {  	s29 =	simm.s32 $0x2  }
0x1f9: {  	v9 =	vmov s29  }
0x1fa: {  	s28 =	simm.s32 $0x1;
	v16 =	vand.u32 $0x1FE, v9  }
0x1fb: {  	v8 =	vmov s28;
	v12 =	vadd.s32 v0, v16;
	v9 =	vld [tilespmem:s15+$0x0];
	[tilespmem:v5+s20+$0x0] =	vst.idx.msk $0xffff, v4  }
0x1fc: {  	s30 =	simm.s32 $0x7;
	v8 =	vand.u32 $0x1FD, v8;
	v14 =	vadd.s32 v1, v2;
	[tilespmem:v7+s20+$0x0] =	vst.idx.msk $0xffff, v6;
	v6 =	vld [tilespmem:s15+$0x30]  }
0x1fd: {  	s7 =	simm.s32 $0x4;
	v11 =	vadd.s32 v0, v8;
	v10 =	vld [tilespmem:s15+$0xFFFFFFE0];
	v4 =	vmov s30  }
0x1fe: {  	s31 =	simm.s32 $0x5;
	s0 =	simm.s32 $0x7C0;
	v18 =	vadd.s32 v1, v3;
	v2 =	vmov s7;
	v4 =	vand.u32 $0x1FF, v4;
	v17 =	vld [tilespmem:s15+$0xFFFFFFD0]  }
0x1ff: {  	s8 =	simm.s32 $0x6;
	v19 =	vld [tilespmem:s0+$0x20];
	v5 =	vand.u32 $0x1FC, v2;
	v2 =	vmov s31;
	v20 =	vadd.s32 v0, v4  }
0x200: {  	v13 =	vld [tilespmem:s0+$0xFFFFFFC0];
	[tilespmem:v12+s20+$0x0] =	vst.idx.msk $0xffff, v9;
	v7 =	vmov s8;
	v15 =	vadd.s32 v0, v5;
	v3 =	vand.u32 $0x1FD, v2  }
0x201: {  	v12 =	vld [tilespmem:s0+$0xFFFFFFE0];
	v2 =	vand.u32 $0x1FE, v7;
	[tilespmem:v14+s20+$0x0] =	vst.idx.msk $0xffff, v6;
	v14 =	vadd.s32 v0, v3  }
0x202: {  	[tilespmem:v11+s20+$0x0] =	vst.idx.msk $0xffff, v10;
	v7 =	vld [tilespmem:s0+$0x0];
	v11 =	vadd.s32 v0, v2  }
0x203: {  	s1 =	simm.s32 $0x7C0;
	v8 =	vadd.s32 v1, v8;
	[tilespmem:v18+s20+$0x0] =	vst.idx.msk $0xffff, v17;
	v6 =	vld [tilespmem:s15+$0xFFFFFFF0]  }
0x204: {  	s9 =	simm.s32 $0xB;
	s7 =	simm.s32 $0xC;
	s8 =	simm.s32 $0x8;
	v10 =	vadd.s32 v1, v16;
	v9 =	vld [tilespmem:s15+$0x10];
	[tilespmem:v20+s20+$0x0] =	vst.idx.msk $0xffff, v19  }
.LBB2_39:
0x205: {  	p1 =	slt.u32 s7, $0x10C;
	v16 =	vmov s9;
	[tilespmem:v15+s20+$0x0] =	vst.idx.msk $0xffff, v13;
	v17 =	vld [tilespmem:s0+$0x30];
	v18 =	vadd.s32 v1, v4  }
0x206: {  	v13 =	vmov s8;
	s9 =	sadd.s32 $0x1, s8;
	v19 =	vadd.s32 v1, v5;
	s0 =	sadd.s32 $0x80, s0;
	v4 =	vand.u32 $0x1FF, v16;
	v16 =	vld [tilespmem:s1+$0xFFFFFFD0];
	[tilespmem:v14+s20+$0x0] =	vst.idx.msk $0xffff, v12  }
0x207: {  	v5 =	vand.u32 $0x1FC, v13;
	v12 =	vmov s9;
	s9 =	sadd.s32 $0x2, s8;
	s8 =	smov.u32 s7;
	v20 =	vld [tilespmem:s0+$0x20];
	v21 =	vadd.s32 v0, v4;
	[tilespmem:v11+s20+$0x0] =	vst.idx.msk $0xffff, v7  }
.Ltmp21:
0x208: {  	v15 =	vadd.s32 v0, v5;
	v22 =	vand.u32 $0x1FD, v12;
	v7 =	vmov s9;
	v13 =	vld [tilespmem:s0+$0xFFFFFFC0];
	[tilespmem:v8+s20+$0x0] =	vst.idx.msk $0xffff, v6;
	(pc) =	sbr.rel @p1 .LBB2_39-.Ltmp21, $4  }
0x209: {  	v14 =	vadd.s32 v0, v22;
	v23 =	vand.u32 $0x1FE, v7;
	v12 =	vld [tilespmem:s0+$0xFFFFFFE0];
	[tilespmem:v10+s20+$0x0] =	vst.idx.msk $0xffff, v9  }
0x20a: {  	v11 =	vadd.s32 v0, v23;
	v7 =	vld [tilespmem:s0+$0x0];
	[tilespmem:v18+s20+$0x0] =	vst.idx.msk $0xffff, v17  }
0x20b: {  	v8 =	vadd.s32 v1, v3;
	v3 =	vmov v22;
	[tilespmem:v19+s20+$0x0] =	vst.idx.msk $0xffff, v16;
	v6 =	vld [tilespmem:s1+$0xFFFFFFF0]  }
0x20c: {  	s7 =	sadd.s32 $0x4, s7;
	s9 =	sadd.s32 $0x3, s8;
	v10 =	vadd.s32 v1, v2;
	v2 =	vmov v23;
	[tilespmem:v21+s20+$0x0] =	vst.idx.msk $0xffff, v20;
	v9 =	vld [tilespmem:s1+$0x10];
	s1 =	smov.u32 s0  }
0x20d: {  	_ =	sdelay $0x3  }
0x20e: {  	v16 =	vmov s9;
	[tilespmem:v15+s20+$0x0] =	vst.idx.msk $0xffff, v13;
	v46 =	vld [tilespmem:s0+$0x30];
	v4 =	vadd.s32 v1, v4  }
0x20f: {  	v47 =	vmov s8;
	s7 =	sadd.s32 $0x1, s8;
	v5 =	vadd.s32 v1, v5;
	s29 =	sadd.s32 $0x80, s0;
	v16 =	vand.u32 $0x1FF, v16;
	v17 =	vld [tilespmem:s1+$0xFFFFFFD0];
	[tilespmem:v14+s20+$0x0] =	vst.idx.msk $0xffff, v12  }
0x210: {  	s30 =	sadd.s32 $0x2, s8;
	v48 =	vand.u32 $0x1FC, v47;
	v49 =	vmov s7;
	v50 =	vld [tilespmem:s29+$0x20];
	v18 =	vadd.s32 v0, v16;
	[tilespmem:v11+s20+$0x0] =	vst.idx.msk $0xffff, v7  }
0x211: {  	v51 =	vld [tilespmem:s29+$0xFFFFFFC0];
	v19 =	vmov s30;
	v52 =	vadd.s32 v0, v48;
	v14 =	vand.u32 $0x1FD, v49;
	[tilespmem:v8+s20+$0x0] =	vst.idx.msk $0xffff, v6  }
0x212: {  	v53 =	vld [tilespmem:s29+$0xFFFFFFE0];
	v19 =	vand.u32 $0x1FE, v19;
	v54 =	vadd.s32 v0, v14;
	[tilespmem:v10+s20+$0x0] =	vst.idx.msk $0xffff, v9  }
0x213: {  	v55 =	vld [tilespmem:s29+$0x0];
	v56 =	vadd.s32 v0, v19;
	[tilespmem:v4+s20+$0x0] =	vst.idx.msk $0xffff, v46  }
0x214: {  	v3 =	vadd.s32 v1, v3;
	v57 =	vld [tilespmem:s1+$0xFFFFFFF0];
	[tilespmem:v5+s20+$0x0] =	vst.idx.msk $0xffff, v17  }
0x215: {  	v2 =	vadd.s32 v1, v2;
	v58 =	vld [tilespmem:s1+$0x10];
	[tilespmem:v18+s20+$0x0] =	vst.idx.msk $0xffff, v50  }
0x216: {  	v60 =	vadd.s32 v1, v16;
	[tilespmem:v52+s20+$0x0] =	vst.idx.msk $0xffff, v51;
	v59 =	vld [tilespmem:s29+$0x30]  }
0x217: {  	v12 =	vadd.s32 v1, v48;
	v61 =	vld [tilespmem:s29+$0xFFFFFFD0];
	[tilespmem:v54+s20+$0x0] =	vst.idx.msk $0xffff, v53  }
0x218: {  	v62 =	vadd.s32 v1, v14;
	[tilespmem:v56+s20+$0x0] =	vst.idx.msk $0xffff, v55;
	v6 =	vld [tilespmem:s29+$0xFFFFFFF0]  }
0x219: {  	v63 =	vadd.s32 v1, v19;
	[tilespmem:v3+s20+$0x0] =	vst.idx.msk $0xffff, v57;
	v3 =	vld [tilespmem:s29+$0x10]  }
0x21a: {  	[tilespmem:v2+s20+$0x0] =	vst.idx.msk $0xffff, v58  }
0x21b: {  	[tilespmem:v60+s20+$0x0] =	vst.idx.msk $0xffff, v59  }
0x21c: {  	[tilespmem:v12+s20+$0x0] =	vst.idx.msk $0xffff, v61  }
0x21d: {  	[tilespmem:v62+s20+$0x0] =	vst.idx.msk $0xffff, v6  }
0x21e: {  	[tilespmem:v63+s20+$0x0] =	vst.idx.msk $0xffff, v3  }
0x21f: {  	s31 =	simm.s32 $0xE700;
	s0 =	simm.s32 $0x720;
	s1 =	rddreg [dreg:$0x4]  }
0x220: {  	[hbm4b:s1+s3] =	stream.linear.scatter [tilespmem:s31], [sflag:$0x9], $0x110, $0x38;
	[tilespmem:$0x1CB00] =	vst v63  }
.LBB2_41:
0x221: {  	p1 =	sne.s32 s0, $0xDCE0  }
.Ltmp22:
0x222: {  	_ = 	snop;
	(pc) =	sbr.rel @p1 .LBB2_41-.Ltmp22, $4  }
0x223: {  	_ = 	snop  }
0x224: {  	s7 =	sshra.s32 s0, $0x2;
	s0 =	sadd.s32 $0x720, s0  }
0x225: {  	s1 =	sadd.s32 $0x186A, s1;
	s7 =	sadd.s32 $0xE700, s7  }
0x226: {  	[hbm4b:s1+s3] =	stream.linear.scatter [tilespmem:s7], [sflag:$0x9], $0x110, $0x38;
	[tilespmem:$0x1CB00] =	vst v63  }
.Ltmp23:
0x227: {  	(pc) =	sbr.rel .LBB2_43-.Ltmp23, $4  }
0x228: {  	_ = 	snop  }
0x229: {  	_ =	swait.ge [sflag:s11], $0x2200  }
0x22a: {  	[sflag:s11] =	ssyncset.done $0x0  }
0x22b: {  	s1 =	rddreg [dreg:$0x6];
	[sflag:s11] =	ssyncadd.s32 $0xFFFFDE00  }
.LBB2_44:
0x22c: {  	_ =	sfence.sel $0x180000  }
0x22d: {  	[bflag:$0x0] =	sbarrier.arrive $0xFFFF  }
0x22e: {  	_ =	strace $0x90000047  }
0x22f: {  	s0 =	stileid.u32;
	[bflag:$0x2] =	sbarrier.arrive $0xFFFF  }
0x230: {  	p0 =	sne.s32 s0, $0x0;
	s0 =	rddreg [dreg:$0x2]  }
0x231: {  	s0 =	sadd.s32 @!p0 $0x100000, s0  }
0x232: {  	[sflag:s0] =	ssyncadd.tile.s32 @!p0 $0x1;
	_ =	shalt  }
.Lfunc_end2:
_tile_overlayer_lowered:
.L_overlay_start_2:
0x233: {  	(tag) =	ssettag $0x2  }
0x234: {  	s0 =	rddreg [dreg:$0x0];
	s2 =	stileid.u32  }
0x235: {  	s1 =	rddreg [dreg:$0x1];
	p0 =	sne.s32 s2, $0x0  }
0x236: {  	s3 =	rddreg [dreg:$0x2];
	[bflag:$0x3] =	sbarrier.arrive $0xFFFF;
	s2 =	simm.s32 @!p0 $0x1C09  }
0x237: {  	[timem:s3], [sflag:s2] =	dma.local @!p0 [hbm:s0], s1  }
0x238: {  	s0 =	simm.s32 @!p0 $0x9  }
0x239: {  	_ =	swait.ge @!p0 [sflag:s0], s1  }
0x23a: {  	s1 =	ssub.s32 @!p0 $0x0, s1;
	[sflag:s0] =	ssyncset.done @!p0 $0x0  }
0x23b: {  	[sflag:s0] =	ssyncadd.s32 @!p0 s1  }
0x23c: {  	[bflag:$0x3] =	sbarrier.arrive $0xFFFF  }
0x23d: {  	_ =	shalt  }

</sc_bundles>
